<compile_context>
chip_gen: v7x
topology: tpu7x:2x2x1
jax: 0.10.2.dev20260603
libtpu: 0.0.44.dev20260713+nightly
codegen_flags: <defaults>
</compile_context>

<pallas_src>
import jax
import jax.numpy as jnp
from jax import lax
from jax.experimental import pallas as pl
from jax.experimental.pallas import tpu as pltpu
from jax.experimental.pallas import tpu_sc as plsc

N = 10000
E = 160000
D = 128
H = 2
C = 128
ED = 32
G = 64
OUT = 128

NC = 2
NS = 16
NPA = 10240
ROWS_T = NPA // NS


BN_A = 400


def _a1_body(x_ref, wl_ref, bl_ref, wr_ref, br_ref, xl_ref, xr_ref):
    x = x_ref[...]
    xl_ref[...] = (
        jnp.dot(x, wl_ref[...], preferred_element_type=jnp.float32,
                precision=lax.Precision.HIGHEST) + bl_ref[0]
    )
    xr_ref[...] = (
        jnp.dot(x, wr_ref[...], preferred_element_type=jnp.float32,
                precision=lax.Precision.HIGHEST) + br_ref[0]
    )


def _node_tables(x, W_l, bl2, W_r, br2):
    nb = N // BN_A
    return pl.pallas_call(
        _a1_body,
        grid=(H, nb),
        in_specs=[
            pl.BlockSpec((BN_A, D), lambda h, i: (i, 0)),
            pl.BlockSpec((D, C), lambda h, i: (0, h)),
            pl.BlockSpec((1, 1, C), lambda h, i: (h, 0, 0)),
            pl.BlockSpec((D, C), lambda h, i: (0, h)),
            pl.BlockSpec((1, 1, C), lambda h, i: (h, 0, 0)),
        ],
        out_specs=[
            pl.BlockSpec((BN_A, C), lambda h, i: (h * nb + i, 0)),
            pl.BlockSpec((BN_A, C), lambda h, i: (h * nb + i, 0)),
        ],
        out_shape=[
            jax.ShapeDtypeStruct((H * N, C), jnp.float32),
            jax.ShapeDtypeStruct((H * N, C), jnp.float32),
        ],
    )(x, W_l, bl2, W_r, br2)


BE_A = 2000


def _a2_body(ea_ref, we_ref, ef_ref):
    ef_ref[...] = jnp.dot(
        ea_ref[...], we_ref[...], preferred_element_type=jnp.float32,
        precision=lax.Precision.HIGHEST)[None]


def _edge_tables(edge_attr, W_edge):
    nb = E // BE_A
    return pl.pallas_call(
        _a2_body,
        grid=(H, nb),
        in_specs=[
            pl.BlockSpec((BE_A, ED), lambda h, i: (i, 0)),
            pl.BlockSpec((ED, C), lambda h, i: (0, h)),
        ],
        out_specs=pl.BlockSpec((1, BE_A, C), lambda h, i: (h, i, 0)),
        out_shape=jax.ShapeDtypeStruct((H, E, C), jnp.float32),
    )(edge_attr, W_edge)


B_CH = 40
B_PER_W = E // (NC * NS)


def _segsum_body(dst_arr, ea, out, dst_v, ea_v, staged, zbuf, acc, sem):
    c = lax.axis_index("c")
    s = lax.axis_index("s")
    wid = s * NC + c

    def _z(j, _):
        for k in range(C // 16):
            zbuf[j, pl.ds(k * 16, 16)] = jnp.zeros((16,), jnp.float32)
        return 0
    lax.fori_loop(0, 160, _z, 0)
    for r in range(ROWS_T // 160):
        pltpu.sync_copy(zbuf.at[:], acc.at[pl.ds(s * ROWS_T + r * 160, 160)])

    def _c(j, _):
        staged[j, pl.ds(ED, 16)] = jnp.full((16,), 1.0, jnp.float32)
        for k in range(3, C // 16):
            staged[j, pl.ds(k * 16, 16)] = jnp.zeros((16,), jnp.float32)
        return 0
    lax.fori_loop(0, B_CH, _c, 0)
    plsc.subcore_barrier()

    def _chunk(t, _):
        base = wid * B_PER_W + t * B_CH
        pltpu.sync_copy(dst_arr.at[pl.ds(base, B_CH)], dst_v)
        pltpu.sync_copy(ea.at[pl.ds(base, B_CH)], ea_v)

        def _e(j, _):
            for k in range(ED // 16):
                staged[j, pl.ds(k * 16, 16)] = ea_v[j, pl.ds(k * 16, 16)]
            return 0
        lax.fori_loop(0, B_CH, _e, 0)
        pltpu.sync_copy(staged.at[:], acc.at[dst_v], add=True)
        return 0

    lax.fori_loop(0, B_PER_W // B_CH, _chunk, 0)
    plsc.subcore_barrier()
    for r in range(ROWS_T // 160):
        pltpu.sync_copy(acc.at[pl.ds(s * ROWS_T + r * 160, 160)],
                        out.at[c, pl.ds(s * ROWS_T + r * 160, 160)])


def _segsum_attr(dst_arr, edge_attr):
    mesh = plsc.VectorSubcoreMesh(core_axis_name="c", subcore_axis_name="s",
                                  num_cores=NC, num_subcores=NS)
    return pl.kernel(
        _segsum_body,
        out_type=jax.ShapeDtypeStruct((NC, NPA, C), jnp.float32),
        mesh=mesh,
        scratch_types=[
            pltpu.VMEM((B_CH,), jnp.int32),
            pltpu.VMEM((B_CH, ED), jnp.float32),
            pltpu.VMEM((B_CH, C), jnp.float32),
            pltpu.VMEM((160, C), jnp.float32),
            pltpu.VMEM_SHARED((NPA, C), jnp.float32),
            pltpu.SemaphoreType.DMA,
        ],
    )(dst_arr, edge_attr)


C_CH = 80
C_PER_T = E // NS


def _pass1_body(src_adj, dst_adj, xl, xr, out_l, out_r,
                src_v, dst_v, xl_v, xr_v, sem, sem2):
    c = lax.axis_index("c")
    s = lax.axis_index("s")

    def _chunk(t, _):
        base = s * C_PER_T + t * C_CH
        pltpu.sync_copy(src_adj.at[pl.ds(c * E + base, C_CH)], src_v)
        pltpu.sync_copy(dst_adj.at[pl.ds(c * E + base, C_CH)], dst_v)
        pltpu.async_copy(xl.at[src_v], xl_v, sem).wait()
        pltpu.async_copy(xr.at[dst_v], xr_v, sem2).wait()
        pltpu.sync_copy(xl_v.at[:], out_l.at[c, pl.ds(base, C_CH)])
        pltpu.sync_copy(xr_v.at[:], out_r.at[c, pl.ds(base, C_CH)])
        return 0

    lax.fori_loop(0, C_PER_T // C_CH, _chunk, 0)


def _edge_pass1(src_adj, dst_adj, xl, xr):
    mesh = plsc.VectorSubcoreMesh(core_axis_name="c", subcore_axis_name="s",
                                  num_cores=NC, num_subcores=NS)
    return pl.kernel(
        _pass1_body,
        out_type=[
            jax.ShapeDtypeStruct((NC, E, C), jnp.float32),
            jax.ShapeDtypeStruct((NC, E, C), jnp.float32),
        ],
        mesh=mesh,
        scratch_types=[
            pltpu.VMEM((C_CH,), jnp.int32),
            pltpu.VMEM((C_CH,), jnp.int32),
            pltpu.VMEM((C_CH, C), jnp.float32),
            pltpu.VMEM((C_CH, C), jnp.float32),
            pltpu.SemaphoreType.DMA,
            pltpu.SemaphoreType.DMA,
        ],
    )(src_adj, dst_adj, xl, xr)


BE_T = 2000


def _scale_body(xlr_ref, xrr_ref, ef_ref, att_ref, dst_ref, msg_ref, srw_ref):
    h = pl.program_id(0)
    z = xlr_ref[0] + xrr_ref[0] + ef_ref[0]
    z = jnp.where(z >= 0.0, z, 0.2 * z)
    l = jnp.sum(z * att_ref[pl.ds(h, 1)], axis=1)
    ev = jnp.exp(l)
    msg_ref[...] = (ev[:, None] * xlr_ref[0])[None]
    blk = lax.rem(dst_ref[0].reshape(BE_T, 1), 8)
    colblk = lax.broadcasted_iota(jnp.int32, (BE_T, C), 1) // 16
    mask = (colblk == blk).astype(jnp.float32)
    srw_ref[...] = (mask * ev[:, None])[None]


def _edge_scale(xlrow, xrrow, ef, att, dst3):
    nb = E // BE_T
    return pl.pallas_call(
        _scale_body,
        grid=(H, nb),
        in_specs=[
            pl.BlockSpec((1, BE_T, C), lambda h, i: (h, i, 0)),
            pl.BlockSpec((1, BE_T, C), lambda h, i: (h, i, 0)),
            pl.BlockSpec((1, BE_T, C), lambda h, i: (h, i, 0)),
            pl.BlockSpec((H, C), lambda h, i: (0, 0)),
            pl.BlockSpec((1, 1, BE_T), lambda h, i: (i, 0, 0)),
        ],
        out_specs=[
            pl.BlockSpec((1, BE_T, C), lambda h, i: (h, i, 0)),
            pl.BlockSpec((1, BE_T, C), lambda h, i: (h, i, 0)),
        ],
        out_shape=[
            jax.ShapeDtypeStruct((H, E, C), jnp.float32),
            jax.ShapeDtypeStruct((H, E, C), jnp.float32),
        ],
    )(xlrow, xrrow, ef, att, dst3)


NSROWS = NPA // 8
SROWS_T = NSROWS // NS


def _pass2_body(dst_arr, dsthi_arr, msgr, srowsr, out_n, out_s,
                dst_v, dsthi_v, msg_v, srw_v, zbuf, acc, s_acc, sem):
    c = lax.axis_index("c")
    s = lax.axis_index("s")

    def _z(j, _):
        for k in range(C // 16):
            zbuf[j, pl.ds(k * 16, 16)] = jnp.zeros((16,), jnp.float32)
        return 0
    lax.fori_loop(0, 40, _z, 0)
    for r in range(ROWS_T // 40):
        pltpu.sync_copy(zbuf.at[:], acc.at[pl.ds(s * ROWS_T + r * 40, 40)])
    for r in range(SROWS_T // 40):
        pltpu.sync_copy(zbuf.at[:], s_acc.at[pl.ds(s * SROWS_T + r * 40, 40)])
    plsc.subcore_barrier()

    def _chunk(t, _):
        base = s * C_PER_T + t * C_CH
        pltpu.sync_copy(dst_arr.at[pl.ds(base, C_CH)], dst_v)
        pltpu.sync_copy(dsthi_arr.at[pl.ds(base, C_CH)], dsthi_v)
        pltpu.sync_copy(msgr.at[c, pl.ds(base, C_CH)], msg_v)
        pltpu.sync_copy(srowsr.at[c, pl.ds(base, C_CH)], srw_v)
        pltpu.sync_copy(msg_v.at[:], acc.at[dst_v], add=True)
        pltpu.sync_copy(srw_v.at[:], s_acc.at[dsthi_v], add=True)
        return 0

    lax.fori_loop(0, C_PER_T // C_CH, _chunk, 0)
    plsc.subcore_barrier()
    for r in range(ROWS_T // 40):
        pltpu.sync_copy(acc.at[pl.ds(s * ROWS_T + r * 40, 40)],
                        out_n.at[c, pl.ds(s * ROWS_T + r * 40, 40)])
    for r in range(SROWS_T // 40):
        pltpu.sync_copy(s_acc.at[pl.ds(s * SROWS_T + r * 40, 40)],
                        out_s.at[c, pl.ds(s * SROWS_T + r * 40, 40)])


def _edge_pass2(dst_arr, dsthi_arr, msgr, srowsr):
    mesh = plsc.VectorSubcoreMesh(core_axis_name="c", subcore_axis_name="s",
                                  num_cores=NC, num_subcores=NS)
    return pl.kernel(
        _pass2_body,
        out_type=[
            jax.ShapeDtypeStruct((NC, NPA, C), jnp.float32),
            jax.ShapeDtypeStruct((NC, NSROWS, C), jnp.float32),
        ],
        mesh=mesh,
        scratch_types=[
            pltpu.VMEM((C_CH,), jnp.int32),
            pltpu.VMEM((C_CH,), jnp.int32),
            pltpu.VMEM((C_CH, C), jnp.float32),
            pltpu.VMEM((C_CH, C), jnp.float32),
            pltpu.VMEM((40, C), jnp.float32),
            pltpu.VMEM_SHARED((NPA, C), jnp.float32),
            pltpu.VMEM_SHARED((NSROWS, C), jnp.float32),
            pltpu.SemaphoreType.DMA,
        ],
    )(dst_arr, dsthi_arr, msgr, srowsr)


def _edge_sweep(dst_arr, src_adj, dst_adj, ef, xl, xr, att, dst3, dst_hi):
    xlrow, xrrow = _edge_pass1(src_adj, dst_adj, xl, xr)
    msgr, srowsr = _edge_scale(xlrow, xrrow, ef, att, dst3)
    return _edge_pass2(dst_arr, dst_hi, msgr, srowsr)


BN_D = 400


def _epilogue_body(xl_ref, xr_ref, partb_ref, nums_ref, sv_ref, we_ref,
                   att_ref, bias_ref, batch_ref, wproj_ref, bproj_ref,
                   out_ref, pooled_acc, cnt_acc):
    i = pl.program_id(0)
    nb = N // BN_D

    @pl.when(i == 0)
    def _init():
        pooled_acc[...] = jnp.zeros_like(pooled_acc)
        cnt_acc[...] = jnp.zeros_like(cnt_acc)

    attr_sum = partb_ref[0, :, :ED] + partb_ref[1, :, :ED]
    deg = partb_ref[0, :, ED] + partb_ref[1, :, ED]
    loop_attr = attr_sum / jnp.clip(deg, 1.0)[:, None]
    loop_ef = jnp.dot(loop_attr, we_ref[...],
                      preferred_element_type=jnp.float32,
                      precision=lax.Precision.HIGHEST)

    outs = []
    for h in range(H):
        z = xl_ref[h] + xr_ref[h] + loop_ef[:, h * C:(h + 1) * C]
        z = jnp.where(z >= 0.0, z, 0.2 * z)
        l = jnp.sum(z * att_ref[h][None, :], axis=1)
        e = jnp.exp(l)
        ssum = sv_ref[h, 0, 0] + e
        num = nums_ref[h] + e[:, None] * xl_ref[h]
        o = num / (ssum + 1e-16)[:, None] + bias_ref[h][None, :]
        outs.append(jnp.maximum(o, 0.0))
    out_blk = jnp.concatenate(outs, axis=1)

    seg = batch_ref[0]
    gids = lax.broadcasted_iota(jnp.int32, (G, BN_D), 0)
    mask = (seg == gids).astype(jnp.float32)
    pooled_acc[...] += jnp.dot(mask, out_blk,
                               preferred_element_type=jnp.float32,
                               precision=lax.Precision.HIGHEST)
    cnt_acc[...] += jnp.broadcast_to(
        jnp.sum(mask, axis=1, keepdims=True), (G, C))

    @pl.when(i == nb - 1)
    def _final():
        cnt = jnp.clip(cnt_acc[:, 0:1], 1.0)
        pooled = pooled_acc[...] / cnt
        out_ref[...] = jnp.dot(pooled, wproj_ref[...],
                               preferred_element_type=jnp.float32,
                               precision=lax.Precision.HIGHEST) + bproj_ref[...]


def _epilogue(xl3, xr3, partb, nums, svals, W_edge, att, bias2, batch3,
              W_proj, bp2):
    nb = N // BN_D
    return pl.pallas_call(
        _epilogue_body,
        grid=(nb,),
        in_specs=[
            pl.BlockSpec((H, BN_D, C), lambda i: (0, i, 0)),
            pl.BlockSpec((H, BN_D, C), lambda i: (0, i, 0)),
            pl.BlockSpec((H, BN_D, C), lambda i: (0, i, 0)),
            pl.BlockSpec((H, BN_D, C), lambda i: (0, i, 0)),
            pl.BlockSpec((H, 1, 1, BN_D), lambda i: (0, i, 0, 0)),
            pl.BlockSpec((ED, H * C), lambda i: (0, 0)),
            pl.BlockSpec((H, C), lambda i: (0, 0)),
            pl.BlockSpec((H, C), lambda i: (0, 0)),
            pl.BlockSpec((1, 1, BN_D), lambda i: (i, 0, 0)),
            pl.BlockSpec((H * C, OUT), lambda i: (0, 0)),
            pl.BlockSpec((1, OUT), lambda i: (0, 0)),
        ],
        out_specs=pl.BlockSpec((G, OUT), lambda i: (0, 0)),
        out_shape=jax.ShapeDtypeStruct((G, OUT), jnp.float32),
        scratch_shapes=[
            pltpu.VMEM((G, H * C), jnp.float32),
            pltpu.VMEM((G, C), jnp.float32),
        ],
    )(xl3, xr3, partb, nums, svals, W_edge, att, bias2, batch3, W_proj, bp2)


def kernel(x, edge_index, edge_attr, batch, W_l, b_l, W_r, b_r, W_edge,
           att, bias_gat, W_proj, b_proj):
    bl2 = b_l.reshape(H, 1, C)
    br2 = b_r.reshape(H, 1, C)
    bias2 = bias_gat.reshape(H, C)
    bp2 = b_proj.reshape(1, OUT)
    batch3 = batch.reshape(N // BN_D, 1, BN_D)
    src = edge_index[0]
    dst = edge_index[1]
    src_adj = jnp.concatenate([src, src + N])
    dst_adj = jnp.concatenate([dst, dst + N])
    dst3 = dst.reshape(E // BE_T, 1, BE_T)
    dst_hi = dst // 8

    xl, xr = _node_tables(x, W_l, bl2, W_r, br2)
    ef = _edge_tables(edge_attr, W_edge)
    partb = _segsum_attr(dst, edge_attr)
    nums, spacked = _edge_sweep(dst, src_adj, dst_adj, ef, xl, xr, att,
                                dst3, dst_hi)
    s_nodes = spacked.reshape(NC, NSROWS, 8, 16)[:, :, :, 0].reshape(NC, NPA)
    svals = jnp.concatenate(
        [s_nodes, jnp.zeros((NC, 12800 - NPA), jnp.float32)], axis=1
    ).reshape(NC, 12800 // BN_D, 1, BN_D)

    xl3 = xl.reshape(H, N, C)
    xr3 = xr.reshape(H, N, C)
    return _epilogue(xl3, xr3, partb, nums, svals, W_edge, att, bias2,
                     batch3, W_proj, bp2)

# --- scband reference (transcript-rebuilt; emitter-appended) ---
"""Pipeline reference for scband-gnn-15427522527631 (READ-ONLY COPY).

The authoritative reference and input builder live on the scoring server;
editing this copy changes nothing except your own understanding.
"""

import jax, jax.numpy as jnp
import numpy as np

N = 10000
E = 160000
D = 128
H = 2
C = 128
ED = 32
G = 64
OUT = 128


def _glorot(key, shape):
    lim = np.sqrt(6.0 / (shape[0] + shape[1]))
    return jax.random.uniform(key, shape, dtype=jnp.float32, minval=-lim, maxval=lim)


def setup_inputs(seed: int = 0) -> dict:
    key = jax.random.key(seed)
    ks = jax.random.split(key, 12)
    x = jax.random.normal(ks[0], (N, D), dtype=jnp.float32)
    edge_index = jax.random.randint(ks[1], (2, E), 0, N, dtype=jnp.int32)
    edge_attr = jax.random.normal(ks[2], (E, ED), dtype=jnp.float32)
    batch = jnp.sort(jax.random.randint(ks[3], (N,), 0, G, dtype=jnp.int32))
    W_l = _glorot(ks[4], (D, H * C))
    b_l = jnp.zeros((H * C,), jnp.float32)
    W_r = _glorot(ks[5], (D, H * C))
    b_r = jnp.zeros((H * C,), jnp.float32)
    W_edge = _glorot(ks[6], (ED, H * C))
    att = _glorot(ks[7], (H, C))
    bias_gat = jnp.zeros((H * C,), jnp.float32)
    W_proj = _glorot(ks[8], (H * C, OUT))
    b_proj = jnp.zeros((OUT,), jnp.float32)
    return {"x": x, "edge_index": edge_index, "edge_attr": edge_attr, "batch": batch,
            "W_l": W_l, "b_l": b_l, "W_r": W_r, "b_r": b_r, "W_edge": W_edge,
            "att": att, "bias_gat": bias_gat, "W_proj": W_proj, "b_proj": b_proj}


def _segment_softmax(logits, seg, num_segments):
    m = jax.ops.segment_max(logits, seg, num_segments=num_segments)
    m = jnp.where(jnp.isfinite(m), m, 0.0)
    ex = jnp.exp(logits - m[seg])
    s = jax.ops.segment_sum(ex, seg, num_segments=num_segments)
    return ex / (s[seg] + 1e-16)


def reference(x, edge_index, edge_attr, batch, W_l, b_l, W_r, b_r, W_edge, att, bias_gat, W_proj, b_proj):
    src, dst = edge_index[0], edge_index[1]
    # add_self_loops with fill_value='mean' (PyG GATv2Conv default add_self_loops=True)
    deg = jax.ops.segment_sum(jnp.ones((E,), jnp.float32), dst, num_segments=N)
    loop_attr = jax.ops.segment_sum(edge_attr, dst, num_segments=N) / jnp.clip(deg, 1.0)[:, None]
    loop = jnp.arange(N, dtype=src.dtype)
    src_f = jnp.concatenate([src, loop])
    dst_f = jnp.concatenate([dst, loop])
    ea_f = jnp.concatenate([edge_attr, loop_attr], axis=0)
    # GATv2: separate linear transforms for source / target
    x_l = (x @ W_l + b_l).reshape(N, H, C)
    x_r = (x @ W_r + b_r).reshape(N, H, C)
    ef = (ea_f @ W_edge).reshape(-1, H, C)
    msg_in = x_l[src_f] + x_r[dst_f] + ef
    msg_in = jax.nn.leaky_relu(msg_in, 0.2)
    alpha = jnp.einsum('ehc,hc->eh', msg_in, att)
    alpha = _segment_softmax(alpha, dst_f, N)
    msg = x_l[src_f] * alpha[:, :, None]
    out = jax.ops.segment_sum(msg, dst_f, num_segments=N).reshape(N, H * C) + bias_gat
    out = jax.nn.relu(out)
    # dropout is identity at inference
    cnt = jax.ops.segment_sum(jnp.ones((N,), jnp.float32), batch, num_segments=G)
    pooled = jax.ops.segment_sum(out, batch, num_segments=G) / jnp.clip(cnt, 1.0)[:, None]
    return pooled @ W_proj + b_proj

if __name__ == "__main__":
    import jax
    _d = setup_inputs()
    print(jax.jit(kernel)(*tuple(_d.values())))

</pallas_src>

<mosaic_0001>
#map = affine_map<(d0, d1) -> (0)>
#map1 = affine_map<(d0, d1) -> (0, 0)>
#map2 = affine_map<(d0, d1) -> (0, 0, 0)>
module attributes {stable_mosaic.version = 14 : i64} {
  func.func @_segsum_body(%arg0: i32, %arg1: i32, %arg2: memref<160000xi32, #tpu.memory_space<hbm>>, %arg3: memref<160000x32xf32, #tpu.memory_space<hbm>>, %arg4: memref<2x10240x128xf32, #tpu.memory_space<hbm>>, %arg5: memref<40xi32, #tpu.memory_space<vmem>>, %arg6: memref<40x32xf32, #tpu.memory_space<vmem>>, %arg7: memref<40x128xf32, #tpu.memory_space<vmem>>, %arg8: memref<160x128xf32, #tpu.memory_space<vmem>>, %arg9: memref<10240x128xf32, #tpu.memory_space<vmem_shared>>, %arg10: memref<!tpu.dma_semaphore, #tpu.memory_space<semaphore_mem>>) attributes {dimension_semantics = [#tpu.dimension_semantics<core_parallel>, #tpu.dimension_semantics<subcore_parallel>], iteration_bounds = array<i64: 2, 16>, scalar_prefetch = 0 : i64, scratch_operands = 6 : i64, tpu.core_type = #tpu.core_type<sc_vector_subcore>, window_params = [{transform_indices = #map}, {transform_indices = #map1}, {transform_indices = #map2}]} {
    %mul3A = arith.constant 2 : i32
    %mul3A_0 = arith.muli %arg1, %mul3A : i32
    %add3A = arith.addi %mul3A_0, %arg0 : i32
    %scan3A = arith.constant 0 : i32
    %scan3A_1 = arith.constant 0 : i32
    %scan3A_2 = arith.constant 160 : i32
    %scan3A_3 = arith.addi %scan3A_1, %scan3A_2 : i32
    %scan3A_4 = arith.constant 1 : i32
    %scan3A_5 = scf.for %scan3A_70 = %scan3A_1 to %scan3A_3 step %scan3A_4 iter_args(%scan3A_71 = %scan3A) -> (i32)  : i32 {
      %broadcast_in_dim3A = arith.constant 0.000000e+00 : f32
      %broadcast_in_dim3A_72 = vector.broadcast %broadcast_in_dim3A : f32 to vector<16xf32>
      %swap3A = arith.index_cast %scan3A_70 : i32 to index
      %swap3A_73 = arith.constant 0 : index
      %swap3A_74 = tpu.vector_load %arg8[%swap3A, %swap3A_73] {strides = array<i32>} : memref<160x128xf32, #tpu.memory_space<vmem>>, vector<1x16xf32>,
      %swap3A_75 = vector.shape_cast %swap3A_74 : vector<1x16xf32> to vector<16xf32>
      %swap3A_76 = vector.shape_cast %broadcast_in_dim3A_72 : vector<16xf32> to vector<1x16xf32>
      tpu.vector_store %arg8[%swap3A, %swap3A_73], %swap3A_76 {strides = array<i32>} : memref<160x128xf32, #tpu.memory_space<vmem>>, vector<1x16xf32>,
      %broadcast_in_dim3A_77 = arith.constant 0.000000e+00 : f32
      %broadcast_in_dim3A_78 = vector.broadcast %broadcast_in_dim3A_77 : f32 to vector<16xf32>
      %swap3A_79 = arith.index_cast %scan3A_70 : i32 to index
      %swap3A_80 = arith.constant 16 : index
      %swap3A_81 = tpu.vector_load %arg8[%swap3A_79, %swap3A_80] {strides = array<i32>} : memref<160x128xf32, #tpu.memory_space<vmem>>, vector<1x16xf32>,
      %swap3A_82 = vector.shape_cast %swap3A_81 : vector<1x16xf32> to vector<16xf32>
      %swap3A_83 = vector.shape_cast %broadcast_in_dim3A_78 : vector<16xf32> to vector<1x16xf32>
      tpu.vector_store %arg8[%swap3A_79, %swap3A_80], %swap3A_83 {strides = array<i32>} : memref<160x128xf32, #tpu.memory_space<vmem>>, vector<1x16xf32>,
      %broadcast_in_dim3A_84 = arith.constant 0.000000e+00 : f32
      %broadcast_in_dim3A_85 = vector.broadcast %broadcast_in_dim3A_84 : f32 to vector<16xf32>
      %swap3A_86 = arith.index_cast %scan3A_70 : i32 to index
      %swap3A_87 = arith.constant 32 : index
      %swap3A_88 = tpu.vector_load %arg8[%swap3A_86, %swap3A_87] {strides = array<i32>} : memref<160x128xf32, #tpu.memory_space<vmem>>, vector<1x16xf32>,
      %swap3A_89 = vector.shape_cast %swap3A_88 : vector<1x16xf32> to vector<16xf32>
      %swap3A_90 = vector.shape_cast %broadcast_in_dim3A_85 : vector<16xf32> to vector<1x16xf32>
      tpu.vector_store %arg8[%swap3A_86, %swap3A_87], %swap3A_90 {strides = array<i32>} : memref<160x128xf32, #tpu.memory_space<vmem>>, vector<1x16xf32>,
      %broadcast_in_dim3A_91 = arith.constant 0.000000e+00 : f32
      %broadcast_in_dim3A_92 = vector.broadcast %broadcast_in_dim3A_91 : f32 to vector<16xf32>
      %swap3A_93 = arith.index_cast %scan3A_70 : i32 to index
      %swap3A_94 = arith.constant 48 : index
      %swap3A_95 = tpu.vector_load %arg8[%swap3A_93, %swap3A_94] {strides = array<i32>} : memref<160x128xf32, #tpu.memory_space<vmem>>, vector<1x16xf32>,
      %swap3A_96 = vector.shape_cast %swap3A_95 : vector<1x16xf32> to vector<16xf32>
      %swap3A_97 = vector.shape_cast %broadcast_in_dim3A_92 : vector<16xf32> to vector<1x16xf32>
      tpu.vector_store %arg8[%swap3A_93, %swap3A_94], %swap3A_97 {strides = array<i32>} : memref<160x128xf32, #tpu.memory_space<vmem>>, vector<1x16xf32>,
      %broadcast_in_dim3A_98 = arith.constant 0.000000e+00 : f32
      %broadcast_in_dim3A_99 = vector.broadcast %broadcast_in_dim3A_98 : f32 to vector<16xf32>
      %swap3A_100 = arith.index_cast %scan3A_70 : i32 to index
      %swap3A_101 = arith.constant 64 : index
      %swap3A_102 = tpu.vector_load %arg8[%swap3A_100, %swap3A_101] {strides = array<i32>} : memref<160x128xf32, #tpu.memory_space<vmem>>, vector<1x16xf32>,
      %swap3A_103 = vector.shape_cast %swap3A_102 : vector<1x16xf32> to vector<16xf32>
      %swap3A_104 = vector.shape_cast %broadcast_in_dim3A_99 : vector<16xf32> to vector<1x16xf32>
      tpu.vector_store %arg8[%swap3A_100, %swap3A_101], %swap3A_104 {strides = array<i32>} : memref<160x128xf32, #tpu.memory_space<vmem>>, vector<1x16xf32>,
      %broadcast_in_dim3A_105 = arith.constant 0.000000e+00 : f32
      %broadcast_in_dim3A_106 = vector.broadcast %broadcast_in_dim3A_105 : f32 to vector<16xf32>
      %swap3A_107 = arith.index_cast %scan3A_70 : i32 to index
      %swap3A_108 = arith.constant 80 : index
      %swap3A_109 = tpu.vector_load %arg8[%swap3A_107, %swap3A_108] {strides = array<i32>} : memref<160x128xf32, #tpu.memory_space<vmem>>, vector<1x16xf32>,
      %swap3A_110 = vector.shape_cast %swap3A_109 : vector<1x16xf32> to vector<16xf32>
      %swap3A_111 = vector.shape_cast %broadcast_in_dim3A_106 : vector<16xf32> to vector<1x16xf32>
      tpu.vector_store %arg8[%swap3A_107, %swap3A_108], %swap3A_111 {strides = array<i32>} : memref<160x128xf32, #tpu.memory_space<vmem>>, vector<1x16xf32>,
      %broadcast_in_dim3A_112 = arith.constant 0.000000e+00 : f32
      %broadcast_in_dim3A_113 = vector.broadcast %broadcast_in_dim3A_112 : f32 to vector<16xf32>
      %swap3A_114 = arith.index_cast %scan3A_70 : i32 to index
      %swap3A_115 = arith.constant 96 : index
      %swap3A_116 = tpu.vector_load %arg8[%swap3A_114, %swap3A_115] {strides = array<i32>} : memref<160x128xf32, #tpu.memory_space<vmem>>, vector<1x16xf32>,
      %swap3A_117 = vector.shape_cast %swap3A_116 : vector<1x16xf32> to vector<16xf32>
      %swap3A_118 = vector.shape_cast %broadcast_in_dim3A_113 : vector<16xf32> to vector<1x16xf32>
      tpu.vector_store %arg8[%swap3A_114, %swap3A_115], %swap3A_118 {strides = array<i32>} : memref<160x128xf32, #tpu.memory_space<vmem>>, vector<1x16xf32>,
      %broadcast_in_dim3A_119 = arith.constant 0.000000e+00 : f32
      %broadcast_in_dim3A_120 = vector.broadcast %broadcast_in_dim3A_119 : f32 to vector<16xf32>
      %swap3A_121 = arith.index_cast %scan3A_70 : i32 to index
      %swap3A_122 = arith.constant 112 : index
      %swap3A_123 = tpu.vector_load %arg8[%swap3A_121, %swap3A_122] {strides = array<i32>} : memref<160x128xf32, #tpu.memory_space<vmem>>, vector<1x16xf32>,
      %swap3A_124 = vector.shape_cast %swap3A_123 : vector<1x16xf32> to vector<16xf32>
      %swap3A_125 = vector.shape_cast %broadcast_in_dim3A_120 : vector<16xf32> to vector<1x16xf32>
      tpu.vector_store %arg8[%swap3A_121, %swap3A_122], %swap3A_125 {strides = array<i32>} : memref<160x128xf32, #tpu.memory_space<vmem>>, vector<1x16xf32>,
      %scan3A_126 = arith.constant 0 : i32
      scf.yield %scan3A_126 : i32
    }
    %scan3A_6 = arith.constant 160 : i32
    %mul3A_7 = arith.constant 640 : i32
    %mul3A_8 = arith.muli %arg1, %mul3A_7 : i32
    %add3A_9 = arith.constant 0 : i32
    %add3A_10 = arith.addi %mul3A_8, %add3A_9 : i32
    "tpu.region"() ({
      %run_scoped3A = tpu.sem_alloc : memref<!tpu.dma_semaphore, #tpu.memory_space<semaphore_mem>>
      %dma_start3A = arith.constant 0 : i32
      %dma_start3A_70 = arith.constant 0 : i32
      %dma_start3A_71 = tpu.memref_slice %arg8[%dma_start3A, %dma_start3A_70] : memref<160x128xf32, #tpu.memory_space<vmem>> -> memref<160x128xf32, #tpu.memory_space<vmem>>
      %dma_start3A_72 = arith.constant 0 : i32
      %dma_start3A_73 = tpu.memref_slice %arg9[%add3A_10, %dma_start3A_72] : memref<10240x128xf32, #tpu.memory_space<vmem_shared>> -> memref<160x128xf32, #tpu.memory_space<vmem_shared>>
      %dma_start3A_74 = arith.constant 0 : i32
      %dma_start3A_75 = tpu.memref_slice %arg9[%add3A_10, %dma_start3A_74] : memref<10240x128xf32, #tpu.memory_space<vmem_shared>> -> memref<160x128xf32, #tpu.memory_space<vmem_shared>>
      %dma_start3A_76 = arith.constant 0 : i32
      %dma_start3A_77 = arith.constant 0 : i32
      %dma_start3A_78 = tpu.memref_slice %arg8[%dma_start3A_76, %dma_start3A_77] : memref<160x128xf32, #tpu.memory_space<vmem>> -> memref<160x128xf32, #tpu.memory_space<vmem>>
      tpu.enqueue_dma source(%dma_start3A_78 : memref<160x128xf32, #tpu.memory_space<vmem>>) target(%dma_start3A_75 : memref<160x128xf32, #tpu.memory_space<vmem_shared>>) target_semaphore(%run_scoped3A : memref<!tpu.dma_semaphore, #tpu.memory_space<semaphore_mem>>)
      %dma_wait3A = arith.constant 0 : i32
      %dma_wait3A_79 = arith.constant 0 : i32
      %dma_wait3A_80 = tpu.memref_slice %arg8[%dma_wait3A, %dma_wait3A_79] : memref<160x128xf32, #tpu.memory_space<vmem>> -> memref<160x128xf32, #tpu.memory_space<vmem>>
      %dma_wait3A_81 = arith.constant 0 : i32
      %dma_wait3A_82 = tpu.memref_slice %arg9[%add3A_10, %dma_wait3A_81] : memref<10240x128xf32, #tpu.memory_space<vmem_shared>> -> memref<160x128xf32, #tpu.memory_space<vmem_shared>>
      %dma_wait3A_83 = arith.constant 0 : i32
      %dma_wait3A_84 = tpu.memref_slice %arg9[%add3A_10, %dma_wait3A_83] : memref<10240x128xf32, #tpu.memory_space<vmem_shared>> -> memref<160x128xf32, #tpu.memory_space<vmem_shared>>
      %dma_wait3A_85 = arith.constant 0 : i32
      %dma_wait3A_86 = arith.constant 0 : i32
      %dma_wait3A_87 = tpu.memref_slice %arg8[%dma_wait3A_85, %dma_wait3A_86] : memref<160x128xf32, #tpu.memory_space<vmem>> -> memref<160x128xf32, #tpu.memory_space<vmem>>
      tpu.wait_dma2 semaphore(%run_scoped3A : memref<!tpu.dma_semaphore, #tpu.memory_space<semaphore_mem>>) src(%dma_wait3A_87 : memref<160x128xf32, #tpu.memory_space<vmem>>) dst(%dma_wait3A_84 : memref<160x128xf32, #tpu.memory_space<vmem_shared>>)
      tpu.yield
    }) : () -> ()
    %mul3A_11 = arith.constant 640 : i32
    %mul3A_12 = arith.muli %arg1, %mul3A_11 : i32
    %add3A_13 = arith.constant 160 : i32
    %add3A_14 = arith.addi %mul3A_12, %add3A_13 : i32
    "tpu.region"() ({
      %run_scoped3A = tpu.sem_alloc : memref<!tpu.dma_semaphore, #tpu.memory_space<semaphore_mem>>
      %dma_start3A = arith.constant 0 : i32
      %dma_start3A_70 = arith.constant 0 : i32
      %dma_start3A_71 = tpu.memref_slice %arg8[%dma_start3A, %dma_start3A_70] : memref<160x128xf32, #tpu.memory_space<vmem>> -> memref<160x128xf32, #tpu.memory_space<vmem>>
      %dma_start3A_72 = arith.constant 0 : i32
      %dma_start3A_73 = tpu.memref_slice %arg9[%add3A_14, %dma_start3A_72] : memref<10240x128xf32, #tpu.memory_space<vmem_shared>> -> memref<160x128xf32, #tpu.memory_space<vmem_shared>>
      %dma_start3A_74 = arith.constant 0 : i32
      %dma_start3A_75 = tpu.memref_slice %arg9[%add3A_14, %dma_start3A_74] : memref<10240x128xf32, #tpu.memory_space<vmem_shared>> -> memref<160x128xf32, #tpu.memory_space<vmem_shared>>
      %dma_start3A_76 = arith.constant 0 : i32
      %dma_start3A_77 = arith.constant 0 : i32
      %dma_start3A_78 = tpu.memref_slice %arg8[%dma_start3A_76, %dma_start3A_77] : memref<160x128xf32, #tpu.memory_space<vmem>> -> memref<160x128xf32, #tpu.memory_space<vmem>>
      tpu.enqueue_dma source(%dma_start3A_78 : memref<160x128xf32, #tpu.memory_space<vmem>>) target(%dma_start3A_75 : memref<160x128xf32, #tpu.memory_space<vmem_shared>>) target_semaphore(%run_scoped3A : memref<!tpu.dma_semaphore, #tpu.memory_space<semaphore_mem>>)
      %dma_wait3A = arith.constant 0 : i32
      %dma_wait3A_79 = arith.constant 0 : i32
      %dma_wait3A_80 = tpu.memref_slice %arg8[%dma_wait3A, %dma_wait3A_79] : memref<160x128xf32, #tpu.memory_space<vmem>> -> memref<160x128xf32, #tpu.memory_space<vmem>>
      %dma_wait3A_81 = arith.constant 0 : i32
      %dma_wait3A_82 = tpu.memref_slice %arg9[%add3A_14, %dma_wait3A_81] : memref<10240x128xf32, #tpu.memory_space<vmem_shared>> -> memref<160x128xf32, #tpu.memory_space<vmem_shared>>
      %dma_wait3A_83 = arith.constant 0 : i32
      %dma_wait3A_84 = tpu.memref_slice %arg9[%add3A_14, %dma_wait3A_83] : memref<10240x128xf32, #tpu.memory_space<vmem_shared>> -> memref<160x128xf32, #tpu.memory_space<vmem_shared>>
      %dma_wait3A_85 = arith.constant 0 : i32
      %dma_wait3A_86 = arith.constant 0 : i32
      %dma_wait3A_87 = tpu.memref_slice %arg8[%dma_wait3A_85, %dma_wait3A_86] : memref<160x128xf32, #tpu.memory_space<vmem>> -> memref<160x128xf32, #tpu.memory_space<vmem>>
      tpu.wait_dma2 semaphore(%run_scoped3A : memref<!tpu.dma_semaphore, #tpu.memory_space<semaphore_mem>>) src(%dma_wait3A_87 : memref<160x128xf32, #tpu.memory_space<vmem>>) dst(%dma_wait3A_84 : memref<160x128xf32, #tpu.memory_space<vmem_shared>>)
      tpu.yield
    }) : () -> ()
    %mul3A_15 = arith.constant 640 : i32
    %mul3A_16 = arith.muli %arg1, %mul3A_15 : i32
    %add3A_17 = arith.constant 320 : i32
    %add3A_18 = arith.addi %mul3A_16, %add3A_17 : i32
    "tpu.region"() ({
      %run_scoped3A = tpu.sem_alloc : memref<!tpu.dma_semaphore, #tpu.memory_space<semaphore_mem>>
      %dma_start3A = arith.constant 0 : i32
      %dma_start3A_70 = arith.constant 0 : i32
      %dma_start3A_71 = tpu.memref_slice %arg8[%dma_start3A, %dma_start3A_70] : memref<160x128xf32, #tpu.memory_space<vmem>> -> memref<160x128xf32, #tpu.memory_space<vmem>>
      %dma_start3A_72 = arith.constant 0 : i32
      %dma_start3A_73 = tpu.memref_slice %arg9[%add3A_18, %dma_start3A_72] : memref<10240x128xf32, #tpu.memory_space<vmem_shared>> -> memref<160x128xf32, #tpu.memory_space<vmem_shared>>
      %dma_start3A_74 = arith.constant 0 : i32
      %dma_start3A_75 = tpu.memref_slice %arg9[%add3A_18, %dma_start3A_74] : memref<10240x128xf32, #tpu.memory_space<vmem_shared>> -> memref<160x128xf32, #tpu.memory_space<vmem_shared>>
      %dma_start3A_76 = arith.constant 0 : i32
      %dma_start3A_77 = arith.constant 0 : i32
      %dma_start3A_78 = tpu.memref_slice %arg8[%dma_start3A_76, %dma_start3A_77] : memref<160x128xf32, #tpu.memory_space<vmem>> -> memref<160x128xf32, #tpu.memory_space<vmem>>
      tpu.enqueue_dma source(%dma_start3A_78 : memref<160x128xf32, #tpu.memory_space<vmem>>) target(%dma_start3A_75 : memref<160x128xf32, #tpu.memory_space<vmem_shared>>) target_semaphore(%run_scoped3A : memref<!tpu.dma_semaphore, #tpu.memory_space<semaphore_mem>>)
      %dma_wait3A = arith.constant 0 : i32
      %dma_wait3A_79 = arith.constant 0 : i32
      %dma_wait3A_80 = tpu.memref_slice %arg8[%dma_wait3A, %dma_wait3A_79] : memref<160x128xf32, #tpu.memory_space<vmem>> -> memref<160x128xf32, #tpu.memory_space<vmem>>
      %dma_wait3A_81 = arith.constant 0 : i32
      %dma_wait3A_82 = tpu.memref_slice %arg9[%add3A_18, %dma_wait3A_81] : memref<10240x128xf32, #tpu.memory_space<vmem_shared>> -> memref<160x128xf32, #tpu.memory_space<vmem_shared>>
      %dma_wait3A_83 = arith.constant 0 : i32
      %dma_wait3A_84 = tpu.memref_slice %arg9[%add3A_18, %dma_wait3A_83] : memref<10240x128xf32, #tpu.memory_space<vmem_shared>> -> memref<160x128xf32, #tpu.memory_space<vmem_shared>>
      %dma_wait3A_85 = arith.constant 0 : i32
      %dma_wait3A_86 = arith.constant 0 : i32
      %dma_wait3A_87 = tpu.memref_slice %arg8[%dma_wait3A_85, %dma_wait3A_86] : memref<160x128xf32, #tpu.memory_space<vmem>> -> memref<160x128xf32, #tpu.memory_space<vmem>>
      tpu.wait_dma2 semaphore(%run_scoped3A : memref<!tpu.dma_semaphore, #tpu.memory_space<semaphore_mem>>) src(%dma_wait3A_87 : memref<160x128xf32, #tpu.memory_space<vmem>>) dst(%dma_wait3A_84 : memref<160x128xf32, #tpu.memory_space<vmem_shared>>)
      tpu.yield
    }) : () -> ()
    %mul3A_19 = arith.constant 640 : i32
    %mul3A_20 = arith.muli %arg1, %mul3A_19 : i32
    %add3A_21 = arith.constant 480 : i32
    %add3A_22 = arith.addi %mul3A_20, %add3A_21 : i32
    "tpu.region"() ({
      %run_scoped3A = tpu.sem_alloc : memref<!tpu.dma_semaphore, #tpu.memory_space<semaphore_mem>>
      %dma_start3A = arith.constant 0 : i32
      %dma_start3A_70 = arith.constant 0 : i32
      %dma_start3A_71 = tpu.memref_slice %arg8[%dma_start3A, %dma_start3A_70] : memref<160x128xf32, #tpu.memory_space<vmem>> -> memref<160x128xf32, #tpu.memory_space<vmem>>
      %dma_start3A_72 = arith.constant 0 : i32
      %dma_start3A_73 = tpu.memref_slice %arg9[%add3A_22, %dma_start3A_72] : memref<10240x128xf32, #tpu.memory_space<vmem_shared>> -> memref<160x128xf32, #tpu.memory_space<vmem_shared>>
      %dma_start3A_74 = arith.constant 0 : i32
      %dma_start3A_75 = tpu.memref_slice %arg9[%add3A_22, %dma_start3A_74] : memref<10240x128xf32, #tpu.memory_space<vmem_shared>> -> memref<160x128xf32, #tpu.memory_space<vmem_shared>>
      %dma_start3A_76 = arith.constant 0 : i32
      %dma_start3A_77 = arith.constant 0 : i32
      %dma_start3A_78 = tpu.memref_slice %arg8[%dma_start3A_76, %dma_start3A_77] : memref<160x128xf32, #tpu.memory_space<vmem>> -> memref<160x128xf32, #tpu.memory_space<vmem>>
      tpu.enqueue_dma source(%dma_start3A_78 : memref<160x128xf32, #tpu.memory_space<vmem>>) target(%dma_start3A_75 : memref<160x128xf32, #tpu.memory_space<vmem_shared>>) target_semaphore(%run_scoped3A : memref<!tpu.dma_semaphore, #tpu.memory_space<semaphore_mem>>)
      %dma_wait3A = arith.constant 0 : i32
      %dma_wait3A_79 = arith.constant 0 : i32
      %dma_wait3A_80 = tpu.memref_slice %arg8[%dma_wait3A, %dma_wait3A_79] : memref<160x128xf32, #tpu.memory_space<vmem>> -> memref<160x128xf32, #tpu.memory_space<vmem>>
      %dma_wait3A_81 = arith.constant 0 : i32
      %dma_wait3A_82 = tpu.memref_slice %arg9[%add3A_22, %dma_wait3A_81] : memref<10240x128xf32, #tpu.memory_space<vmem_shared>> -> memref<160x128xf32, #tpu.memory_space<vmem_shared>>
      %dma_wait3A_83 = arith.constant 0 : i32
      %dma_wait3A_84 = tpu.memref_slice %arg9[%add3A_22, %dma_wait3A_83] : memref<10240x128xf32, #tpu.memory_space<vmem_shared>> -> memref<160x128xf32, #tpu.memory_space<vmem_shared>>
      %dma_wait3A_85 = arith.constant 0 : i32
      %dma_wait3A_86 = arith.constant 0 : i32
      %dma_wait3A_87 = tpu.memref_slice %arg8[%dma_wait3A_85, %dma_wait3A_86] : memref<160x128xf32, #tpu.memory_space<vmem>> -> memref<160x128xf32, #tpu.memory_space<vmem>>
      tpu.wait_dma2 semaphore(%run_scoped3A : memref<!tpu.dma_semaphore, #tpu.memory_space<semaphore_mem>>) src(%dma_wait3A_87 : memref<160x128xf32, #tpu.memory_space<vmem>>) dst(%dma_wait3A_84 : memref<160x128xf32, #tpu.memory_space<vmem_shared>>)
      tpu.yield
    }) : () -> ()
    %scan3A_23 = arith.constant 0 : i32
    %scan3A_24 = arith.constant 0 : i32
    %scan3A_25 = arith.constant 40 : i32
    %scan3A_26 = arith.addi %scan3A_24, %scan3A_25 : i32
    %scan3A_27 = arith.constant 1 : i32
    %scan3A_28 = scf.for %scan3A_70 = %scan3A_24 to %scan3A_26 step %scan3A_27 iter_args(%scan3A_71 = %scan3A_23) -> (i32)  : i32 {
      %broadcast_in_dim3A = arith.constant 1.000000e+00 : f32
      %broadcast_in_dim3A_72 = vector.broadcast %broadcast_in_dim3A : f32 to vector<16xf32>
      %swap3A = arith.index_cast %scan3A_70 : i32 to index
      %swap3A_73 = arith.constant 32 : index
      %swap3A_74 = tpu.vector_load %arg7[%swap3A, %swap3A_73] {strides = array<i32>} : memref<40x128xf32, #tpu.memory_space<vmem>>, vector<1x16xf32>,
      %swap3A_75 = vector.shape_cast %swap3A_74 : vector<1x16xf32> to vector<16xf32>
      %swap3A_76 = vector.shape_cast %broadcast_in_dim3A_72 : vector<16xf32> to vector<1x16xf32>
      tpu.vector_store %arg7[%swap3A, %swap3A_73], %swap3A_76 {strides = array<i32>} : memref<40x128xf32, #tpu.memory_space<vmem>>, vector<1x16xf32>,
      %broadcast_in_dim3A_77 = arith.constant 0.000000e+00 : f32
      %broadcast_in_dim3A_78 = vector.broadcast %broadcast_in_dim3A_77 : f32 to vector<16xf32>
      %swap3A_79 = arith.index_cast %scan3A_70 : i32 to index
      %swap3A_80 = arith.constant 48 : index
      %swap3A_81 = tpu.vector_load %arg7[%swap3A_79, %swap3A_80] {strides = array<i32>} : memref<40x128xf32, #tpu.memory_space<vmem>>, vector<1x16xf32>,
      %swap3A_82 = vector.shape_cast %swap3A_81 : vector<1x16xf32> to vector<16xf32>
      %swap3A_83 = vector.shape_cast %broadcast_in_dim3A_78 : vector<16xf32> to vector<1x16xf32>
      tpu.vector_store %arg7[%swap3A_79, %swap3A_80], %swap3A_83 {strides = array<i32>} : memref<40x128xf32, #tpu.memory_space<vmem>>, vector<1x16xf32>,
      %broadcast_in_dim3A_84 = arith.constant 0.000000e+00 : f32
      %broadcast_in_dim3A_85 = vector.broadcast %broadcast_in_dim3A_84 : f32 to vector<16xf32>
      %swap3A_86 = arith.index_cast %scan3A_70 : i32 to index
      %swap3A_87 = arith.constant 64 : index
      %swap3A_88 = tpu.vector_load %arg7[%swap3A_86, %swap3A_87] {strides = array<i32>} : memref<40x128xf32, #tpu.memory_space<vmem>>, vector<1x16xf32>,
      %swap3A_89 = vector.shape_cast %swap3A_88 : vector<1x16xf32> to vector<16xf32>
      %swap3A_90 = vector.shape_cast %broadcast_in_dim3A_85 : vector<16xf32> to vector<1x16xf32>
      tpu.vector_store %arg7[%swap3A_86, %swap3A_87], %swap3A_90 {strides = array<i32>} : memref<40x128xf32, #tpu.memory_space<vmem>>, vector<1x16xf32>,
      %broadcast_in_dim3A_91 = arith.constant 0.000000e+00 : f32
      %broadcast_in_dim3A_92 = vector.broadcast %broadcast_in_dim3A_91 : f32 to vector<16xf32>
      %swap3A_93 = arith.index_cast %scan3A_70 : i32 to index
      %swap3A_94 = arith.constant 80 : index
      %swap3A_95 = tpu.vector_load %arg7[%swap3A_93, %swap3A_94] {strides = array<i32>} : memref<40x128xf32, #tpu.memory_space<vmem>>, vector<1x16xf32>,
      %swap3A_96 = vector.shape_cast %swap3A_95 : vector<1x16xf32> to vector<16xf32>
      %swap3A_97 = vector.shape_cast %broadcast_in_dim3A_92 : vector<16xf32> to vector<1x16xf32>
      tpu.vector_store %arg7[%swap3A_93, %swap3A_94], %swap3A_97 {strides = array<i32>} : memref<40x128xf32, #tpu.memory_space<vmem>>, vector<1x16xf32>,
      %broadcast_in_dim3A_98 = arith.constant 0.000000e+00 : f32
      %broadcast_in_dim3A_99 = vector.broadcast %broadcast_in_dim3A_98 : f32 to vector<16xf32>
      %swap3A_100 = arith.index_cast %scan3A_70 : i32 to index
      %swap3A_101 = arith.constant 96 : index
      %swap3A_102 = tpu.vector_load %arg7[%swap3A_100, %swap3A_101] {strides = array<i32>} : memref<40x128xf32, #tpu.memory_space<vmem>>, vector<1x16xf32>,
      %swap3A_103 = vector.shape_cast %swap3A_102 : vector<1x16xf32> to vector<16xf32>
      %swap3A_104 = vector.shape_cast %broadcast_in_dim3A_99 : vector<16xf32> to vector<1x16xf32>
      tpu.vector_store %arg7[%swap3A_100, %swap3A_101], %swap3A_104 {strides = array<i32>} : memref<40x128xf32, #tpu.memory_space<vmem>>, vector<1x16xf32>,
      %broadcast_in_dim3A_105 = arith.constant 0.000000e+00 : f32
      %broadcast_in_dim3A_106 = vector.broadcast %broadcast_in_dim3A_105 : f32 to vector<16xf32>
      %swap3A_107 = arith.index_cast %scan3A_70 : i32 to index
      %swap3A_108 = arith.constant 112 : index
      %swap3A_109 = tpu.vector_load %arg7[%swap3A_107, %swap3A_108] {strides = array<i32>} : memref<40x128xf32, #tpu.memory_space<vmem>>, vector<1x16xf32>,
      %swap3A_110 = vector.shape_cast %swap3A_109 : vector<1x16xf32> to vector<16xf32>
      %swap3A_111 = vector.shape_cast %broadcast_in_dim3A_106 : vector<16xf32> to vector<1x16xf32>
      tpu.vector_store %arg7[%swap3A_107, %swap3A_108], %swap3A_111 {strides = array<i32>} : memref<40x128xf32, #tpu.memory_space<vmem>>, vector<1x16xf32>,
      %scan3A_112 = arith.constant 0 : i32
      scf.yield %scan3A_112 : i32
    }
    %scan3A_29 = arith.constant 40 : i32
    %barrier3A = arith.constant 0 : index
    tpu.barrier barrier_id(%barrier3A)
    %scan3A_30 = arith.constant 0 : i32
    %scan3A_31 = arith.constant 0 : i32
    %scan3A_32 = arith.constant 125 : i32
    %scan3A_33 = arith.addi %scan3A_31, %scan3A_32 : i32
    %scan3A_34 = arith.constant 1 : i32
    %scan3A_35 = scf.for %scan3A_70 = %scan3A_31 to %scan3A_33 step %scan3A_34 iter_args(%scan3A_71 = %scan3A_30) -> (i32)  : i32 {
      %mul3A_72 = arith.constant 5000 : i32
      %mul3A_73 = arith.muli %add3A, %mul3A_72 : i32
      %mul3A_74 = arith.constant 40 : i32
      %mul3A_75 = arith.muli %scan3A_70, %mul3A_74 : i32
      %add3A_76 = arith.addi %mul3A_73, %mul3A_75 : i32
      "tpu.region"() ({
        %run_scoped3A = tpu.sem_alloc : memref<!tpu.dma_semaphore, #tpu.memory_space<semaphore_mem>>
        %dma_start3A = tpu.memref_slice %arg2[%add3A_76] : memref<160000xi32, #tpu.memory_space<hbm>> -> memref<40xi32, #tpu.memory_space<hbm>>
        %dma_start3A_85 = tpu.memref_slice %arg2[%add3A_76] : memref<160000xi32, #tpu.memory_space<hbm>> -> memref<40xi32, #tpu.memory_space<hbm>>
        tpu.enqueue_dma source(%dma_start3A_85 : memref<40xi32, #tpu.memory_space<hbm>>) target(%arg5 : memref<40xi32, #tpu.memory_space<vmem>>) target_semaphore(%run_scoped3A : memref<!tpu.dma_semaphore, #tpu.memory_space<semaphore_mem>>)
        %dma_wait3A = tpu.memref_slice %arg2[%add3A_76] : memref<160000xi32, #tpu.memory_space<hbm>> -> memref<40xi32, #tpu.memory_space<hbm>>
        %dma_wait3A_86 = tpu.memref_slice %arg2[%add3A_76] : memref<160000xi32, #tpu.memory_space<hbm>> -> memref<40xi32, #tpu.memory_space<hbm>>
        tpu.wait_dma2 semaphore(%run_scoped3A : memref<!tpu.dma_semaphore, #tpu.memory_space<semaphore_mem>>) src(%dma_wait3A_86 : memref<40xi32, #tpu.memory_space<hbm>>) dst(%arg5 : memref<40xi32, #tpu.memory_space<vmem>>)
        tpu.yield
      }) : () -> ()
      "tpu.region"() ({
        %run_scoped3A = tpu.sem_alloc : memref<!tpu.dma_semaphore, #tpu.memory_space<semaphore_mem>>
        %dma_start3A = arith.constant 0 : i32
        %dma_start3A_85 = tpu.memref_slice %arg3[%add3A_76, %dma_start3A] : memref<160000x32xf32, #tpu.memory_space<hbm>> -> memref<40x32xf32, #tpu.memory_space<hbm>>
        %dma_start3A_86 = arith.constant 0 : i32
        %dma_start3A_87 = tpu.memref_slice %arg3[%add3A_76, %dma_start3A_86] : memref<160000x32xf32, #tpu.memory_space<hbm>> -> memref<40x32xf32, #tpu.memory_space<hbm>>
        tpu.enqueue_dma source(%dma_start3A_87 : memref<40x32xf32, #tpu.memory_space<hbm>>) target(%arg6 : memref<40x32xf32, #tpu.memory_space<vmem>>) target_semaphore(%run_scoped3A : memref<!tpu.dma_semaphore, #tpu.memory_space<semaphore_mem>>)
        %dma_wait3A = arith.constant 0 : i32
        %dma_wait3A_88 = tpu.memref_slice %arg3[%add3A_76, %dma_wait3A] : memref<160000x32xf32, #tpu.memory_space<hbm>> -> memref<40x32xf32, #tpu.memory_space<hbm>>
        %dma_wait3A_89 = arith.constant 0 : i32
        %dma_wait3A_90 = tpu.memref_slice %arg3[%add3A_76, %dma_wait3A_89] : memref<160000x32xf32, #tpu.memory_space<hbm>> -> memref<40x32xf32, #tpu.memory_space<hbm>>
        tpu.wait_dma2 semaphore(%run_scoped3A : memref<!tpu.dma_semaphore, #tpu.memory_space<semaphore_mem>>) src(%dma_wait3A_90 : memref<40x32xf32, #tpu.memory_space<hbm>>) dst(%arg6 : memref<40x32xf32, #tpu.memory_space<vmem>>)
        tpu.yield
      }) : () -> ()
      %scan3A_77 = arith.constant 0 : i32
      %scan3A_78 = arith.constant 0 : i32
      %scan3A_79 = arith.constant 40 : i32
      %scan3A_80 = arith.addi %scan3A_78, %scan3A_79 : i32
      %scan3A_81 = arith.constant 1 : i32
      %scan3A_82 = scf.for %scan3A_85 = %scan3A_78 to %scan3A_80 step %scan3A_81 iter_args(%scan3A_86 = %scan3A_77) -> (i32)  : i32 {
        %get3A = arith.index_cast %scan3A_85 : i32 to index
        %get3A_87 = arith.constant 0 : index
        %get3A_88 = tpu.vector_load %arg6[%get3A, %get3A_87] {strides = array<i32>} : memref<40x32xf32, #tpu.memory_space<vmem>>, vector<1x16xf32>,
        %get3A_89 = vector.shape_cast %get3A_88 : vector<1x16xf32> to vector<16xf32>
        %swap3A = arith.index_cast %scan3A_85 : i32 to index
        %swap3A_90 = arith.constant 0 : index
        %swap3A_91 = tpu.vector_load %arg7[%swap3A, %swap3A_90] {strides = array<i32>} : memref<40x128xf32, #tpu.memory_space<vmem>>, vector<1x16xf32>,
        %swap3A_92 = vector.shape_cast %swap3A_91 : vector<1x16xf32> to vector<16xf32>
        %swap3A_93 = vector.shape_cast %get3A_89 : vector<16xf32> to vector<1x16xf32>
        tpu.vector_store %arg7[%swap3A, %swap3A_90], %swap3A_93 {strides = array<i32>} : memref<40x128xf32, #tpu.memory_space<vmem>>, vector<1x16xf32>,
        %get3A_94 = arith.index_cast %scan3A_85 : i32 to index
        %get3A_95 = arith.constant 16 : index
        %get3A_96 = tpu.vector_load %arg6[%get3A_94, %get3A_95] {strides = array<i32>} : memref<40x32xf32, #tpu.memory_space<vmem>>, vector<1x16xf32>,
        %get3A_97 = vector.shape_cast %get3A_96 : vector<1x16xf32> to vector<16xf32>
        %swap3A_98 = arith.index_cast %scan3A_85 : i32 to index
        %swap3A_99 = arith.constant 16 : index
        %swap3A_100 = tpu.vector_load %arg7[%swap3A_98, %swap3A_99] {strides = array<i32>} : memref<40x128xf32, #tpu.memory_space<vmem>>, vector<1x16xf32>,
        %swap3A_101 = vector.shape_cast %swap3A_100 : vector<1x16xf32> to vector<16xf32>
        %swap3A_102 = vector.shape_cast %get3A_97 : vector<16xf32> to vector<1x16xf32>
        tpu.vector_store %arg7[%swap3A_98, %swap3A_99], %swap3A_102 {strides = array<i32>} : memref<40x128xf32, #tpu.memory_space<vmem>>, vector<1x16xf32>,
        %scan3A_103 = arith.constant 0 : i32
        scf.yield %scan3A_103 : i32
      }
      %scan3A_83 = arith.constant 40 : i32
      "tpu.region"() ({
        %run_scoped3A = tpu.sem_alloc : memref<!tpu.dma_semaphore, #tpu.memory_space<semaphore_mem>>
        %dma_start3A = arith.constant 0 : i32
        %dma_start3A_85 = arith.constant 0 : i32
        %dma_start3A_86 = tpu.memref_slice %arg7[%dma_start3A, %dma_start3A_85] : memref<40x128xf32, #tpu.memory_space<vmem>> -> memref<40x128xf32, #tpu.memory_space<vmem>>
        %dma_start3A_87 = arith.constant 0 : i32
        %dma_start3A_88 = arith.constant 0 : i32
        %dma_start3A_89 = tpu.memref_slice %arg9[%dma_start3A_87, %dma_start3A_88] : memref<10240x128xf32, #tpu.memory_space<vmem_shared>> -> memref<10240x128xf32, #tpu.memory_space<vmem_shared>>
        tpu.enqueue_indirect_dma source(%dma_start3A_86 : memref<40x128xf32, #tpu.memory_space<vmem>>) target(%dma_start3A_89 : memref<10240x128xf32, #tpu.memory_space<vmem_shared>>) offsets(%arg5 : memref<40xi32, #tpu.memory_space<vmem>>) semaphore(%run_scoped3A : memref<!tpu.dma_semaphore, #tpu.memory_space<semaphore_mem>>) {add = true}
        %dma_wait3A = arith.constant 0 : i32
        %dma_wait3A_90 = arith.constant 0 : i32
        %dma_wait3A_91 = tpu.memref_slice %arg7[%dma_wait3A, %dma_wait3A_90] : memref<40x128xf32, #tpu.memory_space<vmem>> -> memref<40x128xf32, #tpu.memory_space<vmem>>
        %dma_wait3A_92 = arith.constant 0 : i32
        %dma_wait3A_93 = arith.constant 0 : i32
        %dma_wait3A_94 = tpu.memref_slice %arg9[%dma_wait3A_92, %dma_wait3A_93] : memref<10240x128xf32, #tpu.memory_space<vmem_shared>> -> memref<10240x128xf32, #tpu.memory_space<vmem_shared>>
        tpu.wait_indirect_dma semaphore(%run_scoped3A : memref<!tpu.dma_semaphore, #tpu.memory_space<semaphore_mem>>) src(%dma_wait3A_91 : memref<40x128xf32, #tpu.memory_space<vmem>>) dst(%dma_wait3A_94 : memref<10240x128xf32, #tpu.memory_space<vmem_shared>>)
        tpu.yield
      }) : () -> ()
      %scan3A_84 = arith.constant 0 : i32
      scf.yield %scan3A_84 : i32
    }
    %scan3A_36 = arith.constant 125 : i32
    %barrier3A_37 = arith.constant 0 : index
    tpu.barrier barrier_id(%barrier3A_37)
    %mul3A_38 = arith.constant 640 : i32
    %mul3A_39 = arith.muli %arg1, %mul3A_38 : i32
    %add3A_40 = arith.constant 0 : i32
    %add3A_41 = arith.addi %mul3A_39, %add3A_40 : i32
    %mul3A_42 = arith.constant 640 : i32
    %mul3A_43 = arith.muli %arg1, %mul3A_42 : i32
    %add3A_44 = arith.constant 0 : i32
    %add3A_45 = arith.addi %mul3A_43, %add3A_44 : i32
    "tpu.region"() ({
      %run_scoped3A = tpu.sem_alloc : memref<!tpu.dma_semaphore, #tpu.memory_space<semaphore_mem>>
      %dma_start3A = arith.constant 0 : i32
      %dma_start3A_70 = tpu.memref_slice %arg4[%arg0, %add3A_45, %dma_start3A] : memref<2x10240x128xf32, #tpu.memory_space<hbm>> -> memref<1x160x128xf32, #tpu.memory_space<hbm>>
      %dma_start3A_71 = tpu.memref_squeeze %dma_start3A_70 : memref<1x160x128xf32, #tpu.memory_space<hbm>> -> memref<160x128xf32, #tpu.memory_space<hbm>>
      %dma_start3A_72 = arith.constant 0 : i32
      %dma_start3A_73 = tpu.memref_slice %arg9[%add3A_41, %dma_start3A_72] : memref<10240x128xf32, #tpu.memory_space<vmem_shared>> -> memref<160x128xf32, #tpu.memory_space<vmem_shared>>
      tpu.enqueue_dma source(%dma_start3A_73 : memref<160x128xf32, #tpu.memory_space<vmem_shared>>) target(%dma_start3A_71 : memref<160x128xf32, #tpu.memory_space<hbm>>) target_semaphore(%run_scoped3A : memref<!tpu.dma_semaphore, #tpu.memory_space<semaphore_mem>>)
      %dma_wait3A = arith.constant 0 : i32
      %dma_wait3A_74 = tpu.memref_slice %arg4[%arg0, %add3A_45, %dma_wait3A] : memref<2x10240x128xf32, #tpu.memory_space<hbm>> -> memref<1x160x128xf32, #tpu.memory_space<hbm>>
      %dma_wait3A_75 = tpu.memref_squeeze %dma_wait3A_74 : memref<1x160x128xf32, #tpu.memory_space<hbm>> -> memref<160x128xf32, #tpu.memory_space<hbm>>
      %dma_wait3A_76 = arith.constant 0 : i32
      %dma_wait3A_77 = tpu.memref_slice %arg9[%add3A_41, %dma_wait3A_76] : memref<10240x128xf32, #tpu.memory_space<vmem_shared>> -> memref<160x128xf32, #tpu.memory_space<vmem_shared>>
      tpu.wait_dma2 semaphore(%run_scoped3A : memref<!tpu.dma_semaphore, #tpu.memory_space<semaphore_mem>>) src(%dma_wait3A_77 : memref<160x128xf32, #tpu.memory_space<vmem_shared>>) dst(%dma_wait3A_75 : memref<160x128xf32, #tpu.memory_space<hbm>>)
      tpu.yield
    }) : () -> ()
    %mul3A_46 = arith.constant 640 : i32
    %mul3A_47 = arith.muli %arg1, %mul3A_46 : i32
    %add3A_48 = arith.constant 160 : i32
    %add3A_49 = arith.addi %mul3A_47, %add3A_48 : i32
    %mul3A_50 = arith.constant 640 : i32
    %mul3A_51 = arith.muli %arg1, %mul3A_50 : i32
    %add3A_52 = arith.constant 160 : i32
    %add3A_53 = arith.addi %mul3A_51, %add3A_52 : i32
    "tpu.region"() ({
      %run_scoped3A = tpu.sem_alloc : memref<!tpu.dma_semaphore, #tpu.memory_space<semaphore_mem>>
      %dma_start3A = arith.constant 0 : i32
      %dma_start3A_70 = tpu.memref_slice %arg4[%arg0, %add3A_53, %dma_start3A] : memref<2x10240x128xf32, #tpu.memory_space<hbm>> -> memref<1x160x128xf32, #tpu.memory_space<hbm>>
      %dma_start3A_71 = tpu.memref_squeeze %dma_start3A_70 : memref<1x160x128xf32, #tpu.memory_space<hbm>> -> memref<160x128xf32, #tpu.memory_space<hbm>>
      %dma_start3A_72 = arith.constant 0 : i32
      %dma_start3A_73 = tpu.memref_slice %arg9[%add3A_49, %dma_start3A_72] : memref<10240x128xf32, #tpu.memory_space<vmem_shared>> -> memref<160x128xf32, #tpu.memory_space<vmem_shared>>
      tpu.enqueue_dma source(%dma_start3A_73 : memref<160x128xf32, #tpu.memory_space<vmem_shared>>) target(%dma_start3A_71 : memref<160x128xf32, #tpu.memory_space<hbm>>) target_semaphore(%run_scoped3A : memref<!tpu.dma_semaphore, #tpu.memory_space<semaphore_mem>>)
      %dma_wait3A = arith.constant 0 : i32
      %dma_wait3A_74 = tpu.memref_slice %arg4[%arg0, %add3A_53, %dma_wait3A] : memref<2x10240x128xf32, #tpu.memory_space<hbm>> -> memref<1x160x128xf32, #tpu.memory_space<hbm>>
      %dma_wait3A_75 = tpu.memref_squeeze %dma_wait3A_74 : memref<1x160x128xf32, #tpu.memory_space<hbm>> -> memref<160x128xf32, #tpu.memory_space<hbm>>
      %dma_wait3A_76 = arith.constant 0 : i32
      %dma_wait3A_77 = tpu.memref_slice %arg9[%add3A_49, %dma_wait3A_76] : memref<10240x128xf32, #tpu.memory_space<vmem_shared>> -> memref<160x128xf32, #tpu.memory_space<vmem_shared>>
      tpu.wait_dma2 semaphore(%run_scoped3A : memref<!tpu.dma_semaphore, #tpu.memory_space<semaphore_mem>>) src(%dma_wait3A_77 : memref<160x128xf32, #tpu.memory_space<vmem_shared>>) dst(%dma_wait3A_75 : memref<160x128xf32, #tpu.memory_space<hbm>>)
      tpu.yield
    }) : () -> ()
    %mul3A_54 = arith.constant 640 : i32
    %mul3A_55 = arith.muli %arg1, %mul3A_54 : i32
    %add3A_56 = arith.constant 320 : i32
    %add3A_57 = arith.addi %mul3A_55, %add3A_56 : i32
    %mul3A_58 = arith.constant 640 : i32
    %mul3A_59 = arith.muli %arg1, %mul3A_58 : i32
    %add3A_60 = arith.constant 320 : i32
    %add3A_61 = arith.addi %mul3A_59, %add3A_60 : i32
    "tpu.region"() ({
      %run_scoped3A = tpu.sem_alloc : memref<!tpu.dma_semaphore, #tpu.memory_space<semaphore_mem>>
      %dma_start3A = arith.constant 0 : i32
      %dma_start3A_70 = tpu.memref_slice %arg4[%arg0, %add3A_61, %dma_start3A] : memref<2x10240x128xf32, #tpu.memory_space<hbm>> -> memref<1x160x128xf32, #tpu.memory_space<hbm>>
      %dma_start3A_71 = tpu.memref_squeeze %dma_start3A_70 : memref<1x160x128xf32, #tpu.memory_space<hbm>> -> memref<160x128xf32, #tpu.memory_space<hbm>>
      %dma_start3A_72 = arith.constant 0 : i32
      %dma_start3A_73 = tpu.memref_slice %arg9[%add3A_57, %dma_start3A_72] : memref<10240x128xf32, #tpu.memory_space<vmem_shared>> -> memref<160x128xf32, #tpu.memory_space<vmem_shared>>
      tpu.enqueue_dma source(%dma_start3A_73 : memref<160x128xf32, #tpu.memory_space<vmem_shared>>) target(%dma_start3A_71 : memref<160x128xf32, #tpu.memory_space<hbm>>) target_semaphore(%run_scoped3A : memref<!tpu.dma_semaphore, #tpu.memory_space<semaphore_mem>>)
      %dma_wait3A = arith.constant 0 : i32
      %dma_wait3A_74 = tpu.memref_slice %arg4[%arg0, %add3A_61, %dma_wait3A] : memref<2x10240x128xf32, #tpu.memory_space<hbm>> -> memref<1x160x128xf32, #tpu.memory_space<hbm>>
      %dma_wait3A_75 = tpu.memref_squeeze %dma_wait3A_74 : memref<1x160x128xf32, #tpu.memory_space<hbm>> -> memref<160x128xf32, #tpu.memory_space<hbm>>
      %dma_wait3A_76 = arith.constant 0 : i32
      %dma_wait3A_77 = tpu.memref_slice %arg9[%add3A_57, %dma_wait3A_76] : memref<10240x128xf32, #tpu.memory_space<vmem_shared>> -> memref<160x128xf32, #tpu.memory_space<vmem_shared>>
      tpu.wait_dma2 semaphore(%run_scoped3A : memref<!tpu.dma_semaphore, #tpu.memory_space<semaphore_mem>>) src(%dma_wait3A_77 : memref<160x128xf32, #tpu.memory_space<vmem_shared>>) dst(%dma_wait3A_75 : memref<160x128xf32, #tpu.memory_space<hbm>>)
      tpu.yield
    }) : () -> ()
    %mul3A_62 = arith.constant 640 : i32
    %mul3A_63 = arith.muli %arg1, %mul3A_62 : i32
    %add3A_64 = arith.constant 480 : i32
    %add3A_65 = arith.addi %mul3A_63, %add3A_64 : i32
    %mul3A_66 = arith.constant 640 : i32
    %mul3A_67 = arith.muli %arg1, %mul3A_66 : i32
    %add3A_68 = arith.constant 480 : i32
    %add3A_69 = arith.addi %mul3A_67, %add3A_68 : i32
    "tpu.region"() ({
      %run_scoped3A = tpu.sem_alloc : memref<!tpu.dma_semaphore, #tpu.memory_space<semaphore_mem>>
      %dma_start3A = arith.constant 0 : i32
      %dma_start3A_70 = tpu.memref_slice %arg4[%arg0, %add3A_69, %dma_start3A] : memref<2x10240x128xf32, #tpu.memory_space<hbm>> -> memref<1x160x128xf32, #tpu.memory_space<hbm>>
      %dma_start3A_71 = tpu.memref_squeeze %dma_start3A_70 : memref<1x160x128xf32, #tpu.memory_space<hbm>> -> memref<160x128xf32, #tpu.memory_space<hbm>>
      %dma_start3A_72 = arith.constant 0 : i32
      %dma_start3A_73 = tpu.memref_slice %arg9[%add3A_65, %dma_start3A_72] : memref<10240x128xf32, #tpu.memory_space<vmem_shared>> -> memref<160x128xf32, #tpu.memory_space<vmem_shared>>
      tpu.enqueue_dma source(%dma_start3A_73 : memref<160x128xf32, #tpu.memory_space<vmem_shared>>) target(%dma_start3A_71 : memref<160x128xf32, #tpu.memory_space<hbm>>) target_semaphore(%run_scoped3A : memref<!tpu.dma_semaphore, #tpu.memory_space<semaphore_mem>>)
      %dma_wait3A = arith.constant 0 : i32
      %dma_wait3A_74 = tpu.memref_slice %arg4[%arg0, %add3A_69, %dma_wait3A] : memref<2x10240x128xf32, #tpu.memory_space<hbm>> -> memref<1x160x128xf32, #tpu.memory_space<hbm>>
      %dma_wait3A_75 = tpu.memref_squeeze %dma_wait3A_74 : memref<1x160x128xf32, #tpu.memory_space<hbm>> -> memref<160x128xf32, #tpu.memory_space<hbm>>
      %dma_wait3A_76 = arith.constant 0 : i32
      %dma_wait3A_77 = tpu.memref_slice %arg9[%add3A_65, %dma_wait3A_76] : memref<10240x128xf32, #tpu.memory_space<vmem_shared>> -> memref<160x128xf32, #tpu.memory_space<vmem_shared>>
      tpu.wait_dma2 semaphore(%run_scoped3A : memref<!tpu.dma_semaphore, #tpu.memory_space<semaphore_mem>>) src(%dma_wait3A_77 : memref<160x128xf32, #tpu.memory_space<vmem_shared>>) dst(%dma_wait3A_75 : memref<160x128xf32, #tpu.memory_space<hbm>>)
      tpu.yield
    }) : () -> ()
    return
  }
}

#map = affine_map<(d0, d1) -> (0)>
#map1 = affine_map<(d0, d1) -> (0, 0, 0)>
module attributes {stable_mosaic.version = 14 : i64} {
  func.func @_pass2_body(%arg0: i32, %arg1: i32, %arg2: memref<160000xi32, #tpu.memory_space<hbm>>, %arg3: memref<160000xi32, #tpu.memory_space<hbm>>, %arg4: memref<2x160000x128xf32, #tpu.memory_space<hbm>>, %arg5: memref<2x160000x128xf32, #tpu.memory_space<hbm>>, %arg6: memref<2x10240x128xf32, #tpu.memory_space<hbm>>, %arg7: memref<2x1280x128xf32, #tpu.memory_space<hbm>>, %arg8: memref<80xi32, #tpu.memory_space<vmem>>, %arg9: memref<80xi32, #tpu.memory_space<vmem>>, %arg10: memref<80x128xf32, #tpu.memory_space<vmem>>, %arg11: memref<80x128xf32, #tpu.memory_space<vmem>>, %arg12: memref<40x128xf32, #tpu.memory_space<vmem>>, %arg13: memref<10240x128xf32, #tpu.memory_space<vmem_shared>>, %arg14: memref<1280x128xf32, #tpu.memory_space<vmem_shared>>, %arg15: memref<!tpu.dma_semaphore, #tpu.memory_space<semaphore_mem>>) attributes {dimension_semantics = [#tpu.dimension_semantics<core_parallel>, #tpu.dimension_semantics<subcore_parallel>], iteration_bounds = array<i64: 2, 16>, scalar_prefetch = 0 : i64, scratch_operands = 8 : i64, tpu.core_type = #tpu.core_type<sc_vector_subcore>, window_params = [{transform_indices = #map}, {transform_indices = #map}, {transform_indices = #map1}, {transform_indices = #map1}, {transform_indices = #map1}, {transform_indices = #map1}]} {
    %scan3A = arith.constant 0 : i32
    %scan3A_0 = arith.constant 0 : i32
    %scan3A_1 = arith.constant 40 : i32
    %scan3A_2 = arith.addi %scan3A_0, %scan3A_1 : i32
    %scan3A_3 = arith.constant 1 : i32
    %scan3A_4 = scf.for %scan3A_228 = %scan3A_0 to %scan3A_2 step %scan3A_3 iter_args(%scan3A_229 = %scan3A) -> (i32)  : i32 {
      %broadcast_in_dim3A = arith.constant 0.000000e+00 : f32
      %broadcast_in_dim3A_230 = vector.broadcast %broadcast_in_dim3A : f32 to vector<16xf32>
      %swap3A = arith.index_cast %scan3A_228 : i32 to index
      %swap3A_231 = arith.constant 0 : index
      %swap3A_232 = tpu.vector_load %arg12[%swap3A, %swap3A_231] {strides = array<i32>} : memref<40x128xf32, #tpu.memory_space<vmem>>, vector<1x16xf32>,
      %swap3A_233 = vector.shape_cast %swap3A_232 : vector<1x16xf32> to vector<16xf32>
      %swap3A_234 = vector.shape_cast %broadcast_in_dim3A_230 : vector<16xf32> to vector<1x16xf32>
      tpu.vector_store %arg12[%swap3A, %swap3A_231], %swap3A_234 {strides = array<i32>} : memref<40x128xf32, #tpu.memory_space<vmem>>, vector<1x16xf32>,
      %broadcast_in_dim3A_235 = arith.constant 0.000000e+00 : f32
      %broadcast_in_dim3A_236 = vector.broadcast %broadcast_in_dim3A_235 : f32 to vector<16xf32>
      %swap3A_237 = arith.index_cast %scan3A_228 : i32 to index
      %swap3A_238 = arith.constant 16 : index
      %swap3A_239 = tpu.vector_load %arg12[%swap3A_237, %swap3A_238] {strides = array<i32>} : memref<40x128xf32, #tpu.memory_space<vmem>>, vector<1x16xf32>,
      %swap3A_240 = vector.shape_cast %swap3A_239 : vector<1x16xf32> to vector<16xf32>
      %swap3A_241 = vector.shape_cast %broadcast_in_dim3A_236 : vector<16xf32> to vector<1x16xf32>
      tpu.vector_store %arg12[%swap3A_237, %swap3A_238], %swap3A_241 {strides = array<i32>} : memref<40x128xf32, #tpu.memory_space<vmem>>, vector<1x16xf32>,
      %broadcast_in_dim3A_242 = arith.constant 0.000000e+00 : f32
      %broadcast_in_dim3A_243 = vector.broadcast %broadcast_in_dim3A_242 : f32 to vector<16xf32>
      %swap3A_244 = arith.index_cast %scan3A_228 : i32 to index
      %swap3A_245 = arith.constant 32 : index
      %swap3A_246 = tpu.vector_load %arg12[%swap3A_244, %swap3A_245] {strides = array<i32>} : memref<40x128xf32, #tpu.memory_space<vmem>>, vector<1x16xf32>,
      %swap3A_247 = vector.shape_cast %swap3A_246 : vector<1x16xf32> to vector<16xf32>
      %swap3A_248 = vector.shape_cast %broadcast_in_dim3A_243 : vector<16xf32> to vector<1x16xf32>
      tpu.vector_store %arg12[%swap3A_244, %swap3A_245], %swap3A_248 {strides = array<i32>} : memref<40x128xf32, #tpu.memory_space<vmem>>, vector<1x16xf32>,
      %broadcast_in_dim3A_249 = arith.constant 0.000000e+00 : f32
      %broadcast_in_dim3A_250 = vector.broadcast %broadcast_in_dim3A_249 : f32 to vector<16xf32>
      %swap3A_251 = arith.index_cast %scan3A_228 : i32 to index
      %swap3A_252 = arith.constant 48 : index
      %swap3A_253 = tpu.vector_load %arg12[%swap3A_251, %swap3A_252] {strides = array<i32>} : memref<40x128xf32, #tpu.memory_space<vmem>>, vector<1x16xf32>,
      %swap3A_254 = vector.shape_cast %swap3A_253 : vector<1x16xf32> to vector<16xf32>
      %swap3A_255 = vector.shape_cast %broadcast_in_dim3A_250 : vector<16xf32> to vector<1x16xf32>
      tpu.vector_store %arg12[%swap3A_251, %swap3A_252], %swap3A_255 {strides = array<i32>} : memref<40x128xf32, #tpu.memory_space<vmem>>, vector<1x16xf32>,
      %broadcast_in_dim3A_256 = arith.constant 0.000000e+00 : f32
      %broadcast_in_dim3A_257 = vector.broadcast %broadcast_in_dim3A_256 : f32 to vector<16xf32>
      %swap3A_258 = arith.index_cast %scan3A_228 : i32 to index
      %swap3A_259 = arith.constant 64 : index
      %swap3A_260 = tpu.vector_load %arg12[%swap3A_258, %swap3A_259] {strides = array<i32>} : memref<40x128xf32, #tpu.memory_space<vmem>>, vector<1x16xf32>,
      %swap3A_261 = vector.shape_cast %swap3A_260 : vector<1x16xf32> to vector<16xf32>
      %swap3A_262 = vector.shape_cast %broadcast_in_dim3A_257 : vector<16xf32> to vector<1x16xf32>
      tpu.vector_store %arg12[%swap3A_258, %swap3A_259], %swap3A_262 {strides = array<i32>} : memref<40x128xf32, #tpu.memory_space<vmem>>, vector<1x16xf32>,
      %broadcast_in_dim3A_263 = arith.constant 0.000000e+00 : f32
      %broadcast_in_dim3A_264 = vector.broadcast %broadcast_in_dim3A_263 : f32 to vector<16xf32>
      %swap3A_265 = arith.index_cast %scan3A_228 : i32 to index
      %swap3A_266 = arith.constant 80 : index
      %swap3A_267 = tpu.vector_load %arg12[%swap3A_265, %swap3A_266] {strides = array<i32>} : memref<40x128xf32, #tpu.memory_space<vmem>>, vector<1x16xf32>,
      %swap3A_268 = vector.shape_cast %swap3A_267 : vector<1x16xf32> to vector<16xf32>
      %swap3A_269 = vector.shape_cast %broadcast_in_dim3A_264 : vector<16xf32> to vector<1x16xf32>
      tpu.vector_store %arg12[%swap3A_265, %swap3A_266], %swap3A_269 {strides = array<i32>} : memref<40x128xf32, #tpu.memory_space<vmem>>, vector<1x16xf32>,
      %broadcast_in_dim3A_270 = arith.constant 0.000000e+00 : f32
      %broadcast_in_dim3A_271 = vector.broadcast %broadcast_in_dim3A_270 : f32 to vector<16xf32>
      %swap3A_272 = arith.index_cast %scan3A_228 : i32 to index
      %swap3A_273 = arith.constant 96 : index
      %swap3A_274 = tpu.vector_load %arg12[%swap3A_272, %swap3A_273] {strides = array<i32>} : memref<40x128xf32, #tpu.memory_space<vmem>>, vector<1x16xf32>,
      %swap3A_275 = vector.shape_cast %swap3A_274 : vector<1x16xf32> to vector<16xf32>
      %swap3A_276 = vector.shape_cast %broadcast_in_dim3A_271 : vector<16xf32> to vector<1x16xf32>
      tpu.vector_store %arg12[%swap3A_272, %swap3A_273], %swap3A_276 {strides = array<i32>} : memref<40x128xf32, #tpu.memory_space<vmem>>, vector<1x16xf32>,
      %broadcast_in_dim3A_277 = arith.constant 0.000000e+00 : f32
      %broadcast_in_dim3A_278 = vector.broadcast %broadcast_in_dim3A_277 : f32 to vector<16xf32>
      %swap3A_279 = arith.index_cast %scan3A_228 : i32 to index
      %swap3A_280 = arith.constant 112 : index
      %swap3A_281 = tpu.vector_load %arg12[%swap3A_279, %swap3A_280] {strides = array<i32>} : memref<40x128xf32, #tpu.memory_space<vmem>>, vector<1x16xf32>,
      %swap3A_282 = vector.shape_cast %swap3A_281 : vector<1x16xf32> to vector<16xf32>
      %swap3A_283 = vector.shape_cast %broadcast_in_dim3A_278 : vector<16xf32> to vector<1x16xf32>
      tpu.vector_store %arg12[%swap3A_279, %swap3A_280], %swap3A_283 {strides = array<i32>} : memref<40x128xf32, #tpu.memory_space<vmem>>, vector<1x16xf32>,
      %scan3A_284 = arith.constant 0 : i32
      scf.yield %scan3A_284 : i32
    }
    %scan3A_5 = arith.constant 40 : i32
    %mul3A = arith.constant 640 : i32
    %mul3A_6 = arith.muli %arg1, %mul3A : i32
    %add3A = arith.constant 0 : i32
    %add3A_7 = arith.addi %mul3A_6, %add3A : i32
    "tpu.region"() ({
      %run_scoped3A = tpu.sem_alloc : memref<!tpu.dma_semaphore, #tpu.memory_space<semaphore_mem>>
      %dma_start3A = arith.constant 0 : i32
      %dma_start3A_228 = arith.constant 0 : i32
      %dma_start3A_229 = tpu.memref_slice %arg12[%dma_start3A, %dma_start3A_228] : memref<40x128xf32, #tpu.memory_space<vmem>> -> memref<40x128xf32, #tpu.memory_space<vmem>>
      %dma_start3A_230 = arith.constant 0 : i32
      %dma_start3A_231 = tpu.memref_slice %arg13[%add3A_7, %dma_start3A_230] : memref<10240x128xf32, #tpu.memory_space<vmem_shared>> -> memref<40x128xf32, #tpu.memory_space<vmem_shared>>
      %dma_start3A_232 = arith.constant 0 : i32
      %dma_start3A_233 = tpu.memref_slice %arg13[%add3A_7, %dma_start3A_232] : memref<10240x128xf32, #tpu.memory_space<vmem_shared>> -> memref<40x128xf32, #tpu.memory_space<vmem_shared>>
      %dma_start3A_234 = arith.constant 0 : i32
      %dma_start3A_235 = arith.constant 0 : i32
      %dma_start3A_236 = tpu.memref_slice %arg12[%dma_start3A_234, %dma_start3A_235] : memref<40x128xf32, #tpu.memory_space<vmem>> -> memref<40x128xf32, #tpu.memory_space<vmem>>
      tpu.enqueue_dma source(%dma_start3A_236 : memref<40x128xf32, #tpu.memory_space<vmem>>) target(%dma_start3A_233 : memref<40x128xf32, #tpu.memory_space<vmem_shared>>) target_semaphore(%run_scoped3A : memref<!tpu.dma_semaphore, #tpu.memory_space<semaphore_mem>>)
      %dma_wait3A = arith.constant 0 : i32
      %dma_wait3A_237 = arith.constant 0 : i32
      %dma_wait3A_238 = tpu.memref_slice %arg12[%dma_wait3A, %dma_wait3A_237] : memref<40x128xf32, #tpu.memory_space<vmem>> -> memref<40x128xf32, #tpu.memory_space<vmem>>
      %dma_wait3A_239 = arith.constant 0 : i32
      %dma_wait3A_240 = tpu.memref_slice %arg13[%add3A_7, %dma_wait3A_239] : memref<10240x128xf32, #tpu.memory_space<vmem_shared>> -> memref<40x128xf32, #tpu.memory_space<vmem_shared>>
      %dma_wait3A_241 = arith.constant 0 : i32
      %dma_wait3A_242 = tpu.memref_slice %arg13[%add3A_7, %dma_wait3A_241] : memref<10240x128xf32, #tpu.memory_space<vmem_shared>> -> memref<40x128xf32, #tpu.memory_space<vmem_shared>>
      %dma_wait3A_243 = arith.constant 0 : i32
      %dma_wait3A_244 = arith.constant 0 : i32
      %dma_wait3A_245 = tpu.memref_slice %arg12[%dma_wait3A_243, %dma_wait3A_244] : memref<40x128xf32, #tpu.memory_space<vmem>> -> memref<40x128xf32, #tpu.memory_space<vmem>>
      tpu.wait_dma2 semaphore(%run_scoped3A : memref<!tpu.dma_semaphore, #tpu.memory_space<semaphore_mem>>) src(%dma_wait3A_245 : memref<40x128xf32, #tpu.memory_space<vmem>>) dst(%dma_wait3A_242 : memref<40x128xf32, #tpu.memory_space<vmem_shared>>)
      tpu.yield
    }) : () -> ()
    %mul3A_8 = arith.constant 640 : i32
    %mul3A_9 = arith.muli %arg1, %mul3A_8 : i32
    %add3A_10 = arith.constant 40 : i32
    %add3A_11 = arith.addi %mul3A_9, %add3A_10 : i32
    "tpu.region"() ({
      %run_scoped3A = tpu.sem_alloc : memref<!tpu.dma_semaphore, #tpu.memory_space<semaphore_mem>>
      %dma_start3A = arith.constant 0 : i32
      %dma_start3A_228 = arith.constant 0 : i32
      %dma_start3A_229 = tpu.memref_slice %arg12[%dma_start3A, %dma_start3A_228] : memref<40x128xf32, #tpu.memory_space<vmem>> -> memref<40x128xf32, #tpu.memory_space<vmem>>
      %dma_start3A_230 = arith.constant 0 : i32
      %dma_start3A_231 = tpu.memref_slice %arg13[%add3A_11, %dma_start3A_230] : memref<10240x128xf32, #tpu.memory_space<vmem_shared>> -> memref<40x128xf32, #tpu.memory_space<vmem_shared>>
      %dma_start3A_232 = arith.constant 0 : i32
      %dma_start3A_233 = tpu.memref_slice %arg13[%add3A_11, %dma_start3A_232] : memref<10240x128xf32, #tpu.memory_space<vmem_shared>> -> memref<40x128xf32, #tpu.memory_space<vmem_shared>>
      %dma_start3A_234 = arith.constant 0 : i32
      %dma_start3A_235 = arith.constant 0 : i32
      %dma_start3A_236 = tpu.memref_slice %arg12[%dma_start3A_234, %dma_start3A_235] : memref<40x128xf32, #tpu.memory_space<vmem>> -> memref<40x128xf32, #tpu.memory_space<vmem>>
      tpu.enqueue_dma source(%dma_start3A_236 : memref<40x128xf32, #tpu.memory_space<vmem>>) target(%dma_start3A_233 : memref<40x128xf32, #tpu.memory_space<vmem_shared>>) target_semaphore(%run_scoped3A : memref<!tpu.dma_semaphore, #tpu.memory_space<semaphore_mem>>)
      %dma_wait3A = arith.constant 0 : i32
      %dma_wait3A_237 = arith.constant 0 : i32
      %dma_wait3A_238 = tpu.memref_slice %arg12[%dma_wait3A, %dma_wait3A_237] : memref<40x128xf32, #tpu.memory_space<vmem>> -> memref<40x128xf32, #tpu.memory_space<vmem>>
      %dma_wait3A_239 = arith.constant 0 : i32
      %dma_wait3A_240 = tpu.memref_slice %arg13[%add3A_11, %dma_wait3A_239] : memref<10240x128xf32, #tpu.memory_space<vmem_shared>> -> memref<40x128xf32, #tpu.memory_space<vmem_shared>>
      %dma_wait3A_241 = arith.constant 0 : i32
      %dma_wait3A_242 = tpu.memref_slice %arg13[%add3A_11, %dma_wait3A_241] : memref<10240x128xf32, #tpu.memory_space<vmem_shared>> -> memref<40x128xf32, #tpu.memory_space<vmem_shared>>
      %dma_wait3A_243 = arith.constant 0 : i32
      %dma_wait3A_244 = arith.constant 0 : i32
      %dma_wait3A_245 = tpu.memref_slice %arg12[%dma_wait3A_243, %dma_wait3A_244] : memref<40x128xf32, #tpu.memory_space<vmem>> -> memref<40x128xf32, #tpu.memory_space<vmem>>
      tpu.wait_dma2 semaphore(%run_scoped3A : memref<!tpu.dma_semaphore, #tpu.memory_space<semaphore_mem>>) src(%dma_wait3A_245 : memref<40x128xf32, #tpu.memory_space<vmem>>) dst(%dma_wait3A_242 : memref<40x128xf32, #tpu.memory_space<vmem_shared>>)
      tpu.yield
    }) : () -> ()
    %mul3A_12 = arith.constant 640 : i32
    %mul3A_13 = arith.muli %arg1, %mul3A_12 : i32
    %add3A_14 = arith.constant 80 : i32
    %add3A_15 = arith.addi %mul3A_13, %add3A_14 : i32
    "tpu.region"() ({
      %run_scoped3A = tpu.sem_alloc : memref<!tpu.dma_semaphore, #tpu.memory_space<semaphore_mem>>
      %dma_start3A = arith.constant 0 : i32
      %dma_start3A_228 = arith.constant 0 : i32
      %dma_start3A_229 = tpu.memref_slice %arg12[%dma_start3A, %dma_start3A_228] : memref<40x128xf32, #tpu.memory_space<vmem>> -> memref<40x128xf32, #tpu.memory_space<vmem>>
      %dma_start3A_230 = arith.constant 0 : i32
      %dma_start3A_231 = tpu.memref_slice %arg13[%add3A_15, %dma_start3A_230] : memref<10240x128xf32, #tpu.memory_space<vmem_shared>> -> memref<40x128xf32, #tpu.memory_space<vmem_shared>>
      %dma_start3A_232 = arith.constant 0 : i32
      %dma_start3A_233 = tpu.memref_slice %arg13[%add3A_15, %dma_start3A_232] : memref<10240x128xf32, #tpu.memory_space<vmem_shared>> -> memref<40x128xf32, #tpu.memory_space<vmem_shared>>
      %dma_start3A_234 = arith.constant 0 : i32
      %dma_start3A_235 = arith.constant 0 : i32
      %dma_start3A_236 = tpu.memref_slice %arg12[%dma_start3A_234, %dma_start3A_235] : memref<40x128xf32, #tpu.memory_space<vmem>> -> memref<40x128xf32, #tpu.memory_space<vmem>>
      tpu.enqueue_dma source(%dma_start3A_236 : memref<40x128xf32, #tpu.memory_space<vmem>>) target(%dma_start3A_233 : memref<40x128xf32, #tpu.memory_space<vmem_shared>>) target_semaphore(%run_scoped3A : memref<!tpu.dma_semaphore, #tpu.memory_space<semaphore_mem>>)
      %dma_wait3A = arith.constant 0 : i32
      %dma_wait3A_237 = arith.constant 0 : i32
      %dma_wait3A_238 = tpu.memref_slice %arg12[%dma_wait3A, %dma_wait3A_237] : memref<40x128xf32, #tpu.memory_space<vmem>> -> memref<40x128xf32, #tpu.memory_space<vmem>>
      %dma_wait3A_239 = arith.constant 0 : i32
      %dma_wait3A_240 = tpu.memref_slice %arg13[%add3A_15, %dma_wait3A_239] : memref<10240x128xf32, #tpu.memory_space<vmem_shared>> -> memref<40x128xf32, #tpu.memory_space<vmem_shared>>
      %dma_wait3A_241 = arith.constant 0 : i32
      %dma_wait3A_242 = tpu.memref_slice %arg13[%add3A_15, %dma_wait3A_241] : memref<10240x128xf32, #tpu.memory_space<vmem_shared>> -> memref<40x128xf32, #tpu.memory_space<vmem_shared>>
      %dma_wait3A_243 = arith.constant 0 : i32
      %dma_wait3A_244 = arith.constant 0 : i32
      %dma_wait3A_245 = tpu.memref_slice %arg12[%dma_wait3A_243, %dma_wait3A_244] : memref<40x128xf32, #tpu.memory_space<vmem>> -> memref<40x128xf32, #tpu.memory_space<vmem>>
      tpu.wait_dma2 semaphore(%run_scoped3A : memref<!tpu.dma_semaphore, #tpu.memory_space<semaphore_mem>>) src(%dma_wait3A_245 : memref<40x128xf32, #tpu.memory_space<vmem>>) dst(%dma_wait3A_242 : memref<40x128xf32, #tpu.memory_space<vmem_shared>>)
      tpu.yield
    }) : () -> ()
    %mul3A_16 = arith.constant 640 : i32
    %mul3A_17 = arith.muli %arg1, %mul3A_16 : i32
    %add3A_18 = arith.constant 120 : i32
    %add3A_19 = arith.addi %mul3A_17, %add3A_18 : i32
    "tpu.region"() ({
      %run_scoped3A = tpu.sem_alloc : memref<!tpu.dma_semaphore, #tpu.memory_space<semaphore_mem>>
      %dma_start3A = arith.constant 0 : i32
      %dma_start3A_228 = arith.constant 0 : i32
      %dma_start3A_229 = tpu.memref_slice %arg12[%dma_start3A, %dma_start3A_228] : memref<40x128xf32, #tpu.memory_space<vmem>> -> memref<40x128xf32, #tpu.memory_space<vmem>>
      %dma_start3A_230 = arith.constant 0 : i32
      %dma_start3A_231 = tpu.memref_slice %arg13[%add3A_19, %dma_start3A_230] : memref<10240x128xf32, #tpu.memory_space<vmem_shared>> -> memref<40x128xf32, #tpu.memory_space<vmem_shared>>
      %dma_start3A_232 = arith.constant 0 : i32
      %dma_start3A_233 = tpu.memref_slice %arg13[%add3A_19, %dma_start3A_232] : memref<10240x128xf32, #tpu.memory_space<vmem_shared>> -> memref<40x128xf32, #tpu.memory_space<vmem_shared>>
      %dma_start3A_234 = arith.constant 0 : i32
      %dma_start3A_235 = arith.constant 0 : i32
      %dma_start3A_236 = tpu.memref_slice %arg12[%dma_start3A_234, %dma_start3A_235] : memref<40x128xf32, #tpu.memory_space<vmem>> -> memref<40x128xf32, #tpu.memory_space<vmem>>
      tpu.enqueue_dma source(%dma_start3A_236 : memref<40x128xf32, #tpu.memory_space<vmem>>) target(%dma_start3A_233 : memref<40x128xf32, #tpu.memory_space<vmem_shared>>) target_semaphore(%run_scoped3A : memref<!tpu.dma_semaphore, #tpu.memory_space<semaphore_mem>>)
      %dma_wait3A = arith.constant 0 : i32
      %dma_wait3A_237 = arith.constant 0 : i32
      %dma_wait3A_238 = tpu.memref_slice %arg12[%dma_wait3A, %dma_wait3A_237] : memref<40x128xf32, #tpu.memory_space<vmem>> -> memref<40x128xf32, #tpu.memory_space<vmem>>
      %dma_wait3A_239 = arith.constant 0 : i32
      %dma_wait3A_240 = tpu.memref_slice %arg13[%add3A_19, %dma_wait3A_239] : memref<10240x128xf32, #tpu.memory_space<vmem_shared>> -> memref<40x128xf32, #tpu.memory_space<vmem_shared>>
      %dma_wait3A_241 = arith.constant 0 : i32
      %dma_wait3A_242 = tpu.memref_slice %arg13[%add3A_19, %dma_wait3A_241] : memref<10240x128xf32, #tpu.memory_space<vmem_shared>> -> memref<40x128xf32, #tpu.memory_space<vmem_shared>>
      %dma_wait3A_243 = arith.constant 0 : i32
      %dma_wait3A_244 = arith.constant 0 : i32
      %dma_wait3A_245 = tpu.memref_slice %arg12[%dma_wait3A_243, %dma_wait3A_244] : memref<40x128xf32, #tpu.memory_space<vmem>> -> memref<40x128xf32, #tpu.memory_space<vmem>>
      tpu.wait_dma2 semaphore(%run_scoped3A : memref<!tpu.dma_semaphore, #tpu.memory_space<semaphore_mem>>) src(%dma_wait3A_245 : memref<40x128xf32, #tpu.memory_space<vmem>>) dst(%dma_wait3A_242 : memref<40x128xf32, #tpu.memory_space<vmem_shared>>)
      tpu.yield
    }) : () -> ()
    %mul3A_20 = arith.constant 640 : i32
    %mul3A_21 = arith.muli %arg1, %mul3A_20 : i32
    %add3A_22 = arith.constant 160 : i32
    %add3A_23 = arith.addi %mul3A_21, %add3A_22 : i32
    "tpu.region"() ({
      %run_scoped3A = tpu.sem_alloc : memref<!tpu.dma_semaphore, #tpu.memory_space<semaphore_mem>>
      %dma_start3A = arith.constant 0 : i32
      %dma_start3A_228 = arith.constant 0 : i32
      %dma_start3A_229 = tpu.memref_slice %arg12[%dma_start3A, %dma_start3A_228] : memref<40x128xf32, #tpu.memory_space<vmem>> -> memref<40x128xf32, #tpu.memory_space<vmem>>
      %dma_start3A_230 = arith.constant 0 : i32
      %dma_start3A_231 = tpu.memref_slice %arg13[%add3A_23, %dma_start3A_230] : memref<10240x128xf32, #tpu.memory_space<vmem_shared>> -> memref<40x128xf32, #tpu.memory_space<vmem_shared>>
      %dma_start3A_232 = arith.constant 0 : i32
      %dma_start3A_233 = tpu.memref_slice %arg13[%add3A_23, %dma_start3A_232] : memref<10240x128xf32, #tpu.memory_space<vmem_shared>> -> memref<40x128xf32, #tpu.memory_space<vmem_shared>>
      %dma_start3A_234 = arith.constant 0 : i32
      %dma_start3A_235 = arith.constant 0 : i32
      %dma_start3A_236 = tpu.memref_slice %arg12[%dma_start3A_234, %dma_start3A_235] : memref<40x128xf32, #tpu.memory_space<vmem>> -> memref<40x128xf32, #tpu.memory_space<vmem>>
      tpu.enqueue_dma source(%dma_start3A_236 : memref<40x128xf32, #tpu.memory_space<vmem>>) target(%dma_start3A_233 : memref<40x128xf32, #tpu.memory_space<vmem_shared>>) target_semaphore(%run_scoped3A : memref<!tpu.dma_semaphore, #tpu.memory_space<semaphore_mem>>)
      %dma_wait3A = arith.constant 0 : i32
      %dma_wait3A_237 = arith.constant 0 : i32
      %dma_wait3A_238 = tpu.memref_slice %arg12[%dma_wait3A, %dma_wait3A_237] : memref<40x128xf32, #tpu.memory_space<vmem>> -> memref<40x128xf32, #tpu.memory_space<vmem>>
      %dma_wait3A_239 = arith.constant 0 : i32
      %dma_wait3A_240 = tpu.memref_slice %arg13[%add3A_23, %dma_wait3A_239] : memref<10240x128xf32, #tpu.memory_space<vmem_shared>> -> memref<40x128xf32, #tpu.memory_space<vmem_shared>>
      %dma_wait3A_241 = arith.constant 0 : i32
      %dma_wait3A_242 = tpu.memref_slice %arg13[%add3A_23, %dma_wait3A_241] : memref<10240x128xf32, #tpu.memory_space<vmem_shared>> -> memref<40x128xf32, #tpu.memory_space<vmem_shared>>
      %dma_wait3A_243 = arith.constant 0 : i32
      %dma_wait3A_244 = arith.constant 0 : i32
      %dma_wait3A_245 = tpu.memref_slice %arg12[%dma_wait3A_243, %dma_wait3A_244] : memref<40x128xf32, #tpu.memory_space<vmem>> -> memref<40x128xf32, #tpu.memory_space<vmem>>
      tpu.wait_dma2 semaphore(%run_scoped3A : memref<!tpu.dma_semaphore, #tpu.memory_space<semaphore_mem>>) src(%dma_wait3A_245 : memref<40x128xf32, #tpu.memory_space<vmem>>) dst(%dma_wait3A_242 : memref<40x128xf32, #tpu.memory_space<vmem_shared>>)
      tpu.yield
    }) : () -> ()
    %mul3A_24 = arith.constant 640 : i32
    %mul3A_25 = arith.muli %arg1, %mul3A_24 : i32
    %add3A_26 = arith.constant 200 : i32
    %add3A_27 = arith.addi %mul3A_25, %add3A_26 : i32
    "tpu.region"() ({
      %run_scoped3A = tpu.sem_alloc : memref<!tpu.dma_semaphore, #tpu.memory_space<semaphore_mem>>
      %dma_start3A = arith.constant 0 : i32
      %dma_start3A_228 = arith.constant 0 : i32
      %dma_start3A_229 = tpu.memref_slice %arg12[%dma_start3A, %dma_start3A_228] : memref<40x128xf32, #tpu.memory_space<vmem>> -> memref<40x128xf32, #tpu.memory_space<vmem>>
      %dma_start3A_230 = arith.constant 0 : i32
      %dma_start3A_231 = tpu.memref_slice %arg13[%add3A_27, %dma_start3A_230] : memref<10240x128xf32, #tpu.memory_space<vmem_shared>> -> memref<40x128xf32, #tpu.memory_space<vmem_shared>>
      %dma_start3A_232 = arith.constant 0 : i32
      %dma_start3A_233 = tpu.memref_slice %arg13[%add3A_27, %dma_start3A_232] : memref<10240x128xf32, #tpu.memory_space<vmem_shared>> -> memref<40x128xf32, #tpu.memory_space<vmem_shared>>
      %dma_start3A_234 = arith.constant 0 : i32
      %dma_start3A_235 = arith.constant 0 : i32
      %dma_start3A_236 = tpu.memref_slice %arg12[%dma_start3A_234, %dma_start3A_235] : memref<40x128xf32, #tpu.memory_space<vmem>> -> memref<40x128xf32, #tpu.memory_space<vmem>>
      tpu.enqueue_dma source(%dma_start3A_236 : memref<40x128xf32, #tpu.memory_space<vmem>>) target(%dma_start3A_233 : memref<40x128xf32, #tpu.memory_space<vmem_shared>>) target_semaphore(%run_scoped3A : memref<!tpu.dma_semaphore, #tpu.memory_space<semaphore_mem>>)
      %dma_wait3A = arith.constant 0 : i32
      %dma_wait3A_237 = arith.constant 0 : i32
      %dma_wait3A_238 = tpu.memref_slice %arg12[%dma_wait3A, %dma_wait3A_237] : memref<40x128xf32, #tpu.memory_space<vmem>> -> memref<40x128xf32, #tpu.memory_space<vmem>>
      %dma_wait3A_239 = arith.constant 0 : i32
      %dma_wait3A_240 = tpu.memref_slice %arg13[%add3A_27, %dma_wait3A_239] : memref<10240x128xf32, #tpu.memory_space<vmem_shared>> -> memref<40x128xf32, #tpu.memory_space<vmem_shared>>
      %dma_wait3A_241 = arith.constant 0 : i32
      %dma_wait3A_242 = tpu.memref_slice %arg13[%add3A_27, %dma_wait3A_241] : memref<10240x128xf32, #tpu.memory_space<vmem_shared>> -> memref<40x128xf32, #tpu.memory_space<vmem_shared>>
      %dma_wait3A_243 = arith.constant 0 : i32
      %dma_wait3A_244 = arith.constant 0 : i32
      %dma_wait3A_245 = tpu.memref_slice %arg12[%dma_wait3A_243, %dma_wait3A_244] : memref<40x128xf32, #tpu.memory_space<vmem>> -> memref<40x128xf32, #tpu.memory_space<vmem>>
      tpu.wait_dma2 semaphore(%run_scoped3A : memref<!tpu.dma_semaphore, #tpu.memory_space<semaphore_mem>>) src(%dma_wait3A_245 : memref<40x128xf32, #tpu.memory_space<vmem>>) dst(%dma_wait3A_242 : memref<40x128xf32, #tpu.memory_space<vmem_shared>>)
      tpu.yield
    }) : () -> ()
    %mul3A_28 = arith.constant 640 : i32
    %mul3A_29 = arith.muli %arg1, %mul3A_28 : i32
    %add3A_30 = arith.constant 240 : i32
    %add3A_31 = arith.addi %mul3A_29, %add3A_30 : i32
    "tpu.region"() ({
      %run_scoped3A = tpu.sem_alloc : memref<!tpu.dma_semaphore, #tpu.memory_space<semaphore_mem>>
      %dma_start3A = arith.constant 0 : i32
      %dma_start3A_228 = arith.constant 0 : i32
      %dma_start3A_229 = tpu.memref_slice %arg12[%dma_start3A, %dma_start3A_228] : memref<40x128xf32, #tpu.memory_space<vmem>> -> memref<40x128xf32, #tpu.memory_space<vmem>>
      %dma_start3A_230 = arith.constant 0 : i32
      %dma_start3A_231 = tpu.memref_slice %arg13[%add3A_31, %dma_start3A_230] : memref<10240x128xf32, #tpu.memory_space<vmem_shared>> -> memref<40x128xf32, #tpu.memory_space<vmem_shared>>
      %dma_start3A_232 = arith.constant 0 : i32
      %dma_start3A_233 = tpu.memref_slice %arg13[%add3A_31, %dma_start3A_232] : memref<10240x128xf32, #tpu.memory_space<vmem_shared>> -> memref<40x128xf32, #tpu.memory_space<vmem_shared>>
      %dma_start3A_234 = arith.constant 0 : i32
      %dma_start3A_235 = arith.constant 0 : i32
      %dma_start3A_236 = tpu.memref_slice %arg12[%dma_start3A_234, %dma_start3A_235] : memref<40x128xf32, #tpu.memory_space<vmem>> -> memref<40x128xf32, #tpu.memory_space<vmem>>
      tpu.enqueue_dma source(%dma_start3A_236 : memref<40x128xf32, #tpu.memory_space<vmem>>) target(%dma_start3A_233 : memref<40x128xf32, #tpu.memory_space<vmem_shared>>) target_semaphore(%run_scoped3A : memref<!tpu.dma_semaphore, #tpu.memory_space<semaphore_mem>>)
      %dma_wait3A = arith.constant 0 : i32
      %dma_wait3A_237 = arith.constant 0 : i32
      %dma_wait3A_238 = tpu.memref_slice %arg12[%dma_wait3A, %dma_wait3A_237] : memref<40x128xf32, #tpu.memory_space<vmem>> -> memref<40x128xf32, #tpu.memory_space<vmem>>
      %dma_wait3A_239 = arith.constant 0 : i32
      %dma_wait3A_240 = tpu.memref_slice %arg13[%add3A_31, %dma_wait3A_239] : memref<10240x128xf32, #tpu.memory_space<vmem_shared>> -> memref<40x128xf32, #tpu.memory_space<vmem_shared>>
      %dma_wait3A_241 = arith.constant 0 : i32
      %dma_wait3A_242 = tpu.memref_slice %arg13[%add3A_31, %dma_wait3A_241] : memref<10240x128xf32, #tpu.memory_space<vmem_shared>> -> memref<40x128xf32, #tpu.memory_space<vmem_shared>>
      %dma_wait3A_243 = arith.constant 0 : i32
      %dma_wait3A_244 = arith.constant 0 : i32
      %dma_wait3A_245 = tpu.memref_slice %arg12[%dma_wait3A_243, %dma_wait3A_244] : memref<40x128xf32, #tpu.memory_space<vmem>> -> memref<40x128xf32, #tpu.memory_space<vmem>>
      tpu.wait_dma2 semaphore(%run_scoped3A : memref<!tpu.dma_semaphore, #tpu.memory_space<semaphore_mem>>) src(%dma_wait3A_245 : memref<40x128xf32, #tpu.memory_space<vmem>>) dst(%dma_wait3A_242 : memref<40x128xf32, #tpu.memory_space<vmem_shared>>)
      tpu.yield
    }) : () -> ()
    %mul3A_32 = arith.constant 640 : i32
    %mul3A_33 = arith.muli %arg1, %mul3A_32 : i32
    %add3A_34 = arith.constant 280 : i32
    %add3A_35 = arith.addi %mul3A_33, %add3A_34 : i32
    "tpu.region"() ({
      %run_scoped3A = tpu.sem_alloc : memref<!tpu.dma_semaphore, #tpu.memory_space<semaphore_mem>>
      %dma_start3A = arith.constant 0 : i32
      %dma_start3A_228 = arith.constant 0 : i32
      %dma_start3A_229 = tpu.memref_slice %arg12[%dma_start3A, %dma_start3A_228] : memref<40x128xf32, #tpu.memory_space<vmem>> -> memref<40x128xf32, #tpu.memory_space<vmem>>
      %dma_start3A_230 = arith.constant 0 : i32
      %dma_start3A_231 = tpu.memref_slice %arg13[%add3A_35, %dma_start3A_230] : memref<10240x128xf32, #tpu.memory_space<vmem_shared>> -> memref<40x128xf32, #tpu.memory_space<vmem_shared>>
      %dma_start3A_232 = arith.constant 0 : i32
      %dma_start3A_233 = tpu.memref_slice %arg13[%add3A_35, %dma_start3A_232] : memref<10240x128xf32, #tpu.memory_space<vmem_shared>> -> memref<40x128xf32, #tpu.memory_space<vmem_shared>>
      %dma_start3A_234 = arith.constant 0 : i32
      %dma_start3A_235 = arith.constant 0 : i32
      %dma_start3A_236 = tpu.memref_slice %arg12[%dma_start3A_234, %dma_start3A_235] : memref<40x128xf32, #tpu.memory_space<vmem>> -> memref<40x128xf32, #tpu.memory_space<vmem>>
      tpu.enqueue_dma source(%dma_start3A_236 : memref<40x128xf32, #tpu.memory_space<vmem>>) target(%dma_start3A_233 : memref<40x128xf32, #tpu.memory_space<vmem_shared>>) target_semaphore(%run_scoped3A : memref<!tpu.dma_semaphore, #tpu.memory_space<semaphore_mem>>)
      %dma_wait3A = arith.constant 0 : i32
      %dma_wait3A_237 = arith.constant 0 : i32
      %dma_wait3A_238 = tpu.memref_slice %arg12[%dma_wait3A, %dma_wait3A_237] : memref<40x128xf32, #tpu.memory_space<vmem>> -> memref<40x128xf32, #tpu.memory_space<vmem>>
      %dma_wait3A_239 = arith.constant 0 : i32
      %dma_wait3A_240 = tpu.memref_slice %arg13[%add3A_35, %dma_wait3A_239] : memref<10240x128xf32, #tpu.memory_space<vmem_shared>> -> memref<40x128xf32, #tpu.memory_space<vmem_shared>>
      %dma_wait3A_241 = arith.constant 0 : i32
      %dma_wait3A_242 = tpu.memref_slice %arg13[%add3A_35, %dma_wait3A_241] : memref<10240x128xf32, #tpu.memory_space<vmem_shared>> -> memref<40x128xf32, #tpu.memory_space<vmem_shared>>
      %dma_wait3A_243 = arith.constant 0 : i32
      %dma_wait3A_244 = arith.constant 0 : i32
      %dma_wait3A_245 = tpu.memref_slice %arg12[%dma_wait3A_243, %dma_wait3A_244] : memref<40x128xf32, #tpu.memory_space<vmem>> -> memref<40x128xf32, #tpu.memory_space<vmem>>
      tpu.wait_dma2 semaphore(%run_scoped3A : memref<!tpu.dma_semaphore, #tpu.memory_space<semaphore_mem>>) src(%dma_wait3A_245 : memref<40x128xf32, #tpu.memory_space<vmem>>) dst(%dma_wait3A_242 : memref<40x128xf32, #tpu.memory_space<vmem_shared>>)
      tpu.yield
    }) : () -> ()
    %mul3A_36 = arith.constant 640 : i32
    %mul3A_37 = arith.muli %arg1, %mul3A_36 : i32
    %add3A_38 = arith.constant 320 : i32
    %add3A_39 = arith.addi %mul3A_37, %add3A_38 : i32
    "tpu.region"() ({
      %run_scoped3A = tpu.sem_alloc : memref<!tpu.dma_semaphore, #tpu.memory_space<semaphore_mem>>
      %dma_start3A = arith.constant 0 : i32
      %dma_start3A_228 = arith.constant 0 : i32
      %dma_start3A_229 = tpu.memref_slice %arg12[%dma_start3A, %dma_start3A_228] : memref<40x128xf32, #tpu.memory_space<vmem>> -> memref<40x128xf32, #tpu.memory_space<vmem>>
      %dma_start3A_230 = arith.constant 0 : i32
      %dma_start3A_231 = tpu.memref_slice %arg13[%add3A_39, %dma_start3A_230] : memref<10240x128xf32, #tpu.memory_space<vmem_shared>> -> memref<40x128xf32, #tpu.memory_space<vmem_shared>>
      %dma_start3A_232 = arith.constant 0 : i32
      %dma_start3A_233 = tpu.memref_slice %arg13[%add3A_39, %dma_start3A_232] : memref<10240x128xf32, #tpu.memory_space<vmem_shared>> -> memref<40x128xf32, #tpu.memory_space<vmem_shared>>
      %dma_start3A_234 = arith.constant 0 : i32
      %dma_start3A_235 = arith.constant 0 : i32
      %dma_start3A_236 = tpu.memref_slice %arg12[%dma_start3A_234, %dma_start3A_235] : memref<40x128xf32, #tpu.memory_space<vmem>> -> memref<40x128xf32, #tpu.memory_space<vmem>>
      tpu.enqueue_dma source(%dma_start3A_236 : memref<40x128xf32, #tpu.memory_space<vmem>>) target(%dma_start3A_233 : memref<40x128xf32, #tpu.memory_space<vmem_shared>>) target_semaphore(%run_scoped3A : memref<!tpu.dma_semaphore, #tpu.memory_space<semaphore_mem>>)
      %dma_wait3A = arith.constant 0 : i32
      %dma_wait3A_237 = arith.constant 0 : i32
      %dma_wait3A_238 = tpu.memref_slice %arg12[%dma_wait3A, %dma_wait3A_237] : memref<40x128xf32, #tpu.memory_space<vmem>> -> memref<40x128xf32, #tpu.memory_space<vmem>>
      %dma_wait3A_239 = arith.constant 0 : i32
      %dma_wait3A_240 = tpu.memref_slice %arg13[%add3A_39, %dma_wait3A_239] : memref<10240x128xf32, #tpu.memory_space<vmem_shared>> -> memref<40x128xf32, #tpu.memory_space<vmem_shared>>
      %dma_wait3A_241 = arith.constant 0 : i32
      %dma_wait3A_242 = tpu.memref_slice %arg13[%add3A_39, %dma_wait3A_241] : memref<10240x128xf32, #tpu.memory_space<vmem_shared>> -> memref<40x128xf32, #tpu.memory_space<vmem_shared>>
      %dma_wait3A_243 = arith.constant 0 : i32
      %dma_wait3A_244 = arith.constant 0 : i32
      %dma_wait3A_245 = tpu.memref_slice %arg12[%dma_wait3A_243, %dma_wait3A_244] : memref<40x128xf32, #tpu.memory_space<vmem>> -> memref<40x128xf32, #tpu.memory_space<vmem>>
      tpu.wait_dma2 semaphore(%run_scoped3A : memref<!tpu.dma_semaphore, #tpu.memory_space<semaphore_mem>>) src(%dma_wait3A_245 : memref<40x128xf32, #tpu.memory_space<vmem>>) dst(%dma_wait3A_242 : memref<40x128xf32, #tpu.memory_space<vmem_shared>>)
      tpu.yield
    }) : () -> ()
    %mul3A_40 = arith.constant 640 : i32
    %mul3A_41 = arith.muli %arg1, %mul3A_40 : i32
    %add3A_42 = arith.constant 360 : i32
    %add3A_43 = arith.addi %mul3A_41, %add3A_42 : i32
    "tpu.region"() ({
      %run_scoped3A = tpu.sem_alloc : memref<!tpu.dma_semaphore, #tpu.memory_space<semaphore_mem>>
      %dma_start3A = arith.constant 0 : i32
      %dma_start3A_228 = arith.constant 0 : i32
      %dma_start3A_229 = tpu.memref_slice %arg12[%dma_start3A, %dma_start3A_228] : memref<40x128xf32, #tpu.memory_space<vmem>> -> memref<40x128xf32, #tpu.memory_space<vmem>>
      %dma_start3A_230 = arith.constant 0 : i32
      %dma_start3A_231 = tpu.memref_slice %arg13[%add3A_43, %dma_start3A_230] : memref<10240x128xf32, #tpu.memory_space<vmem_shared>> -> memref<40x128xf32, #tpu.memory_space<vmem_shared>>
      %dma_start3A_232 = arith.constant 0 : i32
      %dma_start3A_233 = tpu.memref_slice %arg13[%add3A_43, %dma_start3A_232] : memref<10240x128xf32, #tpu.memory_space<vmem_shared>> -> memref<40x128xf32, #tpu.memory_space<vmem_shared>>
      %dma_start3A_234 = arith.constant 0 : i32
      %dma_start3A_235 = arith.constant 0 : i32
      %dma_start3A_236 = tpu.memref_slice %arg12[%dma_start3A_234, %dma_start3A_235] : memref<40x128xf32, #tpu.memory_space<vmem>> -> memref<40x128xf32, #tpu.memory_space<vmem>>
      tpu.enqueue_dma source(%dma_start3A_236 : memref<40x128xf32, #tpu.memory_space<vmem>>) target(%dma_start3A_233 : memref<40x128xf32, #tpu.memory_space<vmem_shared>>) target_semaphore(%run_scoped3A : memref<!tpu.dma_semaphore, #tpu.memory_space<semaphore_mem>>)
      %dma_wait3A = arith.constant 0 : i32
      %dma_wait3A_237 = arith.constant 0 : i32
      %dma_wait3A_238 = tpu.memref_slice %arg12[%dma_wait3A, %dma_wait3A_237] : memref<40x128xf32, #tpu.memory_space<vmem>> -> memref<40x128xf32, #tpu.memory_space<vmem>>
      %dma_wait3A_239 = arith.constant 0 : i32
      %dma_wait3A_240 = tpu.memref_slice %arg13[%add3A_43, %dma_wait3A_239] : memref<10240x128xf32, #tpu.memory_space<vmem_shared>> -> memref<40x128xf32, #tpu.memory_space<vmem_shared>>
      %dma_wait3A_241 = arith.constant 0 : i32
      %dma_wait3A_242 = tpu.memref_slice %arg13[%add3A_43, %dma_wait3A_241] : memref<10240x128xf32, #tpu.memory_space<vmem_shared>> -> memref<40x128xf32, #tpu.memory_space<vmem_shared>>
      %dma_wait3A_243 = arith.constant 0 : i32
      %dma_wait3A_244 = arith.constant 0 : i32
      %dma_wait3A_245 = tpu.memref_slice %arg12[%dma_wait3A_243, %dma_wait3A_244] : memref<40x128xf32, #tpu.memory_space<vmem>> -> memref<40x128xf32, #tpu.memory_space<vmem>>
      tpu.wait_dma2 semaphore(%run_scoped3A : memref<!tpu.dma_semaphore, #tpu.memory_space<semaphore_mem>>) src(%dma_wait3A_245 : memref<40x128xf32, #tpu.memory_space<vmem>>) dst(%dma_wait3A_242 : memref<40x128xf32, #tpu.memory_space<vmem_shared>>)
      tpu.yield
    }) : () -> ()
    %mul3A_44 = arith.constant 640 : i32
    %mul3A_45 = arith.muli %arg1, %mul3A_44 : i32
    %add3A_46 = arith.constant 400 : i32
    %add3A_47 = arith.addi %mul3A_45, %add3A_46 : i32
    "tpu.region"() ({
      %run_scoped3A = tpu.sem_alloc : memref<!tpu.dma_semaphore, #tpu.memory_space<semaphore_mem>>
      %dma_start3A = arith.constant 0 : i32
      %dma_start3A_228 = arith.constant 0 : i32
      %dma_start3A_229 = tpu.memref_slice %arg12[%dma_start3A, %dma_start3A_228] : memref<40x128xf32, #tpu.memory_space<vmem>> -> memref<40x128xf32, #tpu.memory_space<vmem>>
      %dma_start3A_230 = arith.constant 0 : i32
      %dma_start3A_231 = tpu.memref_slice %arg13[%add3A_47, %dma_start3A_230] : memref<10240x128xf32, #tpu.memory_space<vmem_shared>> -> memref<40x128xf32, #tpu.memory_space<vmem_shared>>
      %dma_start3A_232 = arith.constant 0 : i32
      %dma_start3A_233 = tpu.memref_slice %arg13[%add3A_47, %dma_start3A_232] : memref<10240x128xf32, #tpu.memory_space<vmem_shared>> -> memref<40x128xf32, #tpu.memory_space<vmem_shared>>
      %dma_start3A_234 = arith.constant 0 : i32
      %dma_start3A_235 = arith.constant 0 : i32
      %dma_start3A_236 = tpu.memref_slice %arg12[%dma_start3A_234, %dma_start3A_235] : memref<40x128xf32, #tpu.memory_space<vmem>> -> memref<40x128xf32, #tpu.memory_space<vmem>>
      tpu.enqueue_dma source(%dma_start3A_236 : memref<40x128xf32, #tpu.memory_space<vmem>>) target(%dma_start3A_233 : memref<40x128xf32, #tpu.memory_space<vmem_shared>>) target_semaphore(%run_scoped3A : memref<!tpu.dma_semaphore, #tpu.memory_space<semaphore_mem>>)
      %dma_wait3A = arith.constant 0 : i32
      %dma_wait3A_237 = arith.constant 0 : i32
      %dma_wait3A_238 = tpu.memref_slice %arg12[%dma_wait3A, %dma_wait3A_237] : memref<40x128xf32, #tpu.memory_space<vmem>> -> memref<40x128xf32, #tpu.memory_space<vmem>>
      %dma_wait3A_239 = arith.constant 0 : i32
      %dma_wait3A_240 = tpu.memref_slice %arg13[%add3A_47, %dma_wait3A_239] : memref<10240x128xf32, #tpu.memory_space<vmem_shared>> -> memref<40x128xf32, #tpu.memory_space<vmem_shared>>
      %dma_wait3A_241 = arith.constant 0 : i32
      %dma_wait3A_242 = tpu.memref_slice %arg13[%add3A_47, %dma_wait3A_241] : memref<10240x128xf32, #tpu.memory_space<vmem_shared>> -> memref<40x128xf32, #tpu.memory_space<vmem_shared>>
      %dma_wait3A_243 = arith.constant 0 : i32
      %dma_wait3A_244 = arith.constant 0 : i32
      %dma_wait3A_245 = tpu.memref_slice %arg12[%dma_wait3A_243, %dma_wait3A_244] : memref<40x128xf32, #tpu.memory_space<vmem>> -> memref<40x128xf32, #tpu.memory_space<vmem>>
      tpu.wait_dma2 semaphore(%run_scoped3A : memref<!tpu.dma_semaphore, #tpu.memory_space<semaphore_mem>>) src(%dma_wait3A_245 : memref<40x128xf32, #tpu.memory_space<vmem>>) dst(%dma_wait3A_242 : memref<40x128xf32, #tpu.memory_space<vmem_shared>>)
      tpu.yield
    }) : () -> ()
    %mul3A_48 = arith.constant 640 : i32
    %mul3A_49 = arith.muli %arg1, %mul3A_48 : i32
    %add3A_50 = arith.constant 440 : i32
    %add3A_51 = arith.addi %mul3A_49, %add3A_50 : i32
    "tpu.region"() ({
      %run_scoped3A = tpu.sem_alloc : memref<!tpu.dma_semaphore, #tpu.memory_space<semaphore_mem>>
      %dma_start3A = arith.constant 0 : i32
      %dma_start3A_228 = arith.constant 0 : i32
      %dma_start3A_229 = tpu.memref_slice %arg12[%dma_start3A, %dma_start3A_228] : memref<40x128xf32, #tpu.memory_space<vmem>> -> memref<40x128xf32, #tpu.memory_space<vmem>>
      %dma_start3A_230 = arith.constant 0 : i32
      %dma_start3A_231 = tpu.memref_slice %arg13[%add3A_51, %dma_start3A_230] : memref<10240x128xf32, #tpu.memory_space<vmem_shared>> -> memref<40x128xf32, #tpu.memory_space<vmem_shared>>
      %dma_start3A_232 = arith.constant 0 : i32
      %dma_start3A_233 = tpu.memref_slice %arg13[%add3A_51, %dma_start3A_232] : memref<10240x128xf32, #tpu.memory_space<vmem_shared>> -> memref<40x128xf32, #tpu.memory_space<vmem_shared>>
      %dma_start3A_234 = arith.constant 0 : i32
      %dma_start3A_235 = arith.constant 0 : i32
      %dma_start3A_236 = tpu.memref_slice %arg12[%dma_start3A_234, %dma_start3A_235] : memref<40x128xf32, #tpu.memory_space<vmem>> -> memref<40x128xf32, #tpu.memory_space<vmem>>
      tpu.enqueue_dma source(%dma_start3A_236 : memref<40x128xf32, #tpu.memory_space<vmem>>) target(%dma_start3A_233 : memref<40x128xf32, #tpu.memory_space<vmem_shared>>) target_semaphore(%run_scoped3A : memref<!tpu.dma_semaphore, #tpu.memory_space<semaphore_mem>>)
      %dma_wait3A = arith.constant 0 : i32
      %dma_wait3A_237 = arith.constant 0 : i32
      %dma_wait3A_238 = tpu.memref_slice %arg12[%dma_wait3A, %dma_wait3A_237] : memref<40x128xf32, #tpu.memory_space<vmem>> -> memref<40x128xf32, #tpu.memory_space<vmem>>
      %dma_wait3A_239 = arith.constant 0 : i32
      %dma_wait3A_240 = tpu.memref_slice %arg13[%add3A_51, %dma_wait3A_239] : memref<10240x128xf32, #tpu.memory_space<vmem_shared>> -> memref<40x128xf32, #tpu.memory_space<vmem_shared>>
      %dma_wait3A_241 = arith.constant 0 : i32
      %dma_wait3A_242 = tpu.memref_slice %arg13[%add3A_51, %dma_wait3A_241] : memref<10240x128xf32, #tpu.memory_space<vmem_shared>> -> memref<40x128xf32, #tpu.memory_space<vmem_shared>>
      %dma_wait3A_243 = arith.constant 0 : i32
      %dma_wait3A_244 = arith.constant 0 : i32
      %dma_wait3A_245 = tpu.memref_slice %arg12[%dma_wait3A_243, %dma_wait3A_244] : memref<40x128xf32, #tpu.memory_space<vmem>> -> memref<40x128xf32, #tpu.memory_space<vmem>>
      tpu.wait_dma2 semaphore(%run_scoped3A : memref<!tpu.dma_semaphore, #tpu.memory_space<semaphore_mem>>) src(%dma_wait3A_245 : memref<40x128xf32, #tpu.memory_space<vmem>>) dst(%dma_wait3A_242 : memref<40x128xf32, #tpu.memory_space<vmem_shared>>)
      tpu.yield
    }) : () -> ()
    %mul3A_52 = arith.constant 640 : i32
    %mul3A_53 = arith.muli %arg1, %mul3A_52 : i32
    %add3A_54 = arith.constant 480 : i32
    %add3A_55 = arith.addi %mul3A_53, %add3A_54 : i32
    "tpu.region"() ({
      %run_scoped3A = tpu.sem_alloc : memref<!tpu.dma_semaphore, #tpu.memory_space<semaphore_mem>>
      %dma_start3A = arith.constant 0 : i32
      %dma_start3A_228 = arith.constant 0 : i32
      %dma_start3A_229 = tpu.memref_slice %arg12[%dma_start3A, %dma_start3A_228] : memref<40x128xf32, #tpu.memory_space<vmem>> -> memref<40x128xf32, #tpu.memory_space<vmem>>
      %dma_start3A_230 = arith.constant 0 : i32
      %dma_start3A_231 = tpu.memref_slice %arg13[%add3A_55, %dma_start3A_230] : memref<10240x128xf32, #tpu.memory_space<vmem_shared>> -> memref<40x128xf32, #tpu.memory_space<vmem_shared>>
      %dma_start3A_232 = arith.constant 0 : i32
      %dma_start3A_233 = tpu.memref_slice %arg13[%add3A_55, %dma_start3A_232] : memref<10240x128xf32, #tpu.memory_space<vmem_shared>> -> memref<40x128xf32, #tpu.memory_space<vmem_shared>>
      %dma_start3A_234 = arith.constant 0 : i32
      %dma_start3A_235 = arith.constant 0 : i32
      %dma_start3A_236 = tpu.memref_slice %arg12[%dma_start3A_234, %dma_start3A_235] : memref<40x128xf32, #tpu.memory_space<vmem>> -> memref<40x128xf32, #tpu.memory_space<vmem>>
      tpu.enqueue_dma source(%dma_start3A_236 : memref<40x128xf32, #tpu.memory_space<vmem>>) target(%dma_start3A_233 : memref<40x128xf32, #tpu.memory_space<vmem_shared>>) target_semaphore(%run_scoped3A : memref<!tpu.dma_semaphore, #tpu.memory_space<semaphore_mem>>)
      %dma_wait3A = arith.constant 0 : i32
      %dma_wait3A_237 = arith.constant 0 : i32
      %dma_wait3A_238 = tpu.memref_slice %arg12[%dma_wait3A, %dma_wait3A_237] : memref<40x128xf32, #tpu.memory_space<vmem>> -> memref<40x128xf32, #tpu.memory_space<vmem>>
      %dma_wait3A_239 = arith.constant 0 : i32
      %dma_wait3A_240 = tpu.memref_slice %arg13[%add3A_55, %dma_wait3A_239] : memref<10240x128xf32, #tpu.memory_space<vmem_shared>> -> memref<40x128xf32, #tpu.memory_space<vmem_shared>>
      %dma_wait3A_241 = arith.constant 0 : i32
      %dma_wait3A_242 = tpu.memref_slice %arg13[%add3A_55, %dma_wait3A_241] : memref<10240x128xf32, #tpu.memory_space<vmem_shared>> -> memref<40x128xf32, #tpu.memory_space<vmem_shared>>
      %dma_wait3A_243 = arith.constant 0 : i32
      %dma_wait3A_244 = arith.constant 0 : i32
      %dma_wait3A_245 = tpu.memref_slice %arg12[%dma_wait3A_243, %dma_wait3A_244] : memref<40x128xf32, #tpu.memory_space<vmem>> -> memref<40x128xf32, #tpu.memory_space<vmem>>
      tpu.wait_dma2 semaphore(%run_scoped3A : memref<!tpu.dma_semaphore, #tpu.memory_space<semaphore_mem>>) src(%dma_wait3A_245 : memref<40x128xf32, #tpu.memory_space<vmem>>) dst(%dma_wait3A_242 : memref<40x128xf32, #tpu.memory_space<vmem_shared>>)
      tpu.yield
    }) : () -> ()
    %mul3A_56 = arith.constant 640 : i32
    %mul3A_57 = arith.muli %arg1, %mul3A_56 : i32
    %add3A_58 = arith.constant 520 : i32
    %add3A_59 = arith.addi %mul3A_57, %add3A_58 : i32
    "tpu.region"() ({
      %run_scoped3A = tpu.sem_alloc : memref<!tpu.dma_semaphore, #tpu.memory_space<semaphore_mem>>
      %dma_start3A = arith.constant 0 : i32
      %dma_start3A_228 = arith.constant 0 : i32
      %dma_start3A_229 = tpu.memref_slice %arg12[%dma_start3A, %dma_start3A_228] : memref<40x128xf32, #tpu.memory_space<vmem>> -> memref<40x128xf32, #tpu.memory_space<vmem>>
      %dma_start3A_230 = arith.constant 0 : i32
      %dma_start3A_231 = tpu.memref_slice %arg13[%add3A_59, %dma_start3A_230] : memref<10240x128xf32, #tpu.memory_space<vmem_shared>> -> memref<40x128xf32, #tpu.memory_space<vmem_shared>>
      %dma_start3A_232 = arith.constant 0 : i32
      %dma_start3A_233 = tpu.memref_slice %arg13[%add3A_59, %dma_start3A_232] : memref<10240x128xf32, #tpu.memory_space<vmem_shared>> -> memref<40x128xf32, #tpu.memory_space<vmem_shared>>
      %dma_start3A_234 = arith.constant 0 : i32
      %dma_start3A_235 = arith.constant 0 : i32
      %dma_start3A_236 = tpu.memref_slice %arg12[%dma_start3A_234, %dma_start3A_235] : memref<40x128xf32, #tpu.memory_space<vmem>> -> memref<40x128xf32, #tpu.memory_space<vmem>>
      tpu.enqueue_dma source(%dma_start3A_236 : memref<40x128xf32, #tpu.memory_space<vmem>>) target(%dma_start3A_233 : memref<40x128xf32, #tpu.memory_space<vmem_shared>>) target_semaphore(%run_scoped3A : memref<!tpu.dma_semaphore, #tpu.memory_space<semaphore_mem>>)
      %dma_wait3A = arith.constant 0 : i32
      %dma_wait3A_237 = arith.constant 0 : i32
      %dma_wait3A_238 = tpu.memref_slice %arg12[%dma_wait3A, %dma_wait3A_237] : memref<40x128xf32, #tpu.memory_space<vmem>> -> memref<40x128xf32, #tpu.memory_space<vmem>>
      %dma_wait3A_239 = arith.constant 0 : i32
      %dma_wait3A_240 = tpu.memref_slice %arg13[%add3A_59, %dma_wait3A_239] : memref<10240x128xf32, #tpu.memory_space<vmem_shared>> -> memref<40x128xf32, #tpu.memory_space<vmem_shared>>
      %dma_wait3A_241 = arith.constant 0 : i32
      %dma_wait3A_242 = tpu.memref_slice %arg13[%add3A_59, %dma_wait3A_241] : memref<10240x128xf32, #tpu.memory_space<vmem_shared>> -> memref<40x128xf32, #tpu.memory_space<vmem_shared>>
      %dma_wait3A_243 = arith.constant 0 : i32
      %dma_wait3A_244 = arith.constant 0 : i32
      %dma_wait3A_245 = tpu.memref_slice %arg12[%dma_wait3A_243, %dma_wait3A_244] : memref<40x128xf32, #tpu.memory_space<vmem>> -> memref<40x128xf32, #tpu.memory_space<vmem>>
      tpu.wait_dma2 semaphore(%run_scoped3A : memref<!tpu.dma_semaphore, #tpu.memory_space<semaphore_mem>>) src(%dma_wait3A_245 : memref<40x128xf32, #tpu.memory_space<vmem>>) dst(%dma_wait3A_242 : memref<40x128xf32, #tpu.memory_space<vmem_shared>>)
      tpu.yield
    }) : () -> ()
    %mul3A_60 = arith.constant 640 : i32
    %mul3A_61 = arith.muli %arg1, %mul3A_60 : i32
    %add3A_62 = arith.constant 560 : i32
    %add3A_63 = arith.addi %mul3A_61, %add3A_62 : i32
    "tpu.region"() ({
      %run_scoped3A = tpu.sem_alloc : memref<!tpu.dma_semaphore, #tpu.memory_space<semaphore_mem>>
      %dma_start3A = arith.constant 0 : i32
      %dma_start3A_228 = arith.constant 0 : i32
      %dma_start3A_229 = tpu.memref_slice %arg12[%dma_start3A, %dma_start3A_228] : memref<40x128xf32, #tpu.memory_space<vmem>> -> memref<40x128xf32, #tpu.memory_space<vmem>>
      %dma_start3A_230 = arith.constant 0 : i32
      %dma_start3A_231 = tpu.memref_slice %arg13[%add3A_63, %dma_start3A_230] : memref<10240x128xf32, #tpu.memory_space<vmem_shared>> -> memref<40x128xf32, #tpu.memory_space<vmem_shared>>
      %dma_start3A_232 = arith.constant 0 : i32
      %dma_start3A_233 = tpu.memref_slice %arg13[%add3A_63, %dma_start3A_232] : memref<10240x128xf32, #tpu.memory_space<vmem_shared>> -> memref<40x128xf32, #tpu.memory_space<vmem_shared>>
      %dma_start3A_234 = arith.constant 0 : i32
      %dma_start3A_235 = arith.constant 0 : i32
      %dma_start3A_236 = tpu.memref_slice %arg12[%dma_start3A_234, %dma_start3A_235] : memref<40x128xf32, #tpu.memory_space<vmem>> -> memref<40x128xf32, #tpu.memory_space<vmem>>
      tpu.enqueue_dma source(%dma_start3A_236 : memref<40x128xf32, #tpu.memory_space<vmem>>) target(%dma_start3A_233 : memref<40x128xf32, #tpu.memory_space<vmem_shared>>) target_semaphore(%run_scoped3A : memref<!tpu.dma_semaphore, #tpu.memory_space<semaphore_mem>>)
      %dma_wait3A = arith.constant 0 : i32
      %dma_wait3A_237 = arith.constant 0 : i32
      %dma_wait3A_238 = tpu.memref_slice %arg12[%dma_wait3A, %dma_wait3A_237] : memref<40x128xf32, #tpu.memory_space<vmem>> -> memref<40x128xf32, #tpu.memory_space<vmem>>
      %dma_wait3A_239 = arith.constant 0 : i32
      %dma_wait3A_240 = tpu.memref_slice %arg13[%add3A_63, %dma_wait3A_239] : memref<10240x128xf32, #tpu.memory_space<vmem_shared>> -> memref<40x128xf32, #tpu.memory_space<vmem_shared>>
      %dma_wait3A_241 = arith.constant 0 : i32
      %dma_wait3A_242 = tpu.memref_slice %arg13[%add3A_63, %dma_wait3A_241] : memref<10240x128xf32, #tpu.memory_space<vmem_shared>> -> memref<40x128xf32, #tpu.memory_space<vmem_shared>>
      %dma_wait3A_243 = arith.constant 0 : i32
      %dma_wait3A_244 = arith.constant 0 : i32
      %dma_wait3A_245 = tpu.memref_slice %arg12[%dma_wait3A_243, %dma_wait3A_244] : memref<40x128xf32, #tpu.memory_space<vmem>> -> memref<40x128xf32, #tpu.memory_space<vmem>>
      tpu.wait_dma2 semaphore(%run_scoped3A : memref<!tpu.dma_semaphore, #tpu.memory_space<semaphore_mem>>) src(%dma_wait3A_245 : memref<40x128xf32, #tpu.memory_space<vmem>>) dst(%dma_wait3A_242 : memref<40x128xf32, #tpu.memory_space<vmem_shared>>)
      tpu.yield
    }) : () -> ()
    %mul3A_64 = arith.constant 640 : i32
    %mul3A_65 = arith.muli %arg1, %mul3A_64 : i32
    %add3A_66 = arith.constant 600 : i32
    %add3A_67 = arith.addi %mul3A_65, %add3A_66 : i32
    "tpu.region"() ({
      %run_scoped3A = tpu.sem_alloc : memref<!tpu.dma_semaphore, #tpu.memory_space<semaphore_mem>>
      %dma_start3A = arith.constant 0 : i32
      %dma_start3A_228 = arith.constant 0 : i32
      %dma_start3A_229 = tpu.memref_slice %arg12[%dma_start3A, %dma_start3A_228] : memref<40x128xf32, #tpu.memory_space<vmem>> -> memref<40x128xf32, #tpu.memory_space<vmem>>
      %dma_start3A_230 = arith.constant 0 : i32
      %dma_start3A_231 = tpu.memref_slice %arg13[%add3A_67, %dma_start3A_230] : memref<10240x128xf32, #tpu.memory_space<vmem_shared>> -> memref<40x128xf32, #tpu.memory_space<vmem_shared>>
      %dma_start3A_232 = arith.constant 0 : i32
      %dma_start3A_233 = tpu.memref_slice %arg13[%add3A_67, %dma_start3A_232] : memref<10240x128xf32, #tpu.memory_space<vmem_shared>> -> memref<40x128xf32, #tpu.memory_space<vmem_shared>>
      %dma_start3A_234 = arith.constant 0 : i32
      %dma_start3A_235 = arith.constant 0 : i32
      %dma_start3A_236 = tpu.memref_slice %arg12[%dma_start3A_234, %dma_start3A_235] : memref<40x128xf32, #tpu.memory_space<vmem>> -> memref<40x128xf32, #tpu.memory_space<vmem>>
      tpu.enqueue_dma source(%dma_start3A_236 : memref<40x128xf32, #tpu.memory_space<vmem>>) target(%dma_start3A_233 : memref<40x128xf32, #tpu.memory_space<vmem_shared>>) target_semaphore(%run_scoped3A : memref<!tpu.dma_semaphore, #tpu.memory_space<semaphore_mem>>)
      %dma_wait3A = arith.constant 0 : i32
      %dma_wait3A_237 = arith.constant 0 : i32
      %dma_wait3A_238 = tpu.memref_slice %arg12[%dma_wait3A, %dma_wait3A_237] : memref<40x128xf32, #tpu.memory_space<vmem>> -> memref<40x128xf32, #tpu.memory_space<vmem>>
      %dma_wait3A_239 = arith.constant 0 : i32
      %dma_wait3A_240 = tpu.memref_slice %arg13[%add3A_67, %dma_wait3A_239] : memref<10240x128xf32, #tpu.memory_space<vmem_shared>> -> memref<40x128xf32, #tpu.memory_space<vmem_shared>>
      %dma_wait3A_241 = arith.constant 0 : i32
      %dma_wait3A_242 = tpu.memref_slice %arg13[%add3A_67, %dma_wait3A_241] : memref<10240x128xf32, #tpu.memory_space<vmem_shared>> -> memref<40x128xf32, #tpu.memory_space<vmem_shared>>
      %dma_wait3A_243 = arith.constant 0 : i32
      %dma_wait3A_244 = arith.constant 0 : i32
      %dma_wait3A_245 = tpu.memref_slice %arg12[%dma_wait3A_243, %dma_wait3A_244] : memref<40x128xf32, #tpu.memory_space<vmem>> -> memref<40x128xf32, #tpu.memory_space<vmem>>
      tpu.wait_dma2 semaphore(%run_scoped3A : memref<!tpu.dma_semaphore, #tpu.memory_space<semaphore_mem>>) src(%dma_wait3A_245 : memref<40x128xf32, #tpu.memory_space<vmem>>) dst(%dma_wait3A_242 : memref<40x128xf32, #tpu.memory_space<vmem_shared>>)
      tpu.yield
    }) : () -> ()
    %mul3A_68 = arith.constant 80 : i32
    %mul3A_69 = arith.muli %arg1, %mul3A_68 : i32
    %add3A_70 = arith.constant 0 : i32
    %add3A_71 = arith.addi %mul3A_69, %add3A_70 : i32
    "tpu.region"() ({
      %run_scoped3A = tpu.sem_alloc : memref<!tpu.dma_semaphore, #tpu.memory_space<semaphore_mem>>
      %dma_start3A = arith.constant 0 : i32
      %dma_start3A_228 = arith.constant 0 : i32
      %dma_start3A_229 = tpu.memref_slice %arg12[%dma_start3A, %dma_start3A_228] : memref<40x128xf32, #tpu.memory_space<vmem>> -> memref<40x128xf32, #tpu.memory_space<vmem>>
      %dma_start3A_230 = arith.constant 0 : i32
      %dma_start3A_231 = tpu.memref_slice %arg14[%add3A_71, %dma_start3A_230] : memref<1280x128xf32, #tpu.memory_space<vmem_shared>> -> memref<40x128xf32, #tpu.memory_space<vmem_shared>>
      %dma_start3A_232 = arith.constant 0 : i32
      %dma_start3A_233 = tpu.memref_slice %arg14[%add3A_71, %dma_start3A_232] : memref<1280x128xf32, #tpu.memory_space<vmem_shared>> -> memref<40x128xf32, #tpu.memory_space<vmem_shared>>
      %dma_start3A_234 = arith.constant 0 : i32
      %dma_start3A_235 = arith.constant 0 : i32
      %dma_start3A_236 = tpu.memref_slice %arg12[%dma_start3A_234, %dma_start3A_235] : memref<40x128xf32, #tpu.memory_space<vmem>> -> memref<40x128xf32, #tpu.memory_space<vmem>>
      tpu.enqueue_dma source(%dma_start3A_236 : memref<40x128xf32, #tpu.memory_space<vmem>>) target(%dma_start3A_233 : memref<40x128xf32, #tpu.memory_space<vmem_shared>>) target_semaphore(%run_scoped3A : memref<!tpu.dma_semaphore, #tpu.memory_space<semaphore_mem>>)
      %dma_wait3A = arith.constant 0 : i32
      %dma_wait3A_237 = arith.constant 0 : i32
      %dma_wait3A_238 = tpu.memref_slice %arg12[%dma_wait3A, %dma_wait3A_237] : memref<40x128xf32, #tpu.memory_space<vmem>> -> memref<40x128xf32, #tpu.memory_space<vmem>>
      %dma_wait3A_239 = arith.constant 0 : i32
      %dma_wait3A_240 = tpu.memref_slice %arg14[%add3A_71, %dma_wait3A_239] : memref<1280x128xf32, #tpu.memory_space<vmem_shared>> -> memref<40x128xf32, #tpu.memory_space<vmem_shared>>
      %dma_wait3A_241 = arith.constant 0 : i32
      %dma_wait3A_242 = tpu.memref_slice %arg14[%add3A_71, %dma_wait3A_241] : memref<1280x128xf32, #tpu.memory_space<vmem_shared>> -> memref<40x128xf32, #tpu.memory_space<vmem_shared>>
      %dma_wait3A_243 = arith.constant 0 : i32
      %dma_wait3A_244 = arith.constant 0 : i32
      %dma_wait3A_245 = tpu.memref_slice %arg12[%dma_wait3A_243, %dma_wait3A_244] : memref<40x128xf32, #tpu.memory_space<vmem>> -> memref<40x128xf32, #tpu.memory_space<vmem>>
      tpu.wait_dma2 semaphore(%run_scoped3A : memref<!tpu.dma_semaphore, #tpu.memory_space<semaphore_mem>>) src(%dma_wait3A_245 : memref<40x128xf32, #tpu.memory_space<vmem>>) dst(%dma_wait3A_242 : memref<40x128xf32, #tpu.memory_space<vmem_shared>>)
      tpu.yield
    }) : () -> ()
    %mul3A_72 = arith.constant 80 : i32
    %mul3A_73 = arith.muli %arg1, %mul3A_72 : i32
    %add3A_74 = arith.constant 40 : i32
    %add3A_75 = arith.addi %mul3A_73, %add3A_74 : i32
    "tpu.region"() ({
      %run_scoped3A = tpu.sem_alloc : memref<!tpu.dma_semaphore, #tpu.memory_space<semaphore_mem>>
      %dma_start3A = arith.constant 0 : i32
      %dma_start3A_228 = arith.constant 0 : i32
      %dma_start3A_229 = tpu.memref_slice %arg12[%dma_start3A, %dma_start3A_228] : memref<40x128xf32, #tpu.memory_space<vmem>> -> memref<40x128xf32, #tpu.memory_space<vmem>>
      %dma_start3A_230 = arith.constant 0 : i32
      %dma_start3A_231 = tpu.memref_slice %arg14[%add3A_75, %dma_start3A_230] : memref<1280x128xf32, #tpu.memory_space<vmem_shared>> -> memref<40x128xf32, #tpu.memory_space<vmem_shared>>
      %dma_start3A_232 = arith.constant 0 : i32
      %dma_start3A_233 = tpu.memref_slice %arg14[%add3A_75, %dma_start3A_232] : memref<1280x128xf32, #tpu.memory_space<vmem_shared>> -> memref<40x128xf32, #tpu.memory_space<vmem_shared>>
      %dma_start3A_234 = arith.constant 0 : i32
      %dma_start3A_235 = arith.constant 0 : i32
      %dma_start3A_236 = tpu.memref_slice %arg12[%dma_start3A_234, %dma_start3A_235] : memref<40x128xf32, #tpu.memory_space<vmem>> -> memref<40x128xf32, #tpu.memory_space<vmem>>
      tpu.enqueue_dma source(%dma_start3A_236 : memref<40x128xf32, #tpu.memory_space<vmem>>) target(%dma_start3A_233 : memref<40x128xf32, #tpu.memory_space<vmem_shared>>) target_semaphore(%run_scoped3A : memref<!tpu.dma_semaphore, #tpu.memory_space<semaphore_mem>>)
      %dma_wait3A = arith.constant 0 : i32
      %dma_wait3A_237 = arith.constant 0 : i32
      %dma_wait3A_238 = tpu.memref_slice %arg12[%dma_wait3A, %dma_wait3A_237] : memref<40x128xf32, #tpu.memory_space<vmem>> -> memref<40x128xf32, #tpu.memory_space<vmem>>
      %dma_wait3A_239 = arith.constant 0 : i32
      %dma_wait3A_240 = tpu.memref_slice %arg14[%add3A_75, %dma_wait3A_239] : memref<1280x128xf32, #tpu.memory_space<vmem_shared>> -> memref<40x128xf32, #tpu.memory_space<vmem_shared>>
      %dma_wait3A_241 = arith.constant 0 : i32
      %dma_wait3A_242 = tpu.memref_slice %arg14[%add3A_75, %dma_wait3A_241] : memref<1280x128xf32, #tpu.memory_space<vmem_shared>> -> memref<40x128xf32, #tpu.memory_space<vmem_shared>>
      %dma_wait3A_243 = arith.constant 0 : i32
      %dma_wait3A_244 = arith.constant 0 : i32
      %dma_wait3A_245 = tpu.memref_slice %arg12[%dma_wait3A_243, %dma_wait3A_244] : memref<40x128xf32, #tpu.memory_space<vmem>> -> memref<40x128xf32, #tpu.memory_space<vmem>>
      tpu.wait_dma2 semaphore(%run_scoped3A : memref<!tpu.dma_semaphore, #tpu.memory_space<semaphore_mem>>) src(%dma_wait3A_245 : memref<40x128xf32, #tpu.memory_space<vmem>>) dst(%dma_wait3A_242 : memref<40x128xf32, #tpu.memory_space<vmem_shared>>)
      tpu.yield
    }) : () -> ()
    %barrier3A = arith.constant 0 : index
    tpu.barrier barrier_id(%barrier3A)
    %scan3A_76 = arith.constant 0 : i32
    %scan3A_77 = arith.constant 0 : i32
    %scan3A_78 = arith.constant 125 : i32
    %scan3A_79 = arith.addi %scan3A_77, %scan3A_78 : i32
    %scan3A_80 = arith.constant 1 : i32
    %scan3A_81 = scf.for %scan3A_228 = %scan3A_77 to %scan3A_79 step %scan3A_80 iter_args(%scan3A_229 = %scan3A_76) -> (i32)  : i32 {
      %mul3A_230 = arith.constant 10000 : i32
      %mul3A_231 = arith.muli %arg1, %mul3A_230 : i32
      %mul3A_232 = arith.constant 80 : i32
      %mul3A_233 = arith.muli %scan3A_228, %mul3A_232 : i32
      %add3A_234 = arith.addi %mul3A_231, %mul3A_233 : i32
      "tpu.region"() ({
        %run_scoped3A = tpu.sem_alloc : memref<!tpu.dma_semaphore, #tpu.memory_space<semaphore_mem>>
        %dma_start3A = tpu.memref_slice %arg2[%add3A_234] : memref<160000xi32, #tpu.memory_space<hbm>> -> memref<80xi32, #tpu.memory_space<hbm>>
        %dma_start3A_236 = tpu.memref_slice %arg2[%add3A_234] : memref<160000xi32, #tpu.memory_space<hbm>> -> memref<80xi32, #tpu.memory_space<hbm>>
        tpu.enqueue_dma source(%dma_start3A_236 : memref<80xi32, #tpu.memory_space<hbm>>) target(%arg8 : memref<80xi32, #tpu.memory_space<vmem>>) target_semaphore(%run_scoped3A : memref<!tpu.dma_semaphore, #tpu.memory_space<semaphore_mem>>)
        %dma_wait3A = tpu.memref_slice %arg2[%add3A_234] : memref<160000xi32, #tpu.memory_space<hbm>> -> memref<80xi32, #tpu.memory_space<hbm>>
        %dma_wait3A_237 = tpu.memref_slice %arg2[%add3A_234] : memref<160000xi32, #tpu.memory_space<hbm>> -> memref<80xi32, #tpu.memory_space<hbm>>
        tpu.wait_dma2 semaphore(%run_scoped3A : memref<!tpu.dma_semaphore, #tpu.memory_space<semaphore_mem>>) src(%dma_wait3A_237 : memref<80xi32, #tpu.memory_space<hbm>>) dst(%arg8 : memref<80xi32, #tpu.memory_space<vmem>>)
        tpu.yield
      }) : () -> ()
      "tpu.region"() ({
        %run_scoped3A = tpu.sem_alloc : memref<!tpu.dma_semaphore, #tpu.memory_space<semaphore_mem>>
        %dma_start3A = tpu.memref_slice %arg3[%add3A_234] : memref<160000xi32, #tpu.memory_space<hbm>> -> memref<80xi32, #tpu.memory_space<hbm>>
        %dma_start3A_236 = tpu.memref_slice %arg3[%add3A_234] : memref<160000xi32, #tpu.memory_space<hbm>> -> memref<80xi32, #tpu.memory_space<hbm>>
        tpu.enqueue_dma source(%dma_start3A_236 : memref<80xi32, #tpu.memory_space<hbm>>) target(%arg9 : memref<80xi32, #tpu.memory_space<vmem>>) target_semaphore(%run_scoped3A : memref<!tpu.dma_semaphore, #tpu.memory_space<semaphore_mem>>)
        %dma_wait3A = tpu.memref_slice %arg3[%add3A_234] : memref<160000xi32, #tpu.memory_space<hbm>> -> memref<80xi32, #tpu.memory_space<hbm>>
        %dma_wait3A_237 = tpu.memref_slice %arg3[%add3A_234] : memref<160000xi32, #tpu.memory_space<hbm>> -> memref<80xi32, #tpu.memory_space<hbm>>
        tpu.wait_dma2 semaphore(%run_scoped3A : memref<!tpu.dma_semaphore, #tpu.memory_space<semaphore_mem>>) src(%dma_wait3A_237 : memref<80xi32, #tpu.memory_space<hbm>>) dst(%arg9 : memref<80xi32, #tpu.memory_space<vmem>>)
        tpu.yield
      }) : () -> ()
      "tpu.region"() ({
        %run_scoped3A = tpu.sem_alloc : memref<!tpu.dma_semaphore, #tpu.memory_space<semaphore_mem>>
        %dma_start3A = arith.constant 0 : i32
        %dma_start3A_236 = tpu.memref_slice %arg4[%arg0, %add3A_234, %dma_start3A] : memref<2x160000x128xf32, #tpu.memory_space<hbm>> -> memref<1x80x128xf32, #tpu.memory_space<hbm>>
        %dma_start3A_237 = tpu.memref_squeeze %dma_start3A_236 : memref<1x80x128xf32, #tpu.memory_space<hbm>> -> memref<80x128xf32, #tpu.memory_space<hbm>>
        %dma_start3A_238 = arith.constant 0 : i32
        %dma_start3A_239 = tpu.memref_slice %arg4[%arg0, %add3A_234, %dma_start3A_238] : memref<2x160000x128xf32, #tpu.memory_space<hbm>> -> memref<1x80x128xf32, #tpu.memory_space<hbm>>
        %dma_start3A_240 = tpu.memref_squeeze %dma_start3A_239 : memref<1x80x128xf32, #tpu.memory_space<hbm>> -> memref<80x128xf32, #tpu.memory_space<hbm>>
        tpu.enqueue_dma source(%dma_start3A_240 : memref<80x128xf32, #tpu.memory_space<hbm>>) target(%arg10 : memref<80x128xf32, #tpu.memory_space<vmem>>) target_semaphore(%run_scoped3A : memref<!tpu.dma_semaphore, #tpu.memory_space<semaphore_mem>>)
        %dma_wait3A = arith.constant 0 : i32
        %dma_wait3A_241 = tpu.memref_slice %arg4[%arg0, %add3A_234, %dma_wait3A] : memref<2x160000x128xf32, #tpu.memory_space<hbm>> -> memref<1x80x128xf32, #tpu.memory_space<hbm>>
        %dma_wait3A_242 = tpu.memref_squeeze %dma_wait3A_241 : memref<1x80x128xf32, #tpu.memory_space<hbm>> -> memref<80x128xf32, #tpu.memory_space<hbm>>
        %dma_wait3A_243 = arith.constant 0 : i32
        %dma_wait3A_244 = tpu.memref_slice %arg4[%arg0, %add3A_234, %dma_wait3A_243] : memref<2x160000x128xf32, #tpu.memory_space<hbm>> -> memref<1x80x128xf32, #tpu.memory_space<hbm>>
        %dma_wait3A_245 = tpu.memref_squeeze %dma_wait3A_244 : memref<1x80x128xf32, #tpu.memory_space<hbm>> -> memref<80x128xf32, #tpu.memory_space<hbm>>
        tpu.wait_dma2 semaphore(%run_scoped3A : memref<!tpu.dma_semaphore, #tpu.memory_space<semaphore_mem>>) src(%dma_wait3A_245 : memref<80x128xf32, #tpu.memory_space<hbm>>) dst(%arg10 : memref<80x128xf32, #tpu.memory_space<vmem>>)
        tpu.yield
      }) : () -> ()
      "tpu.region"() ({
        %run_scoped3A = tpu.sem_alloc : memref<!tpu.dma_semaphore, #tpu.memory_space<semaphore_mem>>
        %dma_start3A = arith.constant 0 : i32
        %dma_start3A_236 = tpu.memref_slice %arg5[%arg0, %add3A_234, %dma_start3A] : memref<2x160000x128xf32, #tpu.memory_space<hbm>> -> memref<1x80x128xf32, #tpu.memory_space<hbm>>
        %dma_start3A_237 = tpu.memref_squeeze %dma_start3A_236 : memref<1x80x128xf32, #tpu.memory_space<hbm>> -> memref<80x128xf32, #tpu.memory_space<hbm>>
        %dma_start3A_238 = arith.constant 0 : i32
        %dma_start3A_239 = tpu.memref_slice %arg5[%arg0, %add3A_234, %dma_start3A_238] : memref<2x160000x128xf32, #tpu.memory_space<hbm>> -> memref<1x80x128xf32, #tpu.memory_space<hbm>>
        %dma_start3A_240 = tpu.memref_squeeze %dma_start3A_239 : memref<1x80x128xf32, #tpu.memory_space<hbm>> -> memref<80x128xf32, #tpu.memory_space<hbm>>
        tpu.enqueue_dma source(%dma_start3A_240 : memref<80x128xf32, #tpu.memory_space<hbm>>) target(%arg11 : memref<80x128xf32, #tpu.memory_space<vmem>>) target_semaphore(%run_scoped3A : memref<!tpu.dma_semaphore, #tpu.memory_space<semaphore_mem>>)
        %dma_wait3A = arith.constant 0 : i32
        %dma_wait3A_241 = tpu.memref_slice %arg5[%arg0, %add3A_234, %dma_wait3A] : memref<2x160000x128xf32, #tpu.memory_space<hbm>> -> memref<1x80x128xf32, #tpu.memory_space<hbm>>
        %dma_wait3A_242 = tpu.memref_squeeze %dma_wait3A_241 : memref<1x80x128xf32, #tpu.memory_space<hbm>> -> memref<80x128xf32, #tpu.memory_space<hbm>>
        %dma_wait3A_243 = arith.constant 0 : i32
        %dma_wait3A_244 = tpu.memref_slice %arg5[%arg0, %add3A_234, %dma_wait3A_243] : memref<2x160000x128xf32, #tpu.memory_space<hbm>> -> memref<1x80x128xf32, #tpu.memory_space<hbm>>
        %dma_wait3A_245 = tpu.memref_squeeze %dma_wait3A_244 : memref<1x80x128xf32, #tpu.memory_space<hbm>> -> memref<80x128xf32, #tpu.memory_space<hbm>>
        tpu.wait_dma2 semaphore(%run_scoped3A : memref<!tpu.dma_semaphore, #tpu.memory_space<semaphore_mem>>) src(%dma_wait3A_245 : memref<80x128xf32, #tpu.memory_space<hbm>>) dst(%arg11 : memref<80x128xf32, #tpu.memory_space<vmem>>)
        tpu.yield
      }) : () -> ()
      "tpu.region"() ({
        %run_scoped3A = tpu.sem_alloc : memref<!tpu.dma_semaphore, #tpu.memory_space<semaphore_mem>>
        %dma_start3A = arith.constant 0 : i32
        %dma_start3A_236 = arith.constant 0 : i32
        %dma_start3A_237 = tpu.memref_slice %arg10[%dma_start3A, %dma_start3A_236] : memref<80x128xf32, #tpu.memory_space<vmem>> -> memref<80x128xf32, #tpu.memory_space<vmem>>
        %dma_start3A_238 = arith.constant 0 : i32
        %dma_start3A_239 = arith.constant 0 : i32
        %dma_start3A_240 = tpu.memref_slice %arg13[%dma_start3A_238, %dma_start3A_239] : memref<10240x128xf32, #tpu.memory_space<vmem_shared>> -> memref<10240x128xf32, #tpu.memory_space<vmem_shared>>
        tpu.enqueue_indirect_dma source(%dma_start3A_237 : memref<80x128xf32, #tpu.memory_space<vmem>>) target(%dma_start3A_240 : memref<10240x128xf32, #tpu.memory_space<vmem_shared>>) offsets(%arg8 : memref<80xi32, #tpu.memory_space<vmem>>) semaphore(%run_scoped3A : memref<!tpu.dma_semaphore, #tpu.memory_space<semaphore_mem>>) {add = true}
        %dma_wait3A = arith.constant 0 : i32
        %dma_wait3A_241 = arith.constant 0 : i32
        %dma_wait3A_242 = tpu.memref_slice %arg10[%dma_wait3A, %dma_wait3A_241] : memref<80x128xf32, #tpu.memory_space<vmem>> -> memref<80x128xf32, #tpu.memory_space<vmem>>
        %dma_wait3A_243 = arith.constant 0 : i32
        %dma_wait3A_244 = arith.constant 0 : i32
        %dma_wait3A_245 = tpu.memref_slice %arg13[%dma_wait3A_243, %dma_wait3A_244] : memref<10240x128xf32, #tpu.memory_space<vmem_shared>> -> memref<10240x128xf32, #tpu.memory_space<vmem_shared>>
        tpu.wait_indirect_dma semaphore(%run_scoped3A : memref<!tpu.dma_semaphore, #tpu.memory_space<semaphore_mem>>) src(%dma_wait3A_242 : memref<80x128xf32, #tpu.memory_space<vmem>>) dst(%dma_wait3A_245 : memref<10240x128xf32, #tpu.memory_space<vmem_shared>>)
        tpu.yield
      }) : () -> ()
      "tpu.region"() ({
        %run_scoped3A = tpu.sem_alloc : memref<!tpu.dma_semaphore, #tpu.memory_space<semaphore_mem>>
        %dma_start3A = arith.constant 0 : i32
        %dma_start3A_236 = arith.constant 0 : i32
        %dma_start3A_237 = tpu.memref_slice %arg11[%dma_start3A, %dma_start3A_236] : memref<80x128xf32, #tpu.memory_space<vmem>> -> memref<80x128xf32, #tpu.memory_space<vmem>>
        %dma_start3A_238 = arith.constant 0 : i32
        %dma_start3A_239 = arith.constant 0 : i32
        %dma_start3A_240 = tpu.memref_slice %arg14[%dma_start3A_238, %dma_start3A_239] : memref<1280x128xf32, #tpu.memory_space<vmem_shared>> -> memref<1280x128xf32, #tpu.memory_space<vmem_shared>>
        tpu.enqueue_indirect_dma source(%dma_start3A_237 : memref<80x128xf32, #tpu.memory_space<vmem>>) target(%dma_start3A_240 : memref<1280x128xf32, #tpu.memory_space<vmem_shared>>) offsets(%arg9 : memref<80xi32, #tpu.memory_space<vmem>>) semaphore(%run_scoped3A : memref<!tpu.dma_semaphore, #tpu.memory_space<semaphore_mem>>) {add = true}
        %dma_wait3A = arith.constant 0 : i32
        %dma_wait3A_241 = arith.constant 0 : i32
        %dma_wait3A_242 = tpu.memref_slice %arg11[%dma_wait3A, %dma_wait3A_241] : memref<80x128xf32, #tpu.memory_space<vmem>> -> memref<80x128xf32, #tpu.memory_space<vmem>>
        %dma_wait3A_243 = arith.constant 0 : i32
        %dma_wait3A_244 = arith.constant 0 : i32
        %dma_wait3A_245 = tpu.memref_slice %arg14[%dma_wait3A_243, %dma_wait3A_244] : memref<1280x128xf32, #tpu.memory_space<vmem_shared>> -> memref<1280x128xf32, #tpu.memory_space<vmem_shared>>
        tpu.wait_indirect_dma semaphore(%run_scoped3A : memref<!tpu.dma_semaphore, #tpu.memory_space<semaphore_mem>>) src(%dma_wait3A_242 : memref<80x128xf32, #tpu.memory_space<vmem>>) dst(%dma_wait3A_245 : memref<1280x128xf32, #tpu.memory_space<vmem_shared>>)
        tpu.yield
      }) : () -> ()
      %scan3A_235 = arith.constant 0 : i32
      scf.yield %scan3A_235 : i32
    }
    %scan3A_82 = arith.constant 125 : i32
    %barrier3A_83 = arith.constant 0 : index
    tpu.barrier barrier_id(%barrier3A_83)
    %mul3A_84 = arith.constant 640 : i32
    %mul3A_85 = arith.muli %arg1, %mul3A_84 : i32
    %add3A_86 = arith.constant 0 : i32
    %add3A_87 = arith.addi %mul3A_85, %add3A_86 : i32
    %mul3A_88 = arith.constant 640 : i32
    %mul3A_89 = arith.muli %arg1, %mul3A_88 : i32
    %add3A_90 = arith.constant 0 : i32
    %add3A_91 = arith.addi %mul3A_89, %add3A_90 : i32
    "tpu.region"() ({
      %run_scoped3A = tpu.sem_alloc : memref<!tpu.dma_semaphore, #tpu.memory_space<semaphore_mem>>
      %dma_start3A = arith.constant 0 : i32
      %dma_start3A_228 = tpu.memref_slice %arg6[%arg0, %add3A_91, %dma_start3A] : memref<2x10240x128xf32, #tpu.memory_space<hbm>> -> memref<1x40x128xf32, #tpu.memory_space<hbm>>
      %dma_start3A_229 = tpu.memref_squeeze %dma_start3A_228 : memref<1x40x128xf32, #tpu.memory_space<hbm>> -> memref<40x128xf32, #tpu.memory_space<hbm>>
      %dma_start3A_230 = arith.constant 0 : i32
      %dma_start3A_231 = tpu.memref_slice %arg13[%add3A_87, %dma_start3A_230] : memref<10240x128xf32, #tpu.memory_space<vmem_shared>> -> memref<40x128xf32, #tpu.memory_space<vmem_shared>>
      tpu.enqueue_dma source(%dma_start3A_231 : memref<40x128xf32, #tpu.memory_space<vmem_shared>>) target(%dma_start3A_229 : memref<40x128xf32, #tpu.memory_space<hbm>>) target_semaphore(%run_scoped3A : memref<!tpu.dma_semaphore, #tpu.memory_space<semaphore_mem>>)
      %dma_wait3A = arith.constant 0 : i32
      %dma_wait3A_232 = tpu.memref_slice %arg6[%arg0, %add3A_91, %dma_wait3A] : memref<2x10240x128xf32, #tpu.memory_space<hbm>> -> memref<1x40x128xf32, #tpu.memory_space<hbm>>
      %dma_wait3A_233 = tpu.memref_squeeze %dma_wait3A_232 : memref<1x40x128xf32, #tpu.memory_space<hbm>> -> memref<40x128xf32, #tpu.memory_space<hbm>>
      %dma_wait3A_234 = arith.constant 0 : i32
      %dma_wait3A_235 = tpu.memref_slice %arg13[%add3A_87, %dma_wait3A_234] : memref<10240x128xf32, #tpu.memory_space<vmem_shared>> -> memref<40x128xf32, #tpu.memory_space<vmem_shared>>
      tpu.wait_dma2 semaphore(%run_scoped3A : memref<!tpu.dma_semaphore, #tpu.memory_space<semaphore_mem>>) src(%dma_wait3A_235 : memref<40x128xf32, #tpu.memory_space<vmem_shared>>) dst(%dma_wait3A_233 : memref<40x128xf32, #tpu.memory_space<hbm>>)
      tpu.yield
    }) : () -> ()
    %mul3A_92 = arith.constant 640 : i32
    %mul3A_93 = arith.muli %arg1, %mul3A_92 : i32
    %add3A_94 = arith.constant 40 : i32
    %add3A_95 = arith.addi %mul3A_93, %add3A_94 : i32
    %mul3A_96 = arith.constant 640 : i32
    %mul3A_97 = arith.muli %arg1, %mul3A_96 : i32
    %add3A_98 = arith.constant 40 : i32
    %add3A_99 = arith.addi %mul3A_97, %add3A_98 : i32
    "tpu.region"() ({
      %run_scoped3A = tpu.sem_alloc : memref<!tpu.dma_semaphore, #tpu.memory_space<semaphore_mem>>
      %dma_start3A = arith.constant 0 : i32
      %dma_start3A_228 = tpu.memref_slice %arg6[%arg0, %add3A_99, %dma_start3A] : memref<2x10240x128xf32, #tpu.memory_space<hbm>> -> memref<1x40x128xf32, #tpu.memory_space<hbm>>
      %dma_start3A_229 = tpu.memref_squeeze %dma_start3A_228 : memref<1x40x128xf32, #tpu.memory_space<hbm>> -> memref<40x128xf32, #tpu.memory_space<hbm>>
      %dma_start3A_230 = arith.constant 0 : i32
      %dma_start3A_231 = tpu.memref_slice %arg13[%add3A_95, %dma_start3A_230] : memref<10240x128xf32, #tpu.memory_space<vmem_shared>> -> memref<40x128xf32, #tpu.memory_space<vmem_shared>>
      tpu.enqueue_dma source(%dma_start3A_231 : memref<40x128xf32, #tpu.memory_space<vmem_shared>>) target(%dma_start3A_229 : memref<40x128xf32, #tpu.memory_space<hbm>>) target_semaphore(%run_scoped3A : memref<!tpu.dma_semaphore, #tpu.memory_space<semaphore_mem>>)
      %dma_wait3A = arith.constant 0 : i32
      %dma_wait3A_232 = tpu.memref_slice %arg6[%arg0, %add3A_99, %dma_wait3A] : memref<2x10240x128xf32, #tpu.memory_space<hbm>> -> memref<1x40x128xf32, #tpu.memory_space<hbm>>
      %dma_wait3A_233 = tpu.memref_squeeze %dma_wait3A_232 : memref<1x40x128xf32, #tpu.memory_space<hbm>> -> memref<40x128xf32, #tpu.memory_space<hbm>>
      %dma_wait3A_234 = arith.constant 0 : i32
      %dma_wait3A_235 = tpu.memref_slice %arg13[%add3A_95, %dma_wait3A_234] : memref<10240x128xf32, #tpu.memory_space<vmem_shared>> -> memref<40x128xf32, #tpu.memory_space<vmem_shared>>
      tpu.wait_dma2 semaphore(%run_scoped3A : memref<!tpu.dma_semaphore, #tpu.memory_space<semaphore_mem>>) src(%dma_wait3A_235 : memref<40x128xf32, #tpu.memory_space<vmem_shared>>) dst(%dma_wait3A_233 : memref<40x128xf32, #tpu.memory_space<hbm>>)
      tpu.yield
    }) : () -> ()
    %mul3A_100 = arith.constant 640 : i32
    %mul3A_101 = arith.muli %arg1, %mul3A_100 : i32
    %add3A_102 = arith.constant 80 : i32
    %add3A_103 = arith.addi %mul3A_101, %add3A_102 : i32
    %mul3A_104 = arith.constant 640 : i32
    %mul3A_105 = arith.muli %arg1, %mul3A_104 : i32
    %add3A_106 = arith.constant 80 : i32
    %add3A_107 = arith.addi %mul3A_105, %add3A_106 : i32
    "tpu.region"() ({
      %run_scoped3A = tpu.sem_alloc : memref<!tpu.dma_semaphore, #tpu.memory_space<semaphore_mem>>
      %dma_start3A = arith.constant 0 : i32
      %dma_start3A_228 = tpu.memref_slice %arg6[%arg0, %add3A_107, %dma_start3A] : memref<2x10240x128xf32, #tpu.memory_space<hbm>> -> memref<1x40x128xf32, #tpu.memory_space<hbm>>
      %dma_start3A_229 = tpu.memref_squeeze %dma_start3A_228 : memref<1x40x128xf32, #tpu.memory_space<hbm>> -> memref<40x128xf32, #tpu.memory_space<hbm>>
      %dma_start3A_230 = arith.constant 0 : i32
      %dma_start3A_231 = tpu.memref_slice %arg13[%add3A_103, %dma_start3A_230] : memref<10240x128xf32, #tpu.memory_space<vmem_shared>> -> memref<40x128xf32, #tpu.memory_space<vmem_shared>>
      tpu.enqueue_dma source(%dma_start3A_231 : memref<40x128xf32, #tpu.memory_space<vmem_shared>>) target(%dma_start3A_229 : memref<40x128xf32, #tpu.memory_space<hbm>>) target_semaphore(%run_scoped3A : memref<!tpu.dma_semaphore, #tpu.memory_space<semaphore_mem>>)
      %dma_wait3A = arith.constant 0 : i32
      %dma_wait3A_232 = tpu.memref_slice %arg6[%arg0, %add3A_107, %dma_wait3A] : memref<2x10240x128xf32, #tpu.memory_space<hbm>> -> memref<1x40x128xf32, #tpu.memory_space<hbm>>
      %dma_wait3A_233 = tpu.memref_squeeze %dma_wait3A_232 : memref<1x40x128xf32, #tpu.memory_space<hbm>> -> memref<40x128xf32, #tpu.memory_space<hbm>>
      %dma_wait3A_234 = arith.constant 0 : i32
      %dma_wait3A_235 = tpu.memref_slice %arg13[%add3A_103, %dma_wait3A_234] : memref<10240x128xf32, #tpu.memory_space<vmem_shared>> -> memref<40x128xf32, #tpu.memory_space<vmem_shared>>
      tpu.wait_dma2 semaphore(%run_scoped3A : memref<!tpu.dma_semaphore, #tpu.memory_space<semaphore_mem>>) src(%dma_wait3A_235 : memref<40x128xf32, #tpu.memory_space<vmem_shared>>) dst(%dma_wait3A_233 : memref<40x128xf32, #tpu.memory_space<hbm>>)
      tpu.yield
    }) : () -> ()
    %mul3A_108 = arith.constant 640 : i32
    %mul3A_109 = arith.muli %arg1, %mul3A_108 : i32
    %add3A_110 = arith.constant 120 : i32
    %add3A_111 = arith.addi %mul3A_109, %add3A_110 : i32
    %mul3A_112 = arith.constant 640 : i32
    %mul3A_113 = arith.muli %arg1, %mul3A_112 : i32
    %add3A_114 = arith.constant 120 : i32
    %add3A_115 = arith.addi %mul3A_113, %add3A_114 : i32
    "tpu.region"() ({
      %run_scoped3A = tpu.sem_alloc : memref<!tpu.dma_semaphore, #tpu.memory_space<semaphore_mem>>
      %dma_start3A = arith.constant 0 : i32
      %dma_start3A_228 = tpu.memref_slice %arg6[%arg0, %add3A_115, %dma_start3A] : memref<2x10240x128xf32, #tpu.memory_space<hbm>> -> memref<1x40x128xf32, #tpu.memory_space<hbm>>
      %dma_start3A_229 = tpu.memref_squeeze %dma_start3A_228 : memref<1x40x128xf32, #tpu.memory_space<hbm>> -> memref<40x128xf32, #tpu.memory_space<hbm>>
      %dma_start3A_230 = arith.constant 0 : i32
      %dma_start3A_231 = tpu.memref_slice %arg13[%add3A_111, %dma_start3A_230] : memref<10240x128xf32, #tpu.memory_space<vmem_shared>> -> memref<40x128xf32, #tpu.memory_space<vmem_shared>>
      tpu.enqueue_dma source(%dma_start3A_231 : memref<40x128xf32, #tpu.memory_space<vmem_shared>>) target(%dma_start3A_229 : memref<40x128xf32, #tpu.memory_space<hbm>>) target_semaphore(%run_scoped3A : memref<!tpu.dma_semaphore, #tpu.memory_space<semaphore_mem>>)
      %dma_wait3A = arith.constant 0 : i32
      %dma_wait3A_232 = tpu.memref_slice %arg6[%arg0, %add3A_115, %dma_wait3A] : memref<2x10240x128xf32, #tpu.memory_space<hbm>> -> memref<1x40x128xf32, #tpu.memory_space<hbm>>
      %dma_wait3A_233 = tpu.memref_squeeze %dma_wait3A_232 : memref<1x40x128xf32, #tpu.memory_space<hbm>> -> memref<40x128xf32, #tpu.memory_space<hbm>>
      %dma_wait3A_234 = arith.constant 0 : i32
      %dma_wait3A_235 = tpu.memref_slice %arg13[%add3A_111, %dma_wait3A_234] : memref<10240x128xf32, #tpu.memory_space<vmem_shared>> -> memref<40x128xf32, #tpu.memory_space<vmem_shared>>
      tpu.wait_dma2 semaphore(%run_scoped3A : memref<!tpu.dma_semaphore, #tpu.memory_space<semaphore_mem>>) src(%dma_wait3A_235 : memref<40x128xf32, #tpu.memory_space<vmem_shared>>) dst(%dma_wait3A_233 : memref<40x128xf32, #tpu.memory_space<hbm>>)
      tpu.yield
    }) : () -> ()
    %mul3A_116 = arith.constant 640 : i32
    %mul3A_117 = arith.muli %arg1, %mul3A_116 : i32
    %add3A_118 = arith.constant 160 : i32
    %add3A_119 = arith.addi %mul3A_117, %add3A_118 : i32
    %mul3A_120 = arith.constant 640 : i32
    %mul3A_121 = arith.muli %arg1, %mul3A_120 : i32
    %add3A_122 = arith.constant 160 : i32
    %add3A_123 = arith.addi %mul3A_121, %add3A_122 : i32
    "tpu.region"() ({
      %run_scoped3A = tpu.sem_alloc : memref<!tpu.dma_semaphore, #tpu.memory_space<semaphore_mem>>
      %dma_start3A = arith.constant 0 : i32
      %dma_start3A_228 = tpu.memref_slice %arg6[%arg0, %add3A_123, %dma_start3A] : memref<2x10240x128xf32, #tpu.memory_space<hbm>> -> memref<1x40x128xf32, #tpu.memory_space<hbm>>
      %dma_start3A_229 = tpu.memref_squeeze %dma_start3A_228 : memref<1x40x128xf32, #tpu.memory_space<hbm>> -> memref<40x128xf32, #tpu.memory_space<hbm>>
      %dma_start3A_230 = arith.constant 0 : i32
      %dma_start3A_231 = tpu.memref_slice %arg13[%add3A_119, %dma_start3A_230] : memref<10240x128xf32, #tpu.memory_space<vmem_shared>> -> memref<40x128xf32, #tpu.memory_space<vmem_shared>>
      tpu.enqueue_dma source(%dma_start3A_231 : memref<40x128xf32, #tpu.memory_space<vmem_shared>>) target(%dma_start3A_229 : memref<40x128xf32, #tpu.memory_space<hbm>>) target_semaphore(%run_scoped3A : memref<!tpu.dma_semaphore, #tpu.memory_space<semaphore_mem>>)
      %dma_wait3A = arith.constant 0 : i32
      %dma_wait3A_232 = tpu.memref_slice %arg6[%arg0, %add3A_123, %dma_wait3A] : memref<2x10240x128xf32, #tpu.memory_space<hbm>> -> memref<1x40x128xf32, #tpu.memory_space<hbm>>
      %dma_wait3A_233 = tpu.memref_squeeze %dma_wait3A_232 : memref<1x40x128xf32, #tpu.memory_space<hbm>> -> memref<40x128xf32, #tpu.memory_space<hbm>>
      %dma_wait3A_234 = arith.constant 0 : i32
      %dma_wait3A_235 = tpu.memref_slice %arg13[%add3A_119, %dma_wait3A_234] : memref<10240x128xf32, #tpu.memory_space<vmem_shared>> -> memref<40x128xf32, #tpu.memory_space<vmem_shared>>
      tpu.wait_dma2 semaphore(%run_scoped3A : memref<!tpu.dma_semaphore, #tpu.memory_space<semaphore_mem>>) src(%dma_wait3A_235 : memref<40x128xf32, #tpu.memory_space<vmem_shared>>) dst(%dma_wait3A_233 : memref<40x128xf32, #tpu.memory_space<hbm>>)
      tpu.yield
    }) : () -> ()
    %mul3A_124 = arith.constant 640 : i32
    %mul3A_125 = arith.muli %arg1, %mul3A_124 : i32
    %add3A_126 = arith.constant 200 : i32
    %add3A_127 = arith.addi %mul3A_125, %add3A_126 : i32
    %mul3A_128 = arith.constant 640 : i32
    %mul3A_129 = arith.muli %arg1, %mul3A_128 : i32
    %add3A_130 = arith.constant 200 : i32
    %add3A_131 = arith.addi %mul3A_129, %add3A_130 : i32
    "tpu.region"() ({
      %run_scoped3A = tpu.sem_alloc : memref<!tpu.dma_semaphore, #tpu.memory_space<semaphore_mem>>
      %dma_start3A = arith.constant 0 : i32
      %dma_start3A_228 = tpu.memref_slice %arg6[%arg0, %add3A_131, %dma_start3A] : memref<2x10240x128xf32, #tpu.memory_space<hbm>> -> memref<1x40x128xf32, #tpu.memory_space<hbm>>
      %dma_start3A_229 = tpu.memref_squeeze %dma_start3A_228 : memref<1x40x128xf32, #tpu.memory_space<hbm>> -> memref<40x128xf32, #tpu.memory_space<hbm>>
      %dma_start3A_230 = arith.constant 0 : i32
      %dma_start3A_231 = tpu.memref_slice %arg13[%add3A_127, %dma_start3A_230] : memref<10240x128xf32, #tpu.memory_space<vmem_shared>> -> memref<40x128xf32, #tpu.memory_space<vmem_shared>>
      tpu.enqueue_dma source(%dma_start3A_231 : memref<40x128xf32, #tpu.memory_space<vmem_shared>>) target(%dma_start3A_229 : memref<40x128xf32, #tpu.memory_space<hbm>>) target_semaphore(%run_scoped3A : memref<!tpu.dma_semaphore, #tpu.memory_space<semaphore_mem>>)
      %dma_wait3A = arith.constant 0 : i32
      %dma_wait3A_232 = tpu.memref_slice %arg6[%arg0, %add3A_131, %dma_wait3A] : memref<2x10240x128xf32, #tpu.memory_space<hbm>> -> memref<1x40x128xf32, #tpu.memory_space<hbm>>
      %dma_wait3A_233 = tpu.memref_squeeze %dma_wait3A_232 : memref<1x40x128xf32, #tpu.memory_space<hbm>> -> memref<40x128xf32, #tpu.memory_space<hbm>>
      %dma_wait3A_234 = arith.constant 0 : i32
      %dma_wait3A_235 = tpu.memref_slice %arg13[%add3A_127, %dma_wait3A_234] : memref<10240x128xf32, #tpu.memory_space<vmem_shared>> -> memref<40x128xf32, #tpu.memory_space<vmem_shared>>
      tpu.wait_dma2 semaphore(%run_scoped3A : memref<!tpu.dma_semaphore, #tpu.memory_space<semaphore_mem>>) src(%dma_wait3A_235 : memref<40x128xf32, #tpu.memory_space<vmem_shared>>) dst(%dma_wait3A_233 : memref<40x128xf32, #tpu.memory_space<hbm>>)
      tpu.yield
    }) : () -> ()
    %mul3A_132 = arith.constant 640 : i32
    %mul3A_133 = arith.muli %arg1, %mul3A_132 : i32
    %add3A_134 = arith.constant 240 : i32
    %add3A_135 = arith.addi %mul3A_133, %add3A_134 : i32
    %mul3A_136 = arith.constant 640 : i32
    %mul3A_137 = arith.muli %arg1, %mul3A_136 : i32
    %add3A_138 = arith.constant 240 : i32
    %add3A_139 = arith.addi %mul3A_137, %add3A_138 : i32
    "tpu.region"() ({
      %run_scoped3A = tpu.sem_alloc : memref<!tpu.dma_semaphore, #tpu.memory_space<semaphore_mem>>
      %dma_start3A = arith.constant 0 : i32
      %dma_start3A_228 = tpu.memref_slice %arg6[%arg0, %add3A_139, %dma_start3A] : memref<2x10240x128xf32, #tpu.memory_space<hbm>> -> memref<1x40x128xf32, #tpu.memory_space<hbm>>
      %dma_start3A_229 = tpu.memref_squeeze %dma_start3A_228 : memref<1x40x128xf32, #tpu.memory_space<hbm>> -> memref<40x128xf32, #tpu.memory_space<hbm>>
      %dma_start3A_230 = arith.constant 0 : i32
      %dma_start3A_231 = tpu.memref_slice %arg13[%add3A_135, %dma_start3A_230] : memref<10240x128xf32, #tpu.memory_space<vmem_shared>> -> memref<40x128xf32, #tpu.memory_space<vmem_shared>>
      tpu.enqueue_dma source(%dma_start3A_231 : memref<40x128xf32, #tpu.memory_space<vmem_shared>>) target(%dma_start3A_229 : memref<40x128xf32, #tpu.memory_space<hbm>>) target_semaphore(%run_scoped3A : memref<!tpu.dma_semaphore, #tpu.memory_space<semaphore_mem>>)
      %dma_wait3A = arith.constant 0 : i32
      %dma_wait3A_232 = tpu.memref_slice %arg6[%arg0, %add3A_139, %dma_wait3A] : memref<2x10240x128xf32, #tpu.memory_space<hbm>> -> memref<1x40x128xf32, #tpu.memory_space<hbm>>
      %dma_wait3A_233 = tpu.memref_squeeze %dma_wait3A_232 : memref<1x40x128xf32, #tpu.memory_space<hbm>> -> memref<40x128xf32, #tpu.memory_space<hbm>>
      %dma_wait3A_234 = arith.constant 0 : i32
      %dma_wait3A_235 = tpu.memref_slice %arg13[%add3A_135, %dma_wait3A_234] : memref<10240x128xf32, #tpu.memory_space<vmem_shared>> -> memref<40x128xf32, #tpu.memory_space<vmem_shared>>
      tpu.wait_dma2 semaphore(%run_scoped3A : memref<!tpu.dma_semaphore, #tpu.memory_space<semaphore_mem>>) src(%dma_wait3A_235 : memref<40x128xf32, #tpu.memory_space<vmem_shared>>) dst(%dma_wait3A_233 : memref<40x128xf32, #tpu.memory_space<hbm>>)
      tpu.yield
    }) : () -> ()
    %mul3A_140 = arith.constant 640 : i32
    %mul3A_141 = arith.muli %arg1, %mul3A_140 : i32
    %add3A_142 = arith.constant 280 : i32
    %add3A_143 = arith.addi %mul3A_141, %add3A_142 : i32
    %mul3A_144 = arith.constant 640 : i32
    %mul3A_145 = arith.muli %arg1, %mul3A_144 : i32
    %add3A_146 = arith.constant 280 : i32
    %add3A_147 = arith.addi %mul3A_145, %add3A_146 : i32
    "tpu.region"() ({
      %run_scoped3A = tpu.sem_alloc : memref<!tpu.dma_semaphore, #tpu.memory_space<semaphore_mem>>
      %dma_start3A = arith.constant 0 : i32
      %dma_start3A_228 = tpu.memref_slice %arg6[%arg0, %add3A_147, %dma_start3A] : memref<2x10240x128xf32, #tpu.memory_space<hbm>> -> memref<1x40x128xf32, #tpu.memory_space<hbm>>
      %dma_start3A_229 = tpu.memref_squeeze %dma_start3A_228 : memref<1x40x128xf32, #tpu.memory_space<hbm>> -> memref<40x128xf32, #tpu.memory_space<hbm>>
      %dma_start3A_230 = arith.constant 0 : i32
      %dma_start3A_231 = tpu.memref_slice %arg13[%add3A_143, %dma_start3A_230] : memref<10240x128xf32, #tpu.memory_space<vmem_shared>> -> memref<40x128xf32, #tpu.memory_space<vmem_shared>>
      tpu.enqueue_dma source(%dma_start3A_231 : memref<40x128xf32, #tpu.memory_space<vmem_shared>>) target(%dma_start3A_229 : memref<40x128xf32, #tpu.memory_space<hbm>>) target_semaphore(%run_scoped3A : memref<!tpu.dma_semaphore, #tpu.memory_space<semaphore_mem>>)
      %dma_wait3A = arith.constant 0 : i32
      %dma_wait3A_232 = tpu.memref_slice %arg6[%arg0, %add3A_147, %dma_wait3A] : memref<2x10240x128xf32, #tpu.memory_space<hbm>> -> memref<1x40x128xf32, #tpu.memory_space<hbm>>
      %dma_wait3A_233 = tpu.memref_squeeze %dma_wait3A_232 : memref<1x40x128xf32, #tpu.memory_space<hbm>> -> memref<40x128xf32, #tpu.memory_space<hbm>>
      %dma_wait3A_234 = arith.constant 0 : i32
      %dma_wait3A_235 = tpu.memref_slice %arg13[%add3A_143, %dma_wait3A_234] : memref<10240x128xf32, #tpu.memory_space<vmem_shared>> -> memref<40x128xf32, #tpu.memory_space<vmem_shared>>
      tpu.wait_dma2 semaphore(%run_scoped3A : memref<!tpu.dma_semaphore, #tpu.memory_space<semaphore_mem>>) src(%dma_wait3A_235 : memref<40x128xf32, #tpu.memory_space<vmem_shared>>) dst(%dma_wait3A_233 : memref<40x128xf32, #tpu.memory_space<hbm>>)
      tpu.yield
    }) : () -> ()
    %mul3A_148 = arith.constant 640 : i32
    %mul3A_149 = arith.muli %arg1, %mul3A_148 : i32
    %add3A_150 = arith.constant 320 : i32
    %add3A_151 = arith.addi %mul3A_149, %add3A_150 : i32
    %mul3A_152 = arith.constant 640 : i32
    %mul3A_153 = arith.muli %arg1, %mul3A_152 : i32
    %add3A_154 = arith.constant 320 : i32
    %add3A_155 = arith.addi %mul3A_153, %add3A_154 : i32
    "tpu.region"() ({
      %run_scoped3A = tpu.sem_alloc : memref<!tpu.dma_semaphore, #tpu.memory_space<semaphore_mem>>
      %dma_start3A = arith.constant 0 : i32
      %dma_start3A_228 = tpu.memref_slice %arg6[%arg0, %add3A_155, %dma_start3A] : memref<2x10240x128xf32, #tpu.memory_space<hbm>> -> memref<1x40x128xf32, #tpu.memory_space<hbm>>
      %dma_start3A_229 = tpu.memref_squeeze %dma_start3A_228 : memref<1x40x128xf32, #tpu.memory_space<hbm>> -> memref<40x128xf32, #tpu.memory_space<hbm>>
      %dma_start3A_230 = arith.constant 0 : i32
      %dma_start3A_231 = tpu.memref_slice %arg13[%add3A_151, %dma_start3A_230] : memref<10240x128xf32, #tpu.memory_space<vmem_shared>> -> memref<40x128xf32, #tpu.memory_space<vmem_shared>>
      tpu.enqueue_dma source(%dma_start3A_231 : memref<40x128xf32, #tpu.memory_space<vmem_shared>>) target(%dma_start3A_229 : memref<40x128xf32, #tpu.memory_space<hbm>>) target_semaphore(%run_scoped3A : memref<!tpu.dma_semaphore, #tpu.memory_space<semaphore_mem>>)
      %dma_wait3A = arith.constant 0 : i32
      %dma_wait3A_232 = tpu.memref_slice %arg6[%arg0, %add3A_155, %dma_wait3A] : memref<2x10240x128xf32, #tpu.memory_space<hbm>> -> memref<1x40x128xf32, #tpu.memory_space<hbm>>
      %dma_wait3A_233 = tpu.memref_squeeze %dma_wait3A_232 : memref<1x40x128xf32, #tpu.memory_space<hbm>> -> memref<40x128xf32, #tpu.memory_space<hbm>>
      %dma_wait3A_234 = arith.constant 0 : i32
      %dma_wait3A_235 = tpu.memref_slice %arg13[%add3A_151, %dma_wait3A_234] : memref<10240x128xf32, #tpu.memory_space<vmem_shared>> -> memref<40x128xf32, #tpu.memory_space<vmem_shared>>
      tpu.wait_dma2 semaphore(%run_scoped3A : memref<!tpu.dma_semaphore, #tpu.memory_space<semaphore_mem>>) src(%dma_wait3A_235 : memref<40x128xf32, #tpu.memory_space<vmem_shared>>) dst(%dma_wait3A_233 : memref<40x128xf32, #tpu.memory_space<hbm>>)
      tpu.yield
    }) : () -> ()
    %mul3A_156 = arith.constant 640 : i32
    %mul3A_157 = arith.muli %arg1, %mul3A_156 : i32
    %add3A_158 = arith.constant 360 : i32
    %add3A_159 = arith.addi %mul3A_157, %add3A_158 : i32
    %mul3A_160 = arith.constant 640 : i32
    %mul3A_161 = arith.muli %arg1, %mul3A_160 : i32
    %add3A_162 = arith.constant 360 : i32
    %add3A_163 = arith.addi %mul3A_161, %add3A_162 : i32
    "tpu.region"() ({
      %run_scoped3A = tpu.sem_alloc : memref<!tpu.dma_semaphore, #tpu.memory_space<semaphore_mem>>
      %dma_start3A = arith.constant 0 : i32
      %dma_start3A_228 = tpu.memref_slice %arg6[%arg0, %add3A_163, %dma_start3A] : memref<2x10240x128xf32, #tpu.memory_space<hbm>> -> memref<1x40x128xf32, #tpu.memory_space<hbm>>
      %dma_start3A_229 = tpu.memref_squeeze %dma_start3A_228 : memref<1x40x128xf32, #tpu.memory_space<hbm>> -> memref<40x128xf32, #tpu.memory_space<hbm>>
      %dma_start3A_230 = arith.constant 0 : i32
      %dma_start3A_231 = tpu.memref_slice %arg13[%add3A_159, %dma_start3A_230] : memref<10240x128xf32, #tpu.memory_space<vmem_shared>> -> memref<40x128xf32, #tpu.memory_space<vmem_shared>>
      tpu.enqueue_dma source(%dma_start3A_231 : memref<40x128xf32, #tpu.memory_space<vmem_shared>>) target(%dma_start3A_229 : memref<40x128xf32, #tpu.memory_space<hbm>>) target_semaphore(%run_scoped3A : memref<!tpu.dma_semaphore, #tpu.memory_space<semaphore_mem>>)
      %dma_wait3A = arith.constant 0 : i32
      %dma_wait3A_232 = tpu.memref_slice %arg6[%arg0, %add3A_163, %dma_wait3A] : memref<2x10240x128xf32, #tpu.memory_space<hbm>> -> memref<1x40x128xf32, #tpu.memory_space<hbm>>
      %dma_wait3A_233 = tpu.memref_squeeze %dma_wait3A_232 : memref<1x40x128xf32, #tpu.memory_space<hbm>> -> memref<40x128xf32, #tpu.memory_space<hbm>>
      %dma_wait3A_234 = arith.constant 0 : i32
      %dma_wait3A_235 = tpu.memref_slice %arg13[%add3A_159, %dma_wait3A_234] : memref<10240x128xf32, #tpu.memory_space<vmem_shared>> -> memref<40x128xf32, #tpu.memory_space<vmem_shared>>
      tpu.wait_dma2 semaphore(%run_scoped3A : memref<!tpu.dma_semaphore, #tpu.memory_space<semaphore_mem>>) src(%dma_wait3A_235 : memref<40x128xf32, #tpu.memory_space<vmem_shared>>) dst(%dma_wait3A_233 : memref<40x128xf32, #tpu.memory_space<hbm>>)
      tpu.yield
    }) : () -> ()
    %mul3A_164 = arith.constant 640 : i32
    %mul3A_165 = arith.muli %arg1, %mul3A_164 : i32
    %add3A_166 = arith.constant 400 : i32
    %add3A_167 = arith.addi %mul3A_165, %add3A_166 : i32
    %mul3A_168 = arith.constant 640 : i32
    %mul3A_169 = arith.muli %arg1, %mul3A_168 : i32
    %add3A_170 = arith.constant 400 : i32
    %add3A_171 = arith.addi %mul3A_169, %add3A_170 : i32
    "tpu.region"() ({
      %run_scoped3A = tpu.sem_alloc : memref<!tpu.dma_semaphore, #tpu.memory_space<semaphore_mem>>
      %dma_start3A = arith.constant 0 : i32
      %dma_start3A_228 = tpu.memref_slice %arg6[%arg0, %add3A_171, %dma_start3A] : memref<2x10240x128xf32, #tpu.memory_space<hbm>> -> memref<1x40x128xf32, #tpu.memory_space<hbm>>
      %dma_start3A_229 = tpu.memref_squeeze %dma_start3A_228 : memref<1x40x128xf32, #tpu.memory_space<hbm>> -> memref<40x128xf32, #tpu.memory_space<hbm>>
      %dma_start3A_230 = arith.constant 0 : i32
      %dma_start3A_231 = tpu.memref_slice %arg13[%add3A_167, %dma_start3A_230] : memref<10240x128xf32, #tpu.memory_space<vmem_shared>> -> memref<40x128xf32, #tpu.memory_space<vmem_shared>>
      tpu.enqueue_dma source(%dma_start3A_231 : memref<40x128xf32, #tpu.memory_space<vmem_shared>>) target(%dma_start3A_229 : memref<40x128xf32, #tpu.memory_space<hbm>>) target_semaphore(%run_scoped3A : memref<!tpu.dma_semaphore, #tpu.memory_space<semaphore_mem>>)
      %dma_wait3A = arith.constant 0 : i32
      %dma_wait3A_232 = tpu.memref_slice %arg6[%arg0, %add3A_171, %dma_wait3A] : memref<2x10240x128xf32, #tpu.memory_space<hbm>> -> memref<1x40x128xf32, #tpu.memory_space<hbm>>
      %dma_wait3A_233 = tpu.memref_squeeze %dma_wait3A_232 : memref<1x40x128xf32, #tpu.memory_space<hbm>> -> memref<40x128xf32, #tpu.memory_space<hbm>>
      %dma_wait3A_234 = arith.constant 0 : i32
      %dma_wait3A_235 = tpu.memref_slice %arg13[%add3A_167, %dma_wait3A_234] : memref<10240x128xf32, #tpu.memory_space<vmem_shared>> -> memref<40x128xf32, #tpu.memory_space<vmem_shared>>
      tpu.wait_dma2 semaphore(%run_scoped3A : memref<!tpu.dma_semaphore, #tpu.memory_space<semaphore_mem>>) src(%dma_wait3A_235 : memref<40x128xf32, #tpu.memory_space<vmem_shared>>) dst(%dma_wait3A_233 : memref<40x128xf32, #tpu.memory_space<hbm>>)
      tpu.yield
    }) : () -> ()
    %mul3A_172 = arith.constant 640 : i32
    %mul3A_173 = arith.muli %arg1, %mul3A_172 : i32
    %add3A_174 = arith.constant 440 : i32
    %add3A_175 = arith.addi %mul3A_173, %add3A_174 : i32
    %mul3A_176 = arith.constant 640 : i32
    %mul3A_177 = arith.muli %arg1, %mul3A_176 : i32
    %add3A_178 = arith.constant 440 : i32
    %add3A_179 = arith.addi %mul3A_177, %add3A_178 : i32
    "tpu.region"() ({
      %run_scoped3A = tpu.sem_alloc : memref<!tpu.dma_semaphore, #tpu.memory_space<semaphore_mem>>
      %dma_start3A = arith.constant 0 : i32
      %dma_start3A_228 = tpu.memref_slice %arg6[%arg0, %add3A_179, %dma_start3A] : memref<2x10240x128xf32, #tpu.memory_space<hbm>> -> memref<1x40x128xf32, #tpu.memory_space<hbm>>
      %dma_start3A_229 = tpu.memref_squeeze %dma_start3A_228 : memref<1x40x128xf32, #tpu.memory_space<hbm>> -> memref<40x128xf32, #tpu.memory_space<hbm>>
      %dma_start3A_230 = arith.constant 0 : i32
      %dma_start3A_231 = tpu.memref_slice %arg13[%add3A_175, %dma_start3A_230] : memref<10240x128xf32, #tpu.memory_space<vmem_shared>> -> memref<40x128xf32, #tpu.memory_space<vmem_shared>>
      tpu.enqueue_dma source(%dma_start3A_231 : memref<40x128xf32, #tpu.memory_space<vmem_shared>>) target(%dma_start3A_229 : memref<40x128xf32, #tpu.memory_space<hbm>>) target_semaphore(%run_scoped3A : memref<!tpu.dma_semaphore, #tpu.memory_space<semaphore_mem>>)
      %dma_wait3A = arith.constant 0 : i32
      %dma_wait3A_232 = tpu.memref_slice %arg6[%arg0, %add3A_179, %dma_wait3A] : memref<2x10240x128xf32, #tpu.memory_space<hbm>> -> memref<1x40x128xf32, #tpu.memory_space<hbm>>
      %dma_wait3A_233 = tpu.memref_squeeze %dma_wait3A_232 : memref<1x40x128xf32, #tpu.memory_space<hbm>> -> memref<40x128xf32, #tpu.memory_space<hbm>>
      %dma_wait3A_234 = arith.constant 0 : i32
      %dma_wait3A_235 = tpu.memref_slice %arg13[%add3A_175, %dma_wait3A_234] : memref<10240x128xf32, #tpu.memory_space<vmem_shared>> -> memref<40x128xf32, #tpu.memory_space<vmem_shared>>
      tpu.wait_dma2 semaphore(%run_scoped3A : memref<!tpu.dma_semaphore, #tpu.memory_space<semaphore_mem>>) src(%dma_wait3A_235 : memref<40x128xf32, #tpu.memory_space<vmem_shared>>) dst(%dma_wait3A_233 : memref<40x128xf32, #tpu.memory_space<hbm>>)
      tpu.yield
    }) : () -> ()
    %mul3A_180 = arith.constant 640 : i32
    %mul3A_181 = arith.muli %arg1, %mul3A_180 : i32
    %add3A_182 = arith.constant 480 : i32
    %add3A_183 = arith.addi %mul3A_181, %add3A_182 : i32
    %mul3A_184 = arith.constant 640 : i32
    %mul3A_185 = arith.muli %arg1, %mul3A_184 : i32
    %add3A_186 = arith.constant 480 : i32
    %add3A_187 = arith.addi %mul3A_185, %add3A_186 : i32
    "tpu.region"() ({
      %run_scoped3A = tpu.sem_alloc : memref<!tpu.dma_semaphore, #tpu.memory_space<semaphore_mem>>
      %dma_start3A = arith.constant 0 : i32
      %dma_start3A_228 = tpu.memref_slice %arg6[%arg0, %add3A_187, %dma_start3A] : memref<2x10240x128xf32, #tpu.memory_space<hbm>> -> memref<1x40x128xf32, #tpu.memory_space<hbm>>
      %dma_start3A_229 = tpu.memref_squeeze %dma_start3A_228 : memref<1x40x128xf32, #tpu.memory_space<hbm>> -> memref<40x128xf32, #tpu.memory_space<hbm>>
      %dma_start3A_230 = arith.constant 0 : i32
      %dma_start3A_231 = tpu.memref_slice %arg13[%add3A_183, %dma_start3A_230] : memref<10240x128xf32, #tpu.memory_space<vmem_shared>> -> memref<40x128xf32, #tpu.memory_space<vmem_shared>>
      tpu.enqueue_dma source(%dma_start3A_231 : memref<40x128xf32, #tpu.memory_space<vmem_shared>>) target(%dma_start3A_229 : memref<40x128xf32, #tpu.memory_space<hbm>>) target_semaphore(%run_scoped3A : memref<!tpu.dma_semaphore, #tpu.memory_space<semaphore_mem>>)
      %dma_wait3A = arith.constant 0 : i32
      %dma_wait3A_232 = tpu.memref_slice %arg6[%arg0, %add3A_187, %dma_wait3A] : memref<2x10240x128xf32, #tpu.memory_space<hbm>> -> memref<1x40x128xf32, #tpu.memory_space<hbm>>
      %dma_wait3A_233 = tpu.memref_squeeze %dma_wait3A_232 : memref<1x40x128xf32, #tpu.memory_space<hbm>> -> memref<40x128xf32, #tpu.memory_space<hbm>>
      %dma_wait3A_234 = arith.constant 0 : i32
      %dma_wait3A_235 = tpu.memref_slice %arg13[%add3A_183, %dma_wait3A_234] : memref<10240x128xf32, #tpu.memory_space<vmem_shared>> -> memref<40x128xf32, #tpu.memory_space<vmem_shared>>
      tpu.wait_dma2 semaphore(%run_scoped3A : memref<!tpu.dma_semaphore, #tpu.memory_space<semaphore_mem>>) src(%dma_wait3A_235 : memref<40x128xf32, #tpu.memory_space<vmem_shared>>) dst(%dma_wait3A_233 : memref<40x128xf32, #tpu.memory_space<hbm>>)
      tpu.yield
    }) : () -> ()
    %mul3A_188 = arith.constant 640 : i32
    %mul3A_189 = arith.muli %arg1, %mul3A_188 : i32
    %add3A_190 = arith.constant 520 : i32
    %add3A_191 = arith.addi %mul3A_189, %add3A_190 : i32
    %mul3A_192 = arith.constant 640 : i32
    %mul3A_193 = arith.muli %arg1, %mul3A_192 : i32
    %add3A_194 = arith.constant 520 : i32
    %add3A_195 = arith.addi %mul3A_193, %add3A_194 : i32
    "tpu.region"() ({
      %run_scoped3A = tpu.sem_alloc : memref<!tpu.dma_semaphore, #tpu.memory_space<semaphore_mem>>
      %dma_start3A = arith.constant 0 : i32
      %dma_start3A_228 = tpu.memref_slice %arg6[%arg0, %add3A_195, %dma_start3A] : memref<2x10240x128xf32, #tpu.memory_space<hbm>> -> memref<1x40x128xf32, #tpu.memory_space<hbm>>
      %dma_start3A_229 = tpu.memref_squeeze %dma_start3A_228 : memref<1x40x128xf32, #tpu.memory_space<hbm>> -> memref<40x128xf32, #tpu.memory_space<hbm>>
      %dma_start3A_230 = arith.constant 0 : i32
      %dma_start3A_231 = tpu.memref_slice %arg13[%add3A_191, %dma_start3A_230] : memref<10240x128xf32, #tpu.memory_space<vmem_shared>> -> memref<40x128xf32, #tpu.memory_space<vmem_shared>>
      tpu.enqueue_dma source(%dma_start3A_231 : memref<40x128xf32, #tpu.memory_space<vmem_shared>>) target(%dma_start3A_229 : memref<40x128xf32, #tpu.memory_space<hbm>>) target_semaphore(%run_scoped3A : memref<!tpu.dma_semaphore, #tpu.memory_space<semaphore_mem>>)
      %dma_wait3A = arith.constant 0 : i32
      %dma_wait3A_232 = tpu.memref_slice %arg6[%arg0, %add3A_195, %dma_wait3A] : memref<2x10240x128xf32, #tpu.memory_space<hbm>> -> memref<1x40x128xf32, #tpu.memory_space<hbm>>
      %dma_wait3A_233 = tpu.memref_squeeze %dma_wait3A_232 : memref<1x40x128xf32, #tpu.memory_space<hbm>> -> memref<40x128xf32, #tpu.memory_space<hbm>>
      %dma_wait3A_234 = arith.constant 0 : i32
      %dma_wait3A_235 = tpu.memref_slice %arg13[%add3A_191, %dma_wait3A_234] : memref<10240x128xf32, #tpu.memory_space<vmem_shared>> -> memref<40x128xf32, #tpu.memory_space<vmem_shared>>
      tpu.wait_dma2 semaphore(%run_scoped3A : memref<!tpu.dma_semaphore, #tpu.memory_space<semaphore_mem>>) src(%dma_wait3A_235 : memref<40x128xf32, #tpu.memory_space<vmem_shared>>) dst(%dma_wait3A_233 : memref<40x128xf32, #tpu.memory_space<hbm>>)
      tpu.yield
    }) : () -> ()
    %mul3A_196 = arith.constant 640 : i32
    %mul3A_197 = arith.muli %arg1, %mul3A_196 : i32
    %add3A_198 = arith.constant 560 : i32
    %add3A_199 = arith.addi %mul3A_197, %add3A_198 : i32
    %mul3A_200 = arith.constant 640 : i32
    %mul3A_201 = arith.muli %arg1, %mul3A_200 : i32
    %add3A_202 = arith.constant 560 : i32
    %add3A_203 = arith.addi %mul3A_201, %add3A_202 : i32
    "tpu.region"() ({
      %run_scoped3A = tpu.sem_alloc : memref<!tpu.dma_semaphore, #tpu.memory_space<semaphore_mem>>
      %dma_start3A = arith.constant 0 : i32
      %dma_start3A_228 = tpu.memref_slice %arg6[%arg0, %add3A_203, %dma_start3A] : memref<2x10240x128xf32, #tpu.memory_space<hbm>> -> memref<1x40x128xf32, #tpu.memory_space<hbm>>
      %dma_start3A_229 = tpu.memref_squeeze %dma_start3A_228 : memref<1x40x128xf32, #tpu.memory_space<hbm>> -> memref<40x128xf32, #tpu.memory_space<hbm>>
      %dma_start3A_230 = arith.constant 0 : i32
      %dma_start3A_231 = tpu.memref_slice %arg13[%add3A_199, %dma_start3A_230] : memref<10240x128xf32, #tpu.memory_space<vmem_shared>> -> memref<40x128xf32, #tpu.memory_space<vmem_shared>>
      tpu.enqueue_dma source(%dma_start3A_231 : memref<40x128xf32, #tpu.memory_space<vmem_shared>>) target(%dma_start3A_229 : memref<40x128xf32, #tpu.memory_space<hbm>>) target_semaphore(%run_scoped3A : memref<!tpu.dma_semaphore, #tpu.memory_space<semaphore_mem>>)
      %dma_wait3A = arith.constant 0 : i32
      %dma_wait3A_232 = tpu.memref_slice %arg6[%arg0, %add3A_203, %dma_wait3A] : memref<2x10240x128xf32, #tpu.memory_space<hbm>> -> memref<1x40x128xf32, #tpu.memory_space<hbm>>
      %dma_wait3A_233 = tpu.memref_squeeze %dma_wait3A_232 : memref<1x40x128xf32, #tpu.memory_space<hbm>> -> memref<40x128xf32, #tpu.memory_space<hbm>>
      %dma_wait3A_234 = arith.constant 0 : i32
      %dma_wait3A_235 = tpu.memref_slice %arg13[%add3A_199, %dma_wait3A_234] : memref<10240x128xf32, #tpu.memory_space<vmem_shared>> -> memref<40x128xf32, #tpu.memory_space<vmem_shared>>
      tpu.wait_dma2 semaphore(%run_scoped3A : memref<!tpu.dma_semaphore, #tpu.memory_space<semaphore_mem>>) src(%dma_wait3A_235 : memref<40x128xf32, #tpu.memory_space<vmem_shared>>) dst(%dma_wait3A_233 : memref<40x128xf32, #tpu.memory_space<hbm>>)
      tpu.yield
    }) : () -> ()
    %mul3A_204 = arith.constant 640 : i32
    %mul3A_205 = arith.muli %arg1, %mul3A_204 : i32
    %add3A_206 = arith.constant 600 : i32
    %add3A_207 = arith.addi %mul3A_205, %add3A_206 : i32
    %mul3A_208 = arith.constant 640 : i32
    %mul3A_209 = arith.muli %arg1, %mul3A_208 : i32
    %add3A_210 = arith.constant 600 : i32
    %add3A_211 = arith.addi %mul3A_209, %add3A_210 : i32
    "tpu.region"() ({
      %run_scoped3A = tpu.sem_alloc : memref<!tpu.dma_semaphore, #tpu.memory_space<semaphore_mem>>
      %dma_start3A = arith.constant 0 : i32
      %dma_start3A_228 = tpu.memref_slice %arg6[%arg0, %add3A_211, %dma_start3A] : memref<2x10240x128xf32, #tpu.memory_space<hbm>> -> memref<1x40x128xf32, #tpu.memory_space<hbm>>
      %dma_start3A_229 = tpu.memref_squeeze %dma_start3A_228 : memref<1x40x128xf32, #tpu.memory_space<hbm>> -> memref<40x128xf32, #tpu.memory_space<hbm>>
      %dma_start3A_230 = arith.constant 0 : i32
      %dma_start3A_231 = tpu.memref_slice %arg13[%add3A_207, %dma_start3A_230] : memref<10240x128xf32, #tpu.memory_space<vmem_shared>> -> memref<40x128xf32, #tpu.memory_space<vmem_shared>>
      tpu.enqueue_dma source(%dma_start3A_231 : memref<40x128xf32, #tpu.memory_space<vmem_shared>>) target(%dma_start3A_229 : memref<40x128xf32, #tpu.memory_space<hbm>>) target_semaphore(%run_scoped3A : memref<!tpu.dma_semaphore, #tpu.memory_space<semaphore_mem>>)
      %dma_wait3A = arith.constant 0 : i32
      %dma_wait3A_232 = tpu.memref_slice %arg6[%arg0, %add3A_211, %dma_wait3A] : memref<2x10240x128xf32, #tpu.memory_space<hbm>> -> memref<1x40x128xf32, #tpu.memory_space<hbm>>
      %dma_wait3A_233 = tpu.memref_squeeze %dma_wait3A_232 : memref<1x40x128xf32, #tpu.memory_space<hbm>> -> memref<40x128xf32, #tpu.memory_space<hbm>>
      %dma_wait3A_234 = arith.constant 0 : i32
      %dma_wait3A_235 = tpu.memref_slice %arg13[%add3A_207, %dma_wait3A_234] : memref<10240x128xf32, #tpu.memory_space<vmem_shared>> -> memref<40x128xf32, #tpu.memory_space<vmem_shared>>
      tpu.wait_dma2 semaphore(%run_scoped3A : memref<!tpu.dma_semaphore, #tpu.memory_space<semaphore_mem>>) src(%dma_wait3A_235 : memref<40x128xf32, #tpu.memory_space<vmem_shared>>) dst(%dma_wait3A_233 : memref<40x128xf32, #tpu.memory_space<hbm>>)
      tpu.yield
    }) : () -> ()
    %mul3A_212 = arith.constant 80 : i32
    %mul3A_213 = arith.muli %arg1, %mul3A_212 : i32
    %add3A_214 = arith.constant 0 : i32
    %add3A_215 = arith.addi %mul3A_213, %add3A_214 : i32
    %mul3A_216 = arith.constant 80 : i32
    %mul3A_217 = arith.muli %arg1, %mul3A_216 : i32
    %add3A_218 = arith.constant 0 : i32
    %add3A_219 = arith.addi %mul3A_217, %add3A_218 : i32
    "tpu.region"() ({
      %run_scoped3A = tpu.sem_alloc : memref<!tpu.dma_semaphore, #tpu.memory_space<semaphore_mem>>
      %dma_start3A = arith.constant 0 : i32
      %dma_start3A_228 = tpu.memref_slice %arg7[%arg0, %add3A_219, %dma_start3A] : memref<2x1280x128xf32, #tpu.memory_space<hbm>> -> memref<1x40x128xf32, #tpu.memory_space<hbm>>
      %dma_start3A_229 = tpu.memref_squeeze %dma_start3A_228 : memref<1x40x128xf32, #tpu.memory_space<hbm>> -> memref<40x128xf32, #tpu.memory_space<hbm>>
      %dma_start3A_230 = arith.constant 0 : i32
      %dma_start3A_231 = tpu.memref_slice %arg14[%add3A_215, %dma_start3A_230] : memref<1280x128xf32, #tpu.memory_space<vmem_shared>> -> memref<40x128xf32, #tpu.memory_space<vmem_shared>>
      tpu.enqueue_dma source(%dma_start3A_231 : memref<40x128xf32, #tpu.memory_space<vmem_shared>>) target(%dma_start3A_229 : memref<40x128xf32, #tpu.memory_space<hbm>>) target_semaphore(%run_scoped3A : memref<!tpu.dma_semaphore, #tpu.memory_space<semaphore_mem>>)
      %dma_wait3A = arith.constant 0 : i32
      %dma_wait3A_232 = tpu.memref_slice %arg7[%arg0, %add3A_219, %dma_wait3A] : memref<2x1280x128xf32, #tpu.memory_space<hbm>> -> memref<1x40x128xf32, #tpu.memory_space<hbm>>
      %dma_wait3A_233 = tpu.memref_squeeze %dma_wait3A_232 : memref<1x40x128xf32, #tpu.memory_space<hbm>> -> memref<40x128xf32, #tpu.memory_space<hbm>>
      %dma_wait3A_234 = arith.constant 0 : i32
      %dma_wait3A_235 = tpu.memref_slice %arg14[%add3A_215, %dma_wait3A_234] : memref<1280x128xf32, #tpu.memory_space<vmem_shared>> -> memref<40x128xf32, #tpu.memory_space<vmem_shared>>
      tpu.wait_dma2 semaphore(%run_scoped3A : memref<!tpu.dma_semaphore, #tpu.memory_space<semaphore_mem>>) src(%dma_wait3A_235 : memref<40x128xf32, #tpu.memory_space<vmem_shared>>) dst(%dma_wait3A_233 : memref<40x128xf32, #tpu.memory_space<hbm>>)
      tpu.yield
    }) : () -> ()
    %mul3A_220 = arith.constant 80 : i32
    %mul3A_221 = arith.muli %arg1, %mul3A_220 : i32
    %add3A_222 = arith.constant 40 : i32
    %add3A_223 = arith.addi %mul3A_221, %add3A_222 : i32
    %mul3A_224 = arith.constant 80 : i32
    %mul3A_225 = arith.muli %arg1, %mul3A_224 : i32
    %add3A_226 = arith.constant 40 : i32
    %add3A_227 = arith.addi %mul3A_225, %add3A_226 : i32
    "tpu.region"() ({
      %run_scoped3A = tpu.sem_alloc : memref<!tpu.dma_semaphore, #tpu.memory_space<semaphore_mem>>
      %dma_start3A = arith.constant 0 : i32
      %dma_start3A_228 = tpu.memref_slice %arg7[%arg0, %add3A_227, %dma_start3A] : memref<2x1280x128xf32, #tpu.memory_space<hbm>> -> memref<1x40x128xf32, #tpu.memory_space<hbm>>
      %dma_start3A_229 = tpu.memref_squeeze %dma_start3A_228 : memref<1x40x128xf32, #tpu.memory_space<hbm>> -> memref<40x128xf32, #tpu.memory_space<hbm>>
      %dma_start3A_230 = arith.constant 0 : i32
      %dma_start3A_231 = tpu.memref_slice %arg14[%add3A_223, %dma_start3A_230] : memref<1280x128xf32, #tpu.memory_space<vmem_shared>> -> memref<40x128xf32, #tpu.memory_space<vmem_shared>>
      tpu.enqueue_dma source(%dma_start3A_231 : memref<40x128xf32, #tpu.memory_space<vmem_shared>>) target(%dma_start3A_229 : memref<40x128xf32, #tpu.memory_space<hbm>>) target_semaphore(%run_scoped3A : memref<!tpu.dma_semaphore, #tpu.memory_space<semaphore_mem>>)
      %dma_wait3A = arith.constant 0 : i32
      %dma_wait3A_232 = tpu.memref_slice %arg7[%arg0, %add3A_227, %dma_wait3A] : memref<2x1280x128xf32, #tpu.memory_space<hbm>> -> memref<1x40x128xf32, #tpu.memory_space<hbm>>
      %dma_wait3A_233 = tpu.memref_squeeze %dma_wait3A_232 : memref<1x40x128xf32, #tpu.memory_space<hbm>> -> memref<40x128xf32, #tpu.memory_space<hbm>>
      %dma_wait3A_234 = arith.constant 0 : i32
      %dma_wait3A_235 = tpu.memref_slice %arg14[%add3A_223, %dma_wait3A_234] : memref<1280x128xf32, #tpu.memory_space<vmem_shared>> -> memref<40x128xf32, #tpu.memory_space<vmem_shared>>
      tpu.wait_dma2 semaphore(%run_scoped3A : memref<!tpu.dma_semaphore, #tpu.memory_space<semaphore_mem>>) src(%dma_wait3A_235 : memref<40x128xf32, #tpu.memory_space<vmem_shared>>) dst(%dma_wait3A_233 : memref<40x128xf32, #tpu.memory_space<hbm>>)
      tpu.yield
    }) : () -> ()
    return
  }
}

#map = affine_map<(d0, d1) -> (0)>
#map1 = affine_map<(d0, d1) -> (0, 0)>
#map2 = affine_map<(d0, d1) -> (0, 0, 0)>
module attributes {stable_mosaic.version = 14 : i64} {
  func.func @_pass1_body(%arg0: i32, %arg1: i32, %arg2: memref<320000xi32, #tpu.memory_space<hbm>>, %arg3: memref<320000xi32, #tpu.memory_space<hbm>>, %arg4: memref<20000x128xf32, #tpu.memory_space<hbm>>, %arg5: memref<20000x128xf32, #tpu.memory_space<hbm>>, %arg6: memref<2x160000x128xf32, #tpu.memory_space<hbm>>, %arg7: memref<2x160000x128xf32, #tpu.memory_space<hbm>>, %arg8: memref<80xi32, #tpu.memory_space<vmem>>, %arg9: memref<80xi32, #tpu.memory_space<vmem>>, %arg10: memref<80x128xf32, #tpu.memory_space<vmem>>, %arg11: memref<80x128xf32, #tpu.memory_space<vmem>>, %arg12: memref<!tpu.dma_semaphore, #tpu.memory_space<semaphore_mem>>, %arg13: memref<!tpu.dma_semaphore, #tpu.memory_space<semaphore_mem>>) attributes {dimension_semantics = [#tpu.dimension_semantics<core_parallel>, #tpu.dimension_semantics<subcore_parallel>], iteration_bounds = array<i64: 2, 16>, scalar_prefetch = 0 : i64, scratch_operands = 6 : i64, tpu.core_type = #tpu.core_type<sc_vector_subcore>, window_params = [{transform_indices = #map}, {transform_indices = #map}, {transform_indices = #map1}, {transform_indices = #map1}, {transform_indices = #map2}, {transform_indices = #map2}]} {
    %scan3A = arith.constant 0 : i32
    %scan3A_0 = arith.constant 0 : i32
    %scan3A_1 = arith.constant 125 : i32
    %scan3A_2 = arith.addi %scan3A_0, %scan3A_1 : i32
    %scan3A_3 = arith.constant 1 : i32
    %scan3A_4 = scf.for %scan3A_6 = %scan3A_0 to %scan3A_2 step %scan3A_3 iter_args(%scan3A_7 = %scan3A) -> (i32)  : i32 {
      %mul3A = arith.constant 10000 : i32
      %mul3A_8 = arith.muli %arg1, %mul3A : i32
      %mul3A_9 = arith.constant 80 : i32
      %mul3A_10 = arith.muli %scan3A_6, %mul3A_9 : i32
      %add3A = arith.addi %mul3A_8, %mul3A_10 : i32
      %mul3A_11 = arith.constant 160000 : i32
      %mul3A_12 = arith.muli %arg0, %mul3A_11 : i32
      %add3A_13 = arith.addi %mul3A_12, %add3A : i32
      "tpu.region"() ({
        %run_scoped3A = tpu.sem_alloc : memref<!tpu.dma_semaphore, #tpu.memory_space<semaphore_mem>>
        %dma_start3A_28 = tpu.memref_slice %arg2[%add3A_13] : memref<320000xi32, #tpu.memory_space<hbm>> -> memref<80xi32, #tpu.memory_space<hbm>>
        %dma_start3A_29 = tpu.memref_slice %arg2[%add3A_13] : memref<320000xi32, #tpu.memory_space<hbm>> -> memref<80xi32, #tpu.memory_space<hbm>>
        tpu.enqueue_dma source(%dma_start3A_29 : memref<80xi32, #tpu.memory_space<hbm>>) target(%arg8 : memref<80xi32, #tpu.memory_space<vmem>>) target_semaphore(%run_scoped3A : memref<!tpu.dma_semaphore, #tpu.memory_space<semaphore_mem>>)
        %dma_wait3A_30 = tpu.memref_slice %arg2[%add3A_13] : memref<320000xi32, #tpu.memory_space<hbm>> -> memref<80xi32, #tpu.memory_space<hbm>>
        %dma_wait3A_31 = tpu.memref_slice %arg2[%add3A_13] : memref<320000xi32, #tpu.memory_space<hbm>> -> memref<80xi32, #tpu.memory_space<hbm>>
        tpu.wait_dma2 semaphore(%run_scoped3A : memref<!tpu.dma_semaphore, #tpu.memory_space<semaphore_mem>>) src(%dma_wait3A_31 : memref<80xi32, #tpu.memory_space<hbm>>) dst(%arg8 : memref<80xi32, #tpu.memory_space<vmem>>)
        tpu.yield
      }) : () -> ()
      %mul3A_14 = arith.constant 160000 : i32
      %mul3A_15 = arith.muli %arg0, %mul3A_14 : i32
      %add3A_16 = arith.addi %mul3A_15, %add3A : i32
      "tpu.region"() ({
        %run_scoped3A = tpu.sem_alloc : memref<!tpu.dma_semaphore, #tpu.memory_space<semaphore_mem>>
        %dma_start3A_28 = tpu.memref_slice %arg3[%add3A_16] : memref<320000xi32, #tpu.memory_space<hbm>> -> memref<80xi32, #tpu.memory_space<hbm>>
        %dma_start3A_29 = tpu.memref_slice %arg3[%add3A_16] : memref<320000xi32, #tpu.memory_space<hbm>> -> memref<80xi32, #tpu.memory_space<hbm>>
        tpu.enqueue_dma source(%dma_start3A_29 : memref<80xi32, #tpu.memory_space<hbm>>) target(%arg9 : memref<80xi32, #tpu.memory_space<vmem>>) target_semaphore(%run_scoped3A : memref<!tpu.dma_semaphore, #tpu.memory_space<semaphore_mem>>)
        %dma_wait3A_30 = tpu.memref_slice %arg3[%add3A_16] : memref<320000xi32, #tpu.memory_space<hbm>> -> memref<80xi32, #tpu.memory_space<hbm>>
        %dma_wait3A_31 = tpu.memref_slice %arg3[%add3A_16] : memref<320000xi32, #tpu.memory_space<hbm>> -> memref<80xi32, #tpu.memory_space<hbm>>
        tpu.wait_dma2 semaphore(%run_scoped3A : memref<!tpu.dma_semaphore, #tpu.memory_space<semaphore_mem>>) src(%dma_wait3A_31 : memref<80xi32, #tpu.memory_space<hbm>>) dst(%arg9 : memref<80xi32, #tpu.memory_space<vmem>>)
        tpu.yield
      }) : () -> ()
      %dma_start3A = arith.constant 0 : i32
      %dma_start3A_17 = arith.constant 0 : i32
      %dma_start3A_18 = tpu.memref_slice %arg4[%dma_start3A, %dma_start3A_17] : memref<20000x128xf32, #tpu.memory_space<hbm>> -> memref<20000x128xf32, #tpu.memory_space<hbm>>
      tpu.enqueue_indirect_dma source(%dma_start3A_18 : memref<20000x128xf32, #tpu.memory_space<hbm>>) target(%arg10 : memref<80x128xf32, #tpu.memory_space<vmem>>) offsets(%arg8 : memref<80xi32, #tpu.memory_space<vmem>>) semaphore(%arg12 : memref<!tpu.dma_semaphore, #tpu.memory_space<semaphore_mem>>)
      %dma_wait3A = arith.constant 0 : i32
      %dma_wait3A_19 = arith.constant 0 : i32
      %dma_wait3A_20 = tpu.memref_slice %arg4[%dma_wait3A, %dma_wait3A_19] : memref<20000x128xf32, #tpu.memory_space<hbm>> -> memref<20000x128xf32, #tpu.memory_space<hbm>>
      tpu.wait_indirect_dma semaphore(%arg12 : memref<!tpu.dma_semaphore, #tpu.memory_space<semaphore_mem>>) src(%dma_wait3A_20 : memref<20000x128xf32, #tpu.memory_space<hbm>>) dst(%arg10 : memref<80x128xf32, #tpu.memory_space<vmem>>)
      %dma_start3A_21 = arith.constant 0 : i32
      %dma_start3A_22 = arith.constant 0 : i32
      %dma_start3A_23 = tpu.memref_slice %arg5[%dma_start3A_21, %dma_start3A_22] : memref<20000x128xf32, #tpu.memory_space<hbm>> -> memref<20000x128xf32, #tpu.memory_space<hbm>>
      tpu.enqueue_indirect_dma source(%dma_start3A_23 : memref<20000x128xf32, #tpu.memory_space<hbm>>) target(%arg11 : memref<80x128xf32, #tpu.memory_space<vmem>>) offsets(%arg9 : memref<80xi32, #tpu.memory_space<vmem>>) semaphore(%arg13 : memref<!tpu.dma_semaphore, #tpu.memory_space<semaphore_mem>>)
      %dma_wait3A_24 = arith.constant 0 : i32
      %dma_wait3A_25 = arith.constant 0 : i32
      %dma_wait3A_26 = tpu.memref_slice %arg5[%dma_wait3A_24, %dma_wait3A_25] : memref<20000x128xf32, #tpu.memory_space<hbm>> -> memref<20000x128xf32, #tpu.memory_space<hbm>>
      tpu.wait_indirect_dma semaphore(%arg13 : memref<!tpu.dma_semaphore, #tpu.memory_space<semaphore_mem>>) src(%dma_wait3A_26 : memref<20000x128xf32, #tpu.memory_space<hbm>>) dst(%arg11 : memref<80x128xf32, #tpu.memory_space<vmem>>)
      "tpu.region"() ({
        %run_scoped3A = tpu.sem_alloc : memref<!tpu.dma_semaphore, #tpu.memory_space<semaphore_mem>>
        %dma_start3A_28 = arith.constant 0 : i32
        %dma_start3A_29 = arith.constant 0 : i32
        %dma_start3A_30 = tpu.memref_slice %arg10[%dma_start3A_28, %dma_start3A_29] : memref<80x128xf32, #tpu.memory_space<vmem>> -> memref<80x128xf32, #tpu.memory_space<vmem>>
        %dma_start3A_31 = arith.constant 0 : i32
        %dma_start3A_32 = tpu.memref_slice %arg6[%arg0, %add3A, %dma_start3A_31] : memref<2x160000x128xf32, #tpu.memory_space<hbm>> -> memref<1x80x128xf32, #tpu.memory_space<hbm>>
        %dma_start3A_33 = tpu.memref_squeeze %dma_start3A_32 : memref<1x80x128xf32, #tpu.memory_space<hbm>> -> memref<80x128xf32, #tpu.memory_space<hbm>>
        %dma_start3A_34 = arith.constant 0 : i32
        %dma_start3A_35 = tpu.memref_slice %arg6[%arg0, %add3A, %dma_start3A_34] : memref<2x160000x128xf32, #tpu.memory_space<hbm>> -> memref<1x80x128xf32, #tpu.memory_space<hbm>>
        %dma_start3A_36 = tpu.memref_squeeze %dma_start3A_35 : memref<1x80x128xf32, #tpu.memory_space<hbm>> -> memref<80x128xf32, #tpu.memory_space<hbm>>
        %dma_start3A_37 = arith.constant 0 : i32
        %dma_start3A_38 = arith.constant 0 : i32
        %dma_start3A_39 = tpu.memref_slice %arg10[%dma_start3A_37, %dma_start3A_38] : memref<80x128xf32, #tpu.memory_space<vmem>> -> memref<80x128xf32, #tpu.memory_space<vmem>>
        tpu.enqueue_dma source(%dma_start3A_39 : memref<80x128xf32, #tpu.memory_space<vmem>>) target(%dma_start3A_36 : memref<80x128xf32, #tpu.memory_space<hbm>>) target_semaphore(%run_scoped3A : memref<!tpu.dma_semaphore, #tpu.memory_space<semaphore_mem>>)
        %dma_wait3A_40 = arith.constant 0 : i32
        %dma_wait3A_41 = arith.constant 0 : i32
        %dma_wait3A_42 = tpu.memref_slice %arg10[%dma_wait3A_40, %dma_wait3A_41] : memref<80x128xf32, #tpu.memory_space<vmem>> -> memref<80x128xf32, #tpu.memory_space<vmem>>
        %dma_wait3A_43 = arith.constant 0 : i32
        %dma_wait3A_44 = tpu.memref_slice %arg6[%arg0, %add3A, %dma_wait3A_43] : memref<2x160000x128xf32, #tpu.memory_space<hbm>> -> memref<1x80x128xf32, #tpu.memory_space<hbm>>
        %dma_wait3A_45 = tpu.memref_squeeze %dma_wait3A_44 : memref<1x80x128xf32, #tpu.memory_space<hbm>> -> memref<80x128xf32, #tpu.memory_space<hbm>>
        %dma_wait3A_46 = arith.constant 0 : i32
        %dma_wait3A_47 = tpu.memref_slice %arg6[%arg0, %add3A, %dma_wait3A_46] : memref<2x160000x128xf32, #tpu.memory_space<hbm>> -> memref<1x80x128xf32, #tpu.memory_space<hbm>>
        %dma_wait3A_48 = tpu.memref_squeeze %dma_wait3A_47 : memref<1x80x128xf32, #tpu.memory_space<hbm>> -> memref<80x128xf32, #tpu.memory_space<hbm>>
        %dma_wait3A_49 = arith.constant 0 : i32
        %dma_wait3A_50 = arith.constant 0 : i32
        %dma_wait3A_51 = tpu.memref_slice %arg10[%dma_wait3A_49, %dma_wait3A_50] : memref<80x128xf32, #tpu.memory_space<vmem>> -> memref<80x128xf32, #tpu.memory_space<vmem>>
        tpu.wait_dma2 semaphore(%run_scoped3A : memref<!tpu.dma_semaphore, #tpu.memory_space<semaphore_mem>>) src(%dma_wait3A_51 : memref<80x128xf32, #tpu.memory_space<vmem>>) dst(%dma_wait3A_48 : memref<80x128xf32, #tpu.memory_space<hbm>>)
        tpu.yield
      }) : () -> ()
      "tpu.region"() ({
        %run_scoped3A = tpu.sem_alloc : memref<!tpu.dma_semaphore, #tpu.memory_space<semaphore_mem>>
        %dma_start3A_28 = arith.constant 0 : i32
        %dma_start3A_29 = arith.constant 0 : i32
        %dma_start3A_30 = tpu.memref_slice %arg11[%dma_start3A_28, %dma_start3A_29] : memref<80x128xf32, #tpu.memory_space<vmem>> -> memref<80x128xf32, #tpu.memory_space<vmem>>
        %dma_start3A_31 = arith.constant 0 : i32
        %dma_start3A_32 = tpu.memref_slice %arg7[%arg0, %add3A, %dma_start3A_31] : memref<2x160000x128xf32, #tpu.memory_space<hbm>> -> memref<1x80x128xf32, #tpu.memory_space<hbm>>
        %dma_start3A_33 = tpu.memref_squeeze %dma_start3A_32 : memref<1x80x128xf32, #tpu.memory_space<hbm>> -> memref<80x128xf32, #tpu.memory_space<hbm>>
        %dma_start3A_34 = arith.constant 0 : i32
        %dma_start3A_35 = tpu.memref_slice %arg7[%arg0, %add3A, %dma_start3A_34] : memref<2x160000x128xf32, #tpu.memory_space<hbm>> -> memref<1x80x128xf32, #tpu.memory_space<hbm>>
        %dma_start3A_36 = tpu.memref_squeeze %dma_start3A_35 : memref<1x80x128xf32, #tpu.memory_space<hbm>> -> memref<80x128xf32, #tpu.memory_space<hbm>>
        %dma_start3A_37 = arith.constant 0 : i32
        %dma_start3A_38 = arith.constant 0 : i32
        %dma_start3A_39 = tpu.memref_slice %arg11[%dma_start3A_37, %dma_start3A_38] : memref<80x128xf32, #tpu.memory_space<vmem>> -> memref<80x128xf32, #tpu.memory_space<vmem>>
        tpu.enqueue_dma source(%dma_start3A_39 : memref<80x128xf32, #tpu.memory_space<vmem>>) target(%dma_start3A_36 : memref<80x128xf32, #tpu.memory_space<hbm>>) target_semaphore(%run_scoped3A : memref<!tpu.dma_semaphore, #tpu.memory_space<semaphore_mem>>)
        %dma_wait3A_40 = arith.constant 0 : i32
        %dma_wait3A_41 = arith.constant 0 : i32
        %dma_wait3A_42 = tpu.memref_slice %arg11[%dma_wait3A_40, %dma_wait3A_41] : memref<80x128xf32, #tpu.memory_space<vmem>> -> memref<80x128xf32, #tpu.memory_space<vmem>>
        %dma_wait3A_43 = arith.constant 0 : i32
        %dma_wait3A_44 = tpu.memref_slice %arg7[%arg0, %add3A, %dma_wait3A_43] : memref<2x160000x128xf32, #tpu.memory_space<hbm>> -> memref<1x80x128xf32, #tpu.memory_space<hbm>>
        %dma_wait3A_45 = tpu.memref_squeeze %dma_wait3A_44 : memref<1x80x128xf32, #tpu.memory_space<hbm>> -> memref<80x128xf32, #tpu.memory_space<hbm>>
        %dma_wait3A_46 = arith.constant 0 : i32
        %dma_wait3A_47 = tpu.memref_slice %arg7[%arg0, %add3A, %dma_wait3A_46] : memref<2x160000x128xf32, #tpu.memory_space<hbm>> -> memref<1x80x128xf32, #tpu.memory_space<hbm>>
        %dma_wait3A_48 = tpu.memref_squeeze %dma_wait3A_47 : memref<1x80x128xf32, #tpu.memory_space<hbm>> -> memref<80x128xf32, #tpu.memory_space<hbm>>
        %dma_wait3A_49 = arith.constant 0 : i32
        %dma_wait3A_50 = arith.constant 0 : i32
        %dma_wait3A_51 = tpu.memref_slice %arg11[%dma_wait3A_49, %dma_wait3A_50] : memref<80x128xf32, #tpu.memory_space<vmem>> -> memref<80x128xf32, #tpu.memory_space<vmem>>
        tpu.wait_dma2 semaphore(%run_scoped3A : memref<!tpu.dma_semaphore, #tpu.memory_space<semaphore_mem>>) src(%dma_wait3A_51 : memref<80x128xf32, #tpu.memory_space<vmem>>) dst(%dma_wait3A_48 : memref<80x128xf32, #tpu.memory_space<hbm>>)
        tpu.yield
      }) : () -> ()
      %scan3A_27 = arith.constant 0 : i32
      scf.yield %scan3A_27 : i32
    }
    %scan3A_5 = arith.constant 125 : i32
    return
  }
}

module attributes {stable_mosaic.version = 14 : i64} {
  func.func @_a1_body(%arg0: i32, %arg1: i32, %arg2: memref<400x128xf32, #tpu.memory_space<vmem>>, %arg3: memref<128x128xf32, #tpu.memory_space<vmem>>, %arg4: memref<1x1x128xf32, #tpu.memory_space<vmem>>, %arg5: memref<128x128xf32, #tpu.memory_space<vmem>>, %arg6: memref<1x1x128xf32, #tpu.memory_space<vmem>>, %arg7: memref<400x128xf32, #tpu.memory_space<vmem>>, %arg8: memref<400x128xf32, #tpu.memory_space<vmem>>) attributes {dimension_semantics = [#tpu.dimension_semantics<arbitrary>, #tpu.dimension_semantics<arbitrary>], iteration_bounds = array<i64: 2, 25>, scalar_prefetch = 0 : i64, scratch_operands = 0 : i64, tpu.core_type = #tpu.core_type<tc>, window_params = [{transform_indices = @transform_0, window_bounds = array<i64: 400, 128>}, {transform_indices = @transform_1, window_bounds = array<i64: 128, 128>}, {transform_indices = @transform_2, window_bounds = array<i64: 1, 1, 128>}, {transform_indices = @transform_3, window_bounds = array<i64: 128, 128>}, {transform_indices = @transform_4, window_bounds = array<i64: 1, 1, 128>}, {transform_indices = @transform_5, window_bounds = array<i64: 400, 128>}, {transform_indices = @transform_6, window_bounds = array<i64: 400, 128>}]} {
    %get3A = arith.constant 0 : index
    %get3A_0 = arith.constant 0 : index
    %get3A_1 = vector.load %arg2[%get3A, %get3A_0] : memref<400x128xf32, #tpu.memory_space<vmem>>, vector<400x128xf32>
    %get3A_2 = arith.constant 0 : index
    %get3A_3 = arith.constant 0 : index
    %get3A_4 = vector.load %arg3[%get3A_2, %get3A_3] : memref<128x128xf32, #tpu.memory_space<vmem>>, vector<128x128xf32>
    %dot_general3A = arith.constant dense<0.000000e+00> : vector<400x128xf32>
    %dot_general3A_5 = tpu.matmul %get3A_1, %get3A_4, %dot_general3A {dimension_numbers = #tpu.dot_dimension_numbers<[1], [0], [0], [1], [0, 0, 1, 1], [], []>, precision = #tpu.contract_precision<fp32>, transpose_lhs_hint = false} : vector<400x128xf32>, vector<128x128xf32>, vector<400x128xf32> -> vector<400x128xf32>
    %get3A_6 = arith.constant 0 : index
    %get3A_7 = arith.constant 0 : index
    %get3A_8 = arith.constant 0 : index
    %get3A_9 = vector.load %arg4[%get3A_6, %get3A_7, %get3A_8] : memref<1x1x128xf32, #tpu.memory_space<vmem>>, vector<1x1x128xf32>
    %get3A_10 = vector.shape_cast %get3A_9 : vector<1x1x128xf32> to vector<1x128xf32>
    %add3A = vector.broadcast %get3A_10 : vector<1x128xf32> to vector<400x128xf32>
    %add3A_11 = arith.addf %dot_general3A_5, %add3A : vector<400x128xf32>
    %swap3A = arith.constant 0 : index
    %swap3A_12 = arith.constant 0 : index
    %swap3A_13 = vector.load %arg7[%swap3A, %swap3A_12] : memref<400x128xf32, #tpu.memory_space<vmem>>, vector<400x128xf32>
    tpu.vector_store %arg7[%swap3A, %swap3A_12], %add3A_11 {strides = array<i32>} : memref<400x128xf32, #tpu.memory_space<vmem>>, vector<400x128xf32>,
    %get3A_14 = arith.constant 0 : index
    %get3A_15 = arith.constant 0 : index
    %get3A_16 = vector.load %arg5[%get3A_14, %get3A_15] : memref<128x128xf32, #tpu.memory_space<vmem>>, vector<128x128xf32>
    %dot_general3A_17 = arith.constant dense<0.000000e+00> : vector<400x128xf32>
    %dot_general3A_18 = tpu.matmul %get3A_1, %get3A_16, %dot_general3A_17 {dimension_numbers = #tpu.dot_dimension_numbers<[1], [0], [0], [1], [0, 0, 1, 1], [], []>, precision = #tpu.contract_precision<fp32>, transpose_lhs_hint = false} : vector<400x128xf32>, vector<128x128xf32>, vector<400x128xf32> -> vector<400x128xf32>
    %get3A_19 = arith.constant 0 : index
    %get3A_20 = arith.constant 0 : index
    %get3A_21 = arith.constant 0 : index
    %get3A_22 = vector.load %arg6[%get3A_19, %get3A_20, %get3A_21] : memref<1x1x128xf32, #tpu.memory_space<vmem>>, vector<1x1x128xf32>
    %get3A_23 = vector.shape_cast %get3A_22 : vector<1x1x128xf32> to vector<1x128xf32>
    %add3A_24 = vector.broadcast %get3A_23 : vector<1x128xf32> to vector<400x128xf32>
    %add3A_25 = arith.addf %dot_general3A_18, %add3A_24 : vector<400x128xf32>
    %swap3A_26 = arith.constant 0 : index
    %swap3A_27 = arith.constant 0 : index
    %swap3A_28 = vector.load %arg8[%swap3A_26, %swap3A_27] : memref<400x128xf32, #tpu.memory_space<vmem>>, vector<400x128xf32>
    tpu.vector_store %arg8[%swap3A_26, %swap3A_27], %add3A_25 {strides = array<i32>} : memref<400x128xf32, #tpu.memory_space<vmem>>, vector<400x128xf32>,
    return
  }
  func.func @transform_0(%arg0: i32, %arg1: i32) -> (i32, i32) {
    %c0_i32 = arith.constant 0 : i32
    %c0_i32_0 = arith.constant 0 : i32
    return %arg1, %c0_i32 : i32, i32
  }
  func.func @transform_1(%arg0: i32, %arg1: i32) -> (i32, i32) {
    %c0_i32 = arith.constant 0 : i32
    %c0_i32_0 = arith.constant 0 : i32
    return %c0_i32, %arg0 : i32, i32
  }
  func.func @transform_2(%arg0: i32, %arg1: i32) -> (i32, i32, i32) {
    %c0_i32 = arith.constant 0 : i32
    %c0_i32_0 = arith.constant 0 : i32
    %c0_i32_1 = arith.constant 0 : i32
    return %arg0, %c0_i32, %c0_i32_0 : i32, i32, i32
  }
  func.func @transform_3(%arg0: i32, %arg1: i32) -> (i32, i32) {
    %c0_i32 = arith.constant 0 : i32
    %c0_i32_0 = arith.constant 0 : i32
    return %c0_i32, %arg0 : i32, i32
  }
  func.func @transform_4(%arg0: i32, %arg1: i32) -> (i32, i32, i32) {
    %c0_i32 = arith.constant 0 : i32
    %c0_i32_0 = arith.constant 0 : i32
    %c0_i32_1 = arith.constant 0 : i32
    return %arg0, %c0_i32, %c0_i32_0 : i32, i32, i32
  }
  func.func @transform_5(%arg0: i32, %arg1: i32) -> (i32, i32) {
    %mul3A = arith.constant 25 : i32
    %mul3A_0 = arith.muli %arg0, %mul3A : i32
    %add3A = arith.addi %mul3A_0, %arg1 : i32
    %c0_i32 = arith.constant 0 : i32
    %c0_i32_1 = arith.constant 0 : i32
    return %add3A, %c0_i32 : i32, i32
  }
  func.func @transform_6(%arg0: i32, %arg1: i32) -> (i32, i32) {
    %mul3A = arith.constant 25 : i32
    %mul3A_0 = arith.muli %arg0, %mul3A : i32
    %add3A = arith.addi %mul3A_0, %arg1 : i32
    %c0_i32 = arith.constant 0 : i32
    %c0_i32_1 = arith.constant 0 : i32
    return %add3A, %c0_i32 : i32, i32
  }
}

module attributes {stable_mosaic.version = 14 : i64} {
  func.func @_a2_body(%arg0: i32, %arg1: i32, %arg2: memref<2000x32xf32, #tpu.memory_space<vmem>>, %arg3: memref<32x128xf32, #tpu.memory_space<vmem>>, %arg4: memref<1x2000x128xf32, #tpu.memory_space<vmem>>) attributes {dimension_semantics = [#tpu.dimension_semantics<arbitrary>, #tpu.dimension_semantics<arbitrary>], iteration_bounds = array<i64: 2, 80>, scalar_prefetch = 0 : i64, scratch_operands = 0 : i64, tpu.core_type = #tpu.core_type<tc>, window_params = [{transform_indices = @transform_0, window_bounds = array<i64: 2000, 32>}, {transform_indices = @transform_1, window_bounds = array<i64: 32, 128>}, {transform_indices = @transform_2, window_bounds = array<i64: 1, 2000, 128>}]} {
    %get3A = arith.constant 0 : index
    %get3A_0 = arith.constant 0 : index
    %get3A_1 = vector.load %arg2[%get3A, %get3A_0] : memref<2000x32xf32, #tpu.memory_space<vmem>>, vector<2000x32xf32>
    %get3A_2 = arith.constant 0 : index
    %get3A_3 = arith.constant 0 : index
    %get3A_4 = vector.load %arg3[%get3A_2, %get3A_3] : memref<32x128xf32, #tpu.memory_space<vmem>>, vector<32x128xf32>
    %dot_general3A = arith.constant dense<0.000000e+00> : vector<2000x128xf32>
    %dot_general3A_5 = tpu.matmul %get3A_1, %get3A_4, %dot_general3A {dimension_numbers = #tpu.dot_dimension_numbers<[1], [0], [0], [1], [0, 0, 1, 1], [], []>, precision = #tpu.contract_precision<fp32>, transpose_lhs_hint = false} : vector<2000x32xf32>, vector<32x128xf32>, vector<2000x128xf32> -> vector<2000x128xf32>
    %broadcast_in_dim3A = vector.shape_cast %dot_general3A_5 : vector<2000x128xf32> to vector<1x2000x128xf32>
    %swap3A = arith.constant 0 : index
    %swap3A_6 = arith.constant 0 : index
    %swap3A_7 = arith.constant 0 : index
    %swap3A_8 = vector.load %arg4[%swap3A, %swap3A_6, %swap3A_7] : memref<1x2000x128xf32, #tpu.memory_space<vmem>>, vector<1x2000x128xf32>
    tpu.vector_store %arg4[%swap3A, %swap3A_6, %swap3A_7], %broadcast_in_dim3A {strides = array<i32>} : memref<1x2000x128xf32, #tpu.memory_space<vmem>>, vector<1x2000x128xf32>,
    return
  }
  func.func @transform_0(%arg0: i32, %arg1: i32) -> (i32, i32) {
    %c0_i32 = arith.constant 0 : i32
    %c0_i32_0 = arith.constant 0 : i32
    return %arg1, %c0_i32 : i32, i32
  }
  func.func @transform_1(%arg0: i32, %arg1: i32) -> (i32, i32) {
    %c0_i32 = arith.constant 0 : i32
    %c0_i32_0 = arith.constant 0 : i32
    return %c0_i32, %arg0 : i32, i32
  }
  func.func @transform_2(%arg0: i32, %arg1: i32) -> (i32, i32, i32) {
    %c0_i32 = arith.constant 0 : i32
    %c0_i32_0 = arith.constant 0 : i32
    return %arg0, %arg1, %c0_i32 : i32, i32, i32
  }
}

module attributes {stable_mosaic.version = 14 : i64} {
  func.func @_scale_body(%arg0: i32, %arg1: i32, %arg2: memref<1x2000x128xf32, #tpu.memory_space<vmem>>, %arg3: memref<1x2000x128xf32, #tpu.memory_space<vmem>>, %arg4: memref<1x2000x128xf32, #tpu.memory_space<vmem>>, %arg5: memref<2x128xf32, #tpu.memory_space<vmem>>, %arg6: memref<1x1x2000xi32, #tpu.memory_space<vmem>>, %arg7: memref<1x2000x128xf32, #tpu.memory_space<vmem>>, %arg8: memref<1x2000x128xf32, #tpu.memory_space<vmem>>) attributes {dimension_semantics = [#tpu.dimension_semantics<arbitrary>, #tpu.dimension_semantics<arbitrary>], iteration_bounds = array<i64: 2, 80>, scalar_prefetch = 0 : i64, scratch_operands = 0 : i64, tpu.core_type = #tpu.core_type<tc>, window_params = [{transform_indices = @transform_0, window_bounds = array<i64: 1, 2000, 128>}, {transform_indices = @transform_1, window_bounds = array<i64: 1, 2000, 128>}, {transform_indices = @transform_2, window_bounds = array<i64: 1, 2000, 128>}, {pipeline_mode = #tpu.pipeline_mode<synchronous>, transform_indices = @transform_3, window_bounds = array<i64: 2, 128>}, {transform_indices = @transform_4, window_bounds = array<i64: 1, 1, 2000>}, {transform_indices = @transform_5, window_bounds = array<i64: 1, 2000, 128>}, {transform_indices = @transform_6, window_bounds = array<i64: 1, 2000, 128>}]} {
    %get3A = arith.constant 0 : index
    %get3A_0 = arith.constant 0 : index
    %get3A_1 = arith.constant 0 : index
    %get3A_2 = vector.load %arg2[%get3A, %get3A_0, %get3A_1] : memref<1x2000x128xf32, #tpu.memory_space<vmem>>, vector<1x2000x128xf32>
    %get3A_3 = vector.shape_cast %get3A_2 : vector<1x2000x128xf32> to vector<2000x128xf32>
    %get3A_4 = arith.constant 0 : index
    %get3A_5 = arith.constant 0 : index
    %get3A_6 = arith.constant 0 : index
    %get3A_7 = vector.load %arg3[%get3A_4, %get3A_5, %get3A_6] : memref<1x2000x128xf32, #tpu.memory_space<vmem>>, vector<1x2000x128xf32>
    %get3A_8 = vector.shape_cast %get3A_7 : vector<1x2000x128xf32> to vector<2000x128xf32>
    %add3A = arith.addf %get3A_3, %get3A_8 : vector<2000x128xf32>
    %get3A_9 = arith.constant 0 : index
    %get3A_10 = arith.constant 0 : index
    %get3A_11 = arith.constant 0 : index
    %get3A_12 = vector.load %arg4[%get3A_9, %get3A_10, %get3A_11] : memref<1x2000x128xf32, #tpu.memory_space<vmem>>, vector<1x2000x128xf32>
    %get3A_13 = vector.shape_cast %get3A_12 : vector<1x2000x128xf32> to vector<2000x128xf32>
    %add3A_14 = arith.addf %add3A, %get3A_13 : vector<2000x128xf32>
    %ge3A = arith.constant 0.000000e+00 : f32
    %ge3A_15 = vector.broadcast %ge3A : f32 to vector<2000x128xf32>
    %ge3A_16 = arith.cmpf oge, %add3A_14, %ge3A_15 : vector<2000x128xf32>
    %mul3A = arith.constant 2.000000e-01 : f32
    %mul3A_17 = vector.broadcast %mul3A : f32 to vector<2000x128xf32>
    %mul3A_18 = arith.mulf %mul3A_17, %add3A_14 : vector<2000x128xf32>
    %select_n3A = arith.select %ge3A_16, %add3A_14, %mul3A_18 : vector<2000x128xi1>, vector<2000x128xf32>
    %get3A_19 = arith.index_cast %arg0 : i32 to index
    %get3A_20 = arith.constant 0 : index
    %get3A_21 = vector.load %arg5[%get3A_19, %get3A_20] : memref<2x128xf32, #tpu.memory_space<vmem>>, vector<1x128xf32>
    %mul3A_22 = vector.broadcast %get3A_21 : vector<1x128xf32> to vector<2000x128xf32>
    %mul3A_23 = arith.mulf %select_n3A, %mul3A_22 : vector<2000x128xf32>
    %reduce_sum3A = arith.constant dense<0.000000e+00> : vector<2000xf32>
    %reduce_sum3A_24 = vector.multi_reduction <add>, %mul3A_23, %reduce_sum3A [1] : vector<2000x128xf32> to vector<2000xf32>
    %exp3A = math.exp %reduce_sum3A_24 : vector<2000xf32>
    %broadcast_in_dim3A = vector.shape_cast %exp3A : vector<2000xf32> to vector<2000x1xf32>
    %get3A_25 = arith.constant 0 : index
    %get3A_26 = arith.constant 0 : index
    %get3A_27 = arith.constant 0 : index
    %get3A_28 = vector.load %arg2[%get3A_25, %get3A_26, %get3A_27] : memref<1x2000x128xf32, #tpu.memory_space<vmem>>, vector<1x2000x128xf32>
    %get3A_29 = vector.shape_cast %get3A_28 : vector<1x2000x128xf32> to vector<2000x128xf32>
    %mul3A_30 = vector.broadcast %broadcast_in_dim3A : vector<2000x1xf32> to vector<2000x128xf32>
    %mul3A_31 = arith.mulf %mul3A_30, %get3A_29 : vector<2000x128xf32>
    %broadcast_in_dim3A_32 = vector.shape_cast %mul3A_31 : vector<2000x128xf32> to vector<1x2000x128xf32>
    %swap3A = arith.constant 0 : index
    %swap3A_33 = arith.constant 0 : index
    %swap3A_34 = arith.constant 0 : index
    %swap3A_35 = vector.load %arg7[%swap3A, %swap3A_33, %swap3A_34] : memref<1x2000x128xf32, #tpu.memory_space<vmem>>, vector<1x2000x128xf32>
    tpu.vector_store %arg7[%swap3A, %swap3A_33, %swap3A_34], %broadcast_in_dim3A_32 {strides = array<i32>} : memref<1x2000x128xf32, #tpu.memory_space<vmem>>, vector<1x2000x128xf32>,
    %get3A_36 = arith.constant 0 : index
    %get3A_37 = arith.constant 0 : index
    %get3A_38 = arith.constant 0 : index
    %get3A_39 = vector.load %arg6[%get3A_36, %get3A_37, %get3A_38] : memref<1x1x2000xi32, #tpu.memory_space<vmem>>, vector<1x1x2000xi32>
    %get3A_40 = vector.shape_cast %get3A_39 : vector<1x1x2000xi32> to vector<1x2000xi32>
    %reshape3A = vector.shape_cast %get3A_40 : vector<1x2000xi32> to vector<2000x1xi32>
    %rem3A = arith.constant 8 : i32
    %rem3A_41 = vector.broadcast %rem3A : i32 to vector<2000x1xi32>
    %rem3A_42 = arith.remsi %reshape3A, %rem3A_41 : vector<2000x1xi32>
    %iota3A = tpu.iota {dimensions = array<i32: 1>} : vector<2000x128xi32>
    %jit3A = arith.constant 16 : i32
    %div3A = vector.broadcast %jit3A : i32 to vector<2000x128xi32>
    %div3A_43 = arith.divsi %iota3A, %div3A : vector<2000x128xi32>
    %sign3A = arith.constant 0 : i32
    %sign3A_44 = vector.broadcast %sign3A : i32 to vector<2000x128xi32>
    %sign3A_45 = arith.cmpi sgt, %iota3A, %sign3A_44 : vector<2000x128xi32>
    %sign3A_46 = arith.extui %sign3A_45 : vector<2000x128xi1> to vector<2000x128xi32>
    %sign3A_47 = arith.constant 0 : i32
    %sign3A_48 = vector.broadcast %sign3A_47 : i32 to vector<2000x128xi32>
    %sign3A_49 = arith.cmpi slt, %iota3A, %sign3A_48 : vector<2000x128xi32>
    %sign3A_50 = arith.extui %sign3A_49 : vector<2000x128xi1> to vector<2000x128xi32>
    %sign3A_51 = arith.subi %sign3A_46, %sign3A_50 : vector<2000x128xi32>
    %sign3A_52 = arith.constant 0 : i32
    %sign3A_53 = arith.cmpi sgt, %jit3A, %sign3A_52 : i32
    %sign3A_54 = arith.extui %sign3A_53 : i1 to i32
    %sign3A_55 = arith.constant 0 : i32
    %sign3A_56 = arith.cmpi slt, %jit3A, %sign3A_55 : i32
    %sign3A_57 = arith.extui %sign3A_56 : i1 to i32
    %sign3A_58 = arith.subi %sign3A_54, %sign3A_57 : i32
    %ne3A = vector.broadcast %sign3A_58 : i32 to vector<2000x128xi32>
    %ne3A_59 = arith.cmpi ne, %sign3A_51, %ne3A : vector<2000x128xi32>
    %rem3A_60 = vector.broadcast %jit3A : i32 to vector<2000x128xi32>
    %rem3A_61 = arith.remsi %iota3A, %rem3A_60 : vector<2000x128xi32>
    %ne3A_62 = arith.constant 0 : i32
    %ne3A_63 = vector.broadcast %ne3A_62 : i32 to vector<2000x128xi32>
    %ne3A_64 = arith.cmpi ne, %rem3A_61, %ne3A_63 : vector<2000x128xi32>
    %and3A = arith.andi %ne3A_59, %ne3A_64 : vector<2000x128xi1>
    %sub3A = arith.constant 1 : i32
    %sub3A_65 = vector.broadcast %sub3A : i32 to vector<2000x128xi32>
    %sub3A_66 = arith.subi %div3A_43, %sub3A_65 : vector<2000x128xi32>
    %select_n3A_67 = arith.select %and3A, %sub3A_66, %div3A_43 : vector<2000x128xi1>, vector<2000x128xi32>
    %eq3A = vector.broadcast %rem3A_42 : vector<2000x1xi32> to vector<2000x128xi32>
    %eq3A_68 = arith.cmpi eq, %select_n3A_67, %eq3A : vector<2000x128xi32>
    %convert_element_type3A = arith.extui %eq3A_68 : vector<2000x128xi1> to vector<2000x128xi32>
    %convert_element_type3A_69 = arith.sitofp %convert_element_type3A : vector<2000x128xi32> to vector<2000x128xf32>
    %broadcast_in_dim3A_70 = vector.shape_cast %exp3A : vector<2000xf32> to vector<2000x1xf32>
    %mul3A_71 = vector.broadcast %broadcast_in_dim3A_70 : vector<2000x1xf32> to vector<2000x128xf32>
    %mul3A_72 = arith.mulf %convert_element_type3A_69, %mul3A_71 : vector<2000x128xf32>
    %broadcast_in_dim3A_73 = vector.shape_cast %mul3A_72 : vector<2000x128xf32> to vector<1x2000x128xf32>
    %swap3A_74 = arith.constant 0 : index
    %swap3A_75 = arith.constant 0 : index
    %swap3A_76 = arith.constant 0 : index
    %swap3A_77 = vector.load %arg8[%swap3A_74, %swap3A_75, %swap3A_76] : memref<1x2000x128xf32, #tpu.memory_space<vmem>>, vector<1x2000x128xf32>
    tpu.vector_store %arg8[%swap3A_74, %swap3A_75, %swap3A_76], %broadcast_in_dim3A_73 {strides = array<i32>} : memref<1x2000x128xf32, #tpu.memory_space<vmem>>, vector<1x2000x128xf32>,
    return
  }
  func.func @transform_0(%arg0: i32, %arg1: i32) -> (i32, i32, i32) {
    %c0_i32 = arith.constant 0 : i32
    %c0_i32_0 = arith.constant 0 : i32
    return %arg0, %arg1, %c0_i32 : i32, i32, i32
  }
  func.func @transform_1(%arg0: i32, %arg1: i32) -> (i32, i32, i32) {
    %c0_i32 = arith.constant 0 : i32
    %c0_i32_0 = arith.constant 0 : i32
    return %arg0, %arg1, %c0_i32 : i32, i32, i32
  }
  func.func @transform_2(%arg0: i32, %arg1: i32) -> (i32, i32, i32) {
    %c0_i32 = arith.constant 0 : i32
    %c0_i32_0 = arith.constant 0 : i32
    return %arg0, %arg1, %c0_i32 : i32, i32, i32
  }
  func.func @transform_3(%arg0: i32, %arg1: i32) -> (i32, i32) {
    %c0_i32 = arith.constant 0 : i32
    %c0_i32_0 = arith.constant 0 : i32
    %c0_i32_1 = arith.constant 0 : i32
    return %c0_i32, %c0_i32_0 : i32, i32
  }
  func.func @transform_4(%arg0: i32, %arg1: i32) -> (i32, i32, i32) {
    %c0_i32 = arith.constant 0 : i32
    %c0_i32_0 = arith.constant 0 : i32
    %c0_i32_1 = arith.constant 0 : i32
    return %arg1, %c0_i32, %c0_i32_0 : i32, i32, i32
  }
  func.func @transform_5(%arg0: i32, %arg1: i32) -> (i32, i32, i32) {
    %c0_i32 = arith.constant 0 : i32
    %c0_i32_0 = arith.constant 0 : i32
    return %arg0, %arg1, %c0_i32 : i32, i32, i32
  }
  func.func @transform_6(%arg0: i32, %arg1: i32) -> (i32, i32, i32) {
    %c0_i32 = arith.constant 0 : i32
    %c0_i32_0 = arith.constant 0 : i32
    return %arg0, %arg1, %c0_i32 : i32, i32, i32
  }
}

module attributes {stable_mosaic.version = 14 : i64} {
  func.func @_epilogue_body(%arg0: i32, %arg1: memref<2x400x128xf32, #tpu.memory_space<vmem>>, %arg2: memref<2x400x128xf32, #tpu.memory_space<vmem>>, %arg3: memref<2x400x128xf32, #tpu.memory_space<vmem>>, %arg4: memref<2x400x128xf32, #tpu.memory_space<vmem>>, %arg5: memref<2x1x1x400xf32, #tpu.memory_space<vmem>>, %arg6: memref<32x256xf32, #tpu.memory_space<vmem>>, %arg7: memref<2x128xf32, #tpu.memory_space<vmem>>, %arg8: memref<2x128xf32, #tpu.memory_space<vmem>>, %arg9: memref<1x1x400xi32, #tpu.memory_space<vmem>>, %arg10: memref<256x128xf32, #tpu.memory_space<vmem>>, %arg11: memref<1x128xf32, #tpu.memory_space<vmem>>, %arg12: memref<64x128xf32, #tpu.memory_space<vmem>>, %arg13: memref<64x256xf32, #tpu.memory_space<vmem>>, %arg14: memref<64x128xf32, #tpu.memory_space<vmem>>) attributes {dimension_semantics = [#tpu.dimension_semantics<arbitrary>], iteration_bounds = array<i64: 25>, scalar_prefetch = 0 : i64, scratch_operands = 2 : i64, tpu.core_type = #tpu.core_type<tc>, window_params = [{transform_indices = @transform_0, window_bounds = array<i64: 2, 400, 128>}, {transform_indices = @transform_1, window_bounds = array<i64: 2, 400, 128>}, {transform_indices = @transform_2, window_bounds = array<i64: 2, 400, 128>}, {transform_indices = @transform_3, window_bounds = array<i64: 2, 400, 128>}, {transform_indices = @transform_4, window_bounds = array<i64: 2, 1, 1, 400>}, {pipeline_mode = #tpu.pipeline_mode<synchronous>, transform_indices = @transform_5, window_bounds = array<i64: 32, 256>}, {pipeline_mode = #tpu.pipeline_mode<synchronous>, transform_indices = @transform_6, window_bounds = array<i64: 2, 128>}, {pipeline_mode = #tpu.pipeline_mode<synchronous>, transform_indices = @transform_7, window_bounds = array<i64: 2, 128>}, {transform_indices = @transform_8, window_bounds = array<i64: 1, 1, 400>}, {pipeline_mode = #tpu.pipeline_mode<synchronous>, transform_indices = @transform_9, window_bounds = array<i64: 256, 128>}, {pipeline_mode = #tpu.pipeline_mode<synchronous>, transform_indices = @transform_10, window_bounds = array<i64: 1, 128>}, {pipeline_mode = #tpu.pipeline_mode<synchronous>, transform_indices = @transform_11, window_bounds = array<i64: 64, 128>}]} {
    %eq3A = arith.constant 0 : i32
    %eq3A_0 = arith.cmpi eq, %arg0, %eq3A : i32
    %convert_element_type3A = arith.extui %eq3A_0 : i1 to i32
    %cond3A = arith.constant 0 : i32
    %cond3A_1 = arith.cmpi ne, %convert_element_type3A, %cond3A : i32
    scf.if %cond3A_1 {
      %broadcast_in_dim3A_190 = arith.constant 0.000000e+00 : f32
      %broadcast_in_dim3A_191 = vector.broadcast %broadcast_in_dim3A_190 : f32 to vector<64x256xf32>
      %swap3A_192 = arith.constant 0 : index
      %swap3A_193 = arith.constant 0 : index
      %swap3A_194 = vector.load %arg13[%swap3A_192, %swap3A_193] : memref<64x256xf32, #tpu.memory_space<vmem>>, vector<64x256xf32>
      tpu.vector_store %arg13[%swap3A_192, %swap3A_193], %broadcast_in_dim3A_191 {strides = array<i32>} : memref<64x256xf32, #tpu.memory_space<vmem>>, vector<64x256xf32>,
      %broadcast_in_dim3A_195 = arith.constant 0.000000e+00 : f32
      %broadcast_in_dim3A_196 = vector.broadcast %broadcast_in_dim3A_195 : f32 to vector<64x128xf32>
      %swap3A_197 = arith.constant 0 : index
      %swap3A_198 = arith.constant 0 : index
      %swap3A_199 = vector.load %arg14[%swap3A_197, %swap3A_198] : memref<64x128xf32, #tpu.memory_space<vmem>>, vector<64x128xf32>
      tpu.vector_store %arg14[%swap3A_197, %swap3A_198], %broadcast_in_dim3A_196 {strides = array<i32>} : memref<64x128xf32, #tpu.memory_space<vmem>>, vector<64x128xf32>,
    } else {
    }
    %get3A = arith.constant 0 : index
    %get3A_2 = arith.constant 0 : index
    %get3A_3 = arith.constant 0 : index
    %get3A_4 = vector.load %arg3[%get3A, %get3A_2, %get3A_3] : memref<2x400x128xf32, #tpu.memory_space<vmem>>, vector<1x400x32xf32>
    %get3A_5 = vector.shape_cast %get3A_4 : vector<1x400x32xf32> to vector<400x32xf32>
    %get3A_6 = arith.constant 1 : index
    %get3A_7 = arith.constant 0 : index
    %get3A_8 = arith.constant 0 : index
    %get3A_9 = vector.load %arg3[%get3A_6, %get3A_7, %get3A_8] : memref<2x400x128xf32, #tpu.memory_space<vmem>>, vector<1x400x32xf32>
    %get3A_10 = vector.shape_cast %get3A_9 : vector<1x400x32xf32> to vector<400x32xf32>
    %add3A = arith.addf %get3A_5, %get3A_10 : vector<400x32xf32>
    %get3A_11 = arith.constant 0 : index
    %get3A_12 = arith.constant 0 : index
    %get3A_13 = arith.constant 32 : index
    %get3A_14 = vector.load %arg3[%get3A_11, %get3A_12, %get3A_13] : memref<2x400x128xf32, #tpu.memory_space<vmem>>, vector<1x400x1xf32>
    %get3A_15 = vector.shape_cast %get3A_14 : vector<1x400x1xf32> to vector<400xf32>
    %get3A_16 = arith.constant 1 : index
    %get3A_17 = arith.constant 0 : index
    %get3A_18 = arith.constant 32 : index
    %get3A_19 = vector.load %arg3[%get3A_16, %get3A_17, %get3A_18] : memref<2x400x128xf32, #tpu.memory_space<vmem>>, vector<1x400x1xf32>
    %get3A_20 = vector.shape_cast %get3A_19 : vector<1x400x1xf32> to vector<400xf32>
    %add3A_21 = arith.addf %get3A_15, %get3A_20 : vector<400xf32>
    %jit3A = arith.constant 1.000000e+00 : f32
    %max3A = vector.broadcast %jit3A : f32 to vector<400xf32>
    %max3A_22 = arith.maximumf %max3A, %add3A_21 : vector<400xf32>
    %broadcast_in_dim3A = vector.shape_cast %max3A_22 : vector<400xf32> to vector<400x1xf32>
    %div3A = vector.broadcast %broadcast_in_dim3A : vector<400x1xf32> to vector<400x32xf32>
    %div3A_23 = arith.divf %add3A, %div3A : vector<400x32xf32>
    %get3A_24 = arith.constant 0 : index
    %get3A_25 = arith.constant 0 : index
    %get3A_26 = vector.load %arg6[%get3A_24, %get3A_25] : memref<32x256xf32, #tpu.memory_space<vmem>>, vector<32x256xf32>
    %dot_general3A = arith.constant dense<0.000000e+00> : vector<400x256xf32>
    %dot_general3A_27 = tpu.matmul %div3A_23, %get3A_26, %dot_general3A {dimension_numbers = #tpu.dot_dimension_numbers<[1], [0], [0], [1], [0, 0, 1, 1], [], []>, precision = #tpu.contract_precision<fp32>, transpose_lhs_hint = false} : vector<400x32xf32>, vector<32x256xf32>, vector<400x256xf32> -> vector<400x256xf32>
    %get3A_28 = arith.constant 0 : index
    %get3A_29 = arith.constant 0 : index
    %get3A_30 = arith.constant 0 : index
    %get3A_31 = vector.load %arg1[%get3A_28, %get3A_29, %get3A_30] : memref<2x400x128xf32, #tpu.memory_space<vmem>>, vector<1x400x128xf32>
    %get3A_32 = vector.shape_cast %get3A_31 : vector<1x400x128xf32> to vector<400x128xf32>
    %get3A_33 = arith.constant 0 : index
    %get3A_34 = arith.constant 0 : index
    %get3A_35 = arith.constant 0 : index
    %get3A_36 = vector.load %arg2[%get3A_33, %get3A_34, %get3A_35] : memref<2x400x128xf32, #tpu.memory_space<vmem>>, vector<1x400x128xf32>
    %get3A_37 = vector.shape_cast %get3A_36 : vector<1x400x128xf32> to vector<400x128xf32>
    %add3A_38 = arith.addf %get3A_32, %get3A_37 : vector<400x128xf32>
    %slice3A = vector.extract_strided_slice %dot_general3A_27 {offsets = [0, 0], sizes = [400, 128], strides = [1, 1]} : vector<400x256xf32> to vector<400x128xf32>
    %add3A_39 = arith.addf %add3A_38, %slice3A : vector<400x128xf32>
    %ge3A = arith.constant 0.000000e+00 : f32
    %ge3A_40 = vector.broadcast %ge3A : f32 to vector<400x128xf32>
    %ge3A_41 = arith.cmpf oge, %add3A_39, %ge3A_40 : vector<400x128xf32>
    %mul3A = arith.constant 2.000000e-01 : f32
    %mul3A_42 = vector.broadcast %mul3A : f32 to vector<400x128xf32>
    %mul3A_43 = arith.mulf %mul3A_42, %add3A_39 : vector<400x128xf32>
    %select_n3A = arith.select %ge3A_41, %add3A_39, %mul3A_43 : vector<400x128xi1>, vector<400x128xf32>
    %get3A_44 = arith.constant 0 : index
    %get3A_45 = arith.constant 0 : index
    %get3A_46 = vector.load %arg7[%get3A_44, %get3A_45] : memref<2x128xf32, #tpu.memory_space<vmem>>, vector<1x128xf32>
    %get3A_47 = vector.shape_cast %get3A_46 : vector<1x128xf32> to vector<128xf32>
    %broadcast_in_dim3A_48 = vector.shape_cast %get3A_47 : vector<128xf32> to vector<1x128xf32>
    %mul3A_49 = vector.broadcast %broadcast_in_dim3A_48 : vector<1x128xf32> to vector<400x128xf32>
    %mul3A_50 = arith.mulf %select_n3A, %mul3A_49 : vector<400x128xf32>
    %reduce_sum3A = arith.constant dense<0.000000e+00> : vector<400xf32>
    %reduce_sum3A_51 = vector.multi_reduction <add>, %mul3A_50, %reduce_sum3A [1] : vector<400x128xf32> to vector<400xf32>
    %exp3A = math.exp %reduce_sum3A_51 : vector<400xf32>
    %get3A_52 = arith.constant 0 : index
    %get3A_53 = arith.constant 0 : index
    %get3A_54 = arith.constant 0 : index
    %get3A_55 = arith.constant 0 : index
    %get3A_56 = vector.load %arg5[%get3A_52, %get3A_53, %get3A_54, %get3A_55] : memref<2x1x1x400xf32, #tpu.memory_space<vmem>>, vector<1x1x1x400xf32>
    %get3A_57 = vector.shape_cast %get3A_56 : vector<1x1x1x400xf32> to vector<400xf32>
    %add3A_58 = arith.addf %get3A_57, %exp3A : vector<400xf32>
    %get3A_59 = arith.constant 0 : index
    %get3A_60 = arith.constant 0 : index
    %get3A_61 = arith.constant 0 : index
    %get3A_62 = vector.load %arg4[%get3A_59, %get3A_60, %get3A_61] : memref<2x400x128xf32, #tpu.memory_space<vmem>>, vector<1x400x128xf32>
    %get3A_63 = vector.shape_cast %get3A_62 : vector<1x400x128xf32> to vector<400x128xf32>
    %broadcast_in_dim3A_64 = vector.shape_cast %exp3A : vector<400xf32> to vector<400x1xf32>
    %get3A_65 = arith.constant 0 : index
    %get3A_66 = arith.constant 0 : index
    %get3A_67 = arith.constant 0 : index
    %get3A_68 = vector.load %arg1[%get3A_65, %get3A_66, %get3A_67] : memref<2x400x128xf32, #tpu.memory_space<vmem>>, vector<1x400x128xf32>
    %get3A_69 = vector.shape_cast %get3A_68 : vector<1x400x128xf32> to vector<400x128xf32>
    %mul3A_70 = vector.broadcast %broadcast_in_dim3A_64 : vector<400x1xf32> to vector<400x128xf32>
    %mul3A_71 = arith.mulf %mul3A_70, %get3A_69 : vector<400x128xf32>
    %add3A_72 = arith.addf %get3A_63, %mul3A_71 : vector<400x128xf32>
    %add3A_73 = arith.constant 1.000000e-16 : f32
    %add3A_74 = vector.broadcast %add3A_73 : f32 to vector<400xf32>
    %add3A_75 = arith.addf %add3A_58, %add3A_74 : vector<400xf32>
    %broadcast_in_dim3A_76 = vector.shape_cast %add3A_75 : vector<400xf32> to vector<400x1xf32>
    %div3A_77 = vector.broadcast %broadcast_in_dim3A_76 : vector<400x1xf32> to vector<400x128xf32>
    %div3A_78 = arith.divf %add3A_72, %div3A_77 : vector<400x128xf32>
    %get3A_79 = arith.constant 0 : index
    %get3A_80 = arith.constant 0 : index
    %get3A_81 = vector.load %arg8[%get3A_79, %get3A_80] : memref<2x128xf32, #tpu.memory_space<vmem>>, vector<1x128xf32>
    %get3A_82 = vector.shape_cast %get3A_81 : vector<1x128xf32> to vector<128xf32>
    %broadcast_in_dim3A_83 = vector.shape_cast %get3A_82 : vector<128xf32> to vector<1x128xf32>
    %add3A_84 = vector.broadcast %broadcast_in_dim3A_83 : vector<1x128xf32> to vector<400x128xf32>
    %add3A_85 = arith.addf %div3A_78, %add3A_84 : vector<400x128xf32>
    %max3A_86 = arith.constant 0.000000e+00 : f32
    %max3A_87 = vector.broadcast %max3A_86 : f32 to vector<400x128xf32>
    %max3A_88 = arith.maximumf %add3A_85, %max3A_87 : vector<400x128xf32>
    %get3A_89 = arith.constant 1 : index
    %get3A_90 = arith.constant 0 : index
    %get3A_91 = arith.constant 0 : index
    %get3A_92 = vector.load %arg1[%get3A_89, %get3A_90, %get3A_91] : memref<2x400x128xf32, #tpu.memory_space<vmem>>, vector<1x400x128xf32>
    %get3A_93 = vector.shape_cast %get3A_92 : vector<1x400x128xf32> to vector<400x128xf32>
    %get3A_94 = arith.constant 1 : index
    %get3A_95 = arith.constant 0 : index
    %get3A_96 = arith.constant 0 : index
    %get3A_97 = vector.load %arg2[%get3A_94, %get3A_95, %get3A_96] : memref<2x400x128xf32, #tpu.memory_space<vmem>>, vector<1x400x128xf32>
    %get3A_98 = vector.shape_cast %get3A_97 : vector<1x400x128xf32> to vector<400x128xf32>
    %add3A_99 = arith.addf %get3A_93, %get3A_98 : vector<400x128xf32>
    %slice3A_100 = vector.extract_strided_slice %dot_general3A_27 {offsets = [0, 128], sizes = [400, 128], strides = [1, 1]} : vector<400x256xf32> to vector<400x128xf32>
    %add3A_101 = arith.addf %add3A_99, %slice3A_100 : vector<400x128xf32>
    %ge3A_102 = arith.constant 0.000000e+00 : f32
    %ge3A_103 = vector.broadcast %ge3A_102 : f32 to vector<400x128xf32>
    %ge3A_104 = arith.cmpf oge, %add3A_101, %ge3A_103 : vector<400x128xf32>
    %mul3A_105 = arith.constant 2.000000e-01 : f32
    %mul3A_106 = vector.broadcast %mul3A_105 : f32 to vector<400x128xf32>
    %mul3A_107 = arith.mulf %mul3A_106, %add3A_101 : vector<400x128xf32>
    %select_n3A_108 = arith.select %ge3A_104, %add3A_101, %mul3A_107 : vector<400x128xi1>, vector<400x128xf32>
    %get3A_109 = arith.constant 1 : index
    %get3A_110 = arith.constant 0 : index
    %get3A_111 = vector.load %arg7[%get3A_109, %get3A_110] : memref<2x128xf32, #tpu.memory_space<vmem>>, vector<1x128xf32>
    %get3A_112 = vector.shape_cast %get3A_111 : vector<1x128xf32> to vector<128xf32>
    %broadcast_in_dim3A_113 = vector.shape_cast %get3A_112 : vector<128xf32> to vector<1x128xf32>
    %mul3A_114 = vector.broadcast %broadcast_in_dim3A_113 : vector<1x128xf32> to vector<400x128xf32>
    %mul3A_115 = arith.mulf %select_n3A_108, %mul3A_114 : vector<400x128xf32>
    %reduce_sum3A_116 = arith.constant dense<0.000000e+00> : vector<400xf32>
    %reduce_sum3A_117 = vector.multi_reduction <add>, %mul3A_115, %reduce_sum3A_116 [1] : vector<400x128xf32> to vector<400xf32>
    %exp3A_118 = math.exp %reduce_sum3A_117 : vector<400xf32>
    %get3A_119 = arith.constant 1 : index
    %get3A_120 = arith.constant 0 : index
    %get3A_121 = arith.constant 0 : index
    %get3A_122 = arith.constant 0 : index
    %get3A_123 = vector.load %arg5[%get3A_119, %get3A_120, %get3A_121, %get3A_122] : memref<2x1x1x400xf32, #tpu.memory_space<vmem>>, vector<1x1x1x400xf32>
    %get3A_124 = vector.shape_cast %get3A_123 : vector<1x1x1x400xf32> to vector<400xf32>
    %add3A_125 = arith.addf %get3A_124, %exp3A_118 : vector<400xf32>
    %get3A_126 = arith.constant 1 : index
    %get3A_127 = arith.constant 0 : index
    %get3A_128 = arith.constant 0 : index
    %get3A_129 = vector.load %arg4[%get3A_126, %get3A_127, %get3A_128] : memref<2x400x128xf32, #tpu.memory_space<vmem>>, vector<1x400x128xf32>
    %get3A_130 = vector.shape_cast %get3A_129 : vector<1x400x128xf32> to vector<400x128xf32>
    %broadcast_in_dim3A_131 = vector.shape_cast %exp3A_118 : vector<400xf32> to vector<400x1xf32>
    %get3A_132 = arith.constant 1 : index
    %get3A_133 = arith.constant 0 : index
    %get3A_134 = arith.constant 0 : index
    %get3A_135 = vector.load %arg1[%get3A_132, %get3A_133, %get3A_134] : memref<2x400x128xf32, #tpu.memory_space<vmem>>, vector<1x400x128xf32>
    %get3A_136 = vector.shape_cast %get3A_135 : vector<1x400x128xf32> to vector<400x128xf32>
    %mul3A_137 = vector.broadcast %broadcast_in_dim3A_131 : vector<400x1xf32> to vector<400x128xf32>
    %mul3A_138 = arith.mulf %mul3A_137, %get3A_136 : vector<400x128xf32>
    %add3A_139 = arith.addf %get3A_130, %mul3A_138 : vector<400x128xf32>
    %add3A_140 = arith.constant 1.000000e-16 : f32
    %add3A_141 = vector.broadcast %add3A_140 : f32 to vector<400xf32>
    %add3A_142 = arith.addf %add3A_125, %add3A_141 : vector<400xf32>
    %broadcast_in_dim3A_143 = vector.shape_cast %add3A_142 : vector<400xf32> to vector<400x1xf32>
    %div3A_144 = vector.broadcast %broadcast_in_dim3A_143 : vector<400x1xf32> to vector<400x128xf32>
    %div3A_145 = arith.divf %add3A_139, %div3A_144 : vector<400x128xf32>
    %get3A_146 = arith.constant 1 : index
    %get3A_147 = arith.constant 0 : index
    %get3A_148 = vector.load %arg8[%get3A_146, %get3A_147] : memref<2x128xf32, #tpu.memory_space<vmem>>, vector<1x128xf32>
    %get3A_149 = vector.shape_cast %get3A_148 : vector<1x128xf32> to vector<128xf32>
    %broadcast_in_dim3A_150 = vector.shape_cast %get3A_149 : vector<128xf32> to vector<1x128xf32>
    %add3A_151 = vector.broadcast %broadcast_in_dim3A_150 : vector<1x128xf32> to vector<400x128xf32>
    %add3A_152 = arith.addf %div3A_145, %add3A_151 : vector<400x128xf32>
    %max3A_153 = arith.constant 0.000000e+00 : f32
    %max3A_154 = vector.broadcast %max3A_153 : f32 to vector<400x128xf32>
    %max3A_155 = arith.maximumf %add3A_152, %max3A_154 : vector<400x128xf32>
    %concatenate3A = tpu.concatenate %max3A_88, %max3A_155 in 1 : vector<400x128xf32>, vector<400x128xf32> -> vector<400x256xf32>
    %get3A_156 = arith.constant 0 : index
    %get3A_157 = arith.constant 0 : index
    %get3A_158 = arith.constant 0 : index
    %get3A_159 = vector.load %arg9[%get3A_156, %get3A_157, %get3A_158] : memref<1x1x400xi32, #tpu.memory_space<vmem>>, vector<1x1x400xi32>
    %get3A_160 = vector.shape_cast %get3A_159 : vector<1x1x400xi32> to vector<1x400xi32>
    %iota3A = tpu.iota {dimensions = array<i32: 0>} : vector<64x400xi32>
    %eq3A_161 = vector.broadcast %get3A_160 : vector<1x400xi32> to vector<64x400xi32>
    %eq3A_162 = arith.cmpi eq, %eq3A_161, %iota3A : vector<64x400xi32>
    %convert_element_type3A_163 = arith.extui %eq3A_162 : vector<64x400xi1> to vector<64x400xi32>
    %convert_element_type3A_164 = arith.sitofp %convert_element_type3A_163 : vector<64x400xi32> to vector<64x400xf32>
    %get3A_165 = arith.constant 0 : index
    %get3A_166 = arith.constant 0 : index
    %get3A_167 = vector.load %arg13[%get3A_165, %get3A_166] : memref<64x256xf32, #tpu.memory_space<vmem>>, vector<64x256xf32>
    %dot_general3A_168 = arith.constant dense<0.000000e+00> : vector<64x256xf32>
    %dot_general3A_169 = tpu.matmul %convert_element_type3A_164, %concatenate3A, %dot_general3A_168 {dimension_numbers = #tpu.dot_dimension_numbers<[1], [0], [0], [1], [0, 0, 1, 1], [], []>, precision = #tpu.contract_precision<fp32>, transpose_lhs_hint = false} : vector<64x400xf32>, vector<400x256xf32>, vector<64x256xf32> -> vector<64x256xf32>
    %add3A_170 = arith.addf %get3A_167, %dot_general3A_169 : vector<64x256xf32>
    %swap3A = arith.constant 0 : index
    %swap3A_171 = arith.constant 0 : index
    %swap3A_172 = vector.load %arg13[%swap3A, %swap3A_171] : memref<64x256xf32, #tpu.memory_space<vmem>>, vector<64x256xf32>
    tpu.vector_store %arg13[%swap3A, %swap3A_171], %add3A_170 {strides = array<i32>} : memref<64x256xf32, #tpu.memory_space<vmem>>, vector<64x256xf32>,
    %get3A_173 = arith.constant 0 : index
    %get3A_174 = arith.constant 0 : index
    %get3A_175 = vector.load %arg14[%get3A_173, %get3A_174] : memref<64x128xf32, #tpu.memory_space<vmem>>, vector<64x128xf32>
    %reduce_sum3A_176 = arith.constant dense<0.000000e+00> : vector<64xf32>
    %reduce_sum3A_177 = vector.multi_reduction <add>, %convert_element_type3A_164, %reduce_sum3A_176 [1] : vector<64x400xf32> to vector<64xf32>
    %broadcast_in_dim3A_178 = vector.shape_cast %reduce_sum3A_177 : vector<64xf32> to vector<64x1xf32>
    %broadcast_in_dim3A_179 = vector.shape_cast %broadcast_in_dim3A_178 : vector<64x1xf32> to vector<64x1xf32>
    %broadcast_in_dim3A_180 = vector.broadcast %broadcast_in_dim3A_179 : vector<64x1xf32> to vector<64x128xf32>
    %add3A_181 = arith.addf %get3A_175, %broadcast_in_dim3A_180 : vector<64x128xf32>
    %swap3A_182 = arith.constant 0 : index
    %swap3A_183 = arith.constant 0 : index
    %swap3A_184 = vector.load %arg14[%swap3A_182, %swap3A_183] : memref<64x128xf32, #tpu.memory_space<vmem>>, vector<64x128xf32>
    tpu.vector_store %arg14[%swap3A_182, %swap3A_183], %add3A_181 {strides = array<i32>} : memref<64x128xf32, #tpu.memory_space<vmem>>, vector<64x128xf32>,
    %eq3A_185 = arith.constant 24 : i32
    %eq3A_186 = arith.cmpi eq, %arg0, %eq3A_185 : i32
    %convert_element_type3A_187 = arith.extui %eq3A_186 : i1 to i32
    %cond3A_188 = arith.constant 0 : i32
    %cond3A_189 = arith.cmpi ne, %convert_element_type3A_187, %cond3A_188 : i32
    scf.if %cond3A_189 {
      %get3A_190 = arith.constant 0 : index
      %get3A_191 = arith.constant 0 : index
      %get3A_192 = vector.load %arg14[%get3A_190, %get3A_191] : memref<64x128xf32, #tpu.memory_space<vmem>>, vector<64x1xf32>
      %jit3A_193 = arith.constant 1.000000e+00 : f32
      %max3A_194 = vector.broadcast %jit3A_193 : f32 to vector<64x1xf32>
      %max3A_195 = arith.maximumf %max3A_194, %get3A_192 : vector<64x1xf32>
      %get3A_196 = arith.constant 0 : index
      %get3A_197 = arith.constant 0 : index
      %get3A_198 = vector.load %arg13[%get3A_196, %get3A_197] : memref<64x256xf32, #tpu.memory_space<vmem>>, vector<64x256xf32>
      %div3A_199 = vector.broadcast %max3A_195 : vector<64x1xf32> to vector<64x256xf32>
      %div3A_200 = arith.divf %get3A_198, %div3A_199 : vector<64x256xf32>
      %get3A_201 = arith.constant 0 : index
      %get3A_202 = arith.constant 0 : index
      %get3A_203 = vector.load %arg10[%get3A_201, %get3A_202] : memref<256x128xf32, #tpu.memory_space<vmem>>, vector<256x128xf32>
      %dot_general3A_204 = arith.constant dense<0.000000e+00> : vector<64x128xf32>
      %dot_general3A_205 = tpu.matmul %div3A_200, %get3A_203, %dot_general3A_204 {dimension_numbers = #tpu.dot_dimension_numbers<[1], [0], [0], [1], [0, 0, 1, 1], [], []>, precision = #tpu.contract_precision<fp32>, transpose_lhs_hint = false} : vector<64x256xf32>, vector<256x128xf32>, vector<64x128xf32> -> vector<64x128xf32>
      %get3A_206 = arith.constant 0 : index
      %get3A_207 = arith.constant 0 : index
      %get3A_208 = vector.load %arg11[%get3A_206, %get3A_207] : memref<1x128xf32, #tpu.memory_space<vmem>>, vector<1x128xf32>
      %add3A_209 = vector.broadcast %get3A_208 : vector<1x128xf32> to vector<64x128xf32>
      %add3A_210 = arith.addf %dot_general3A_205, %add3A_209 : vector<64x128xf32>
      %swap3A_211 = arith.constant 0 : index
      %swap3A_212 = arith.constant 0 : index
      %swap3A_213 = vector.load %arg12[%swap3A_211, %swap3A_212] : memref<64x128xf32, #tpu.memory_space<vmem>>, vector<64x128xf32>
      tpu.vector_store %arg12[%swap3A_211, %swap3A_212], %add3A_210 {strides = array<i32>} : memref<64x128xf32, #tpu.memory_space<vmem>>, vector<64x128xf32>,
    } else {
    }
    return
  }
  func.func @transform_0(%arg0: i32) -> (i32, i32, i32) {
    %c0_i32 = arith.constant 0 : i32
    %c0_i32_0 = arith.constant 0 : i32
    %c0_i32_1 = arith.constant 0 : i32
    return %c0_i32, %arg0, %c0_i32_0 : i32, i32, i32
  }
  func.func @transform_1(%arg0: i32) -> (i32, i32, i32) {
    %c0_i32 = arith.constant 0 : i32
    %c0_i32_0 = arith.constant 0 : i32
    %c0_i32_1 = arith.constant 0 : i32
    return %c0_i32, %arg0, %c0_i32_0 : i32, i32, i32
  }
  func.func @transform_2(%arg0: i32) -> (i32, i32, i32) {
    %c0_i32 = arith.constant 0 : i32
    %c0_i32_0 = arith.constant 0 : i32
    %c0_i32_1 = arith.constant 0 : i32
    return %c0_i32, %arg0, %c0_i32_0 : i32, i32, i32
  }
  func.func @transform_3(%arg0: i32) -> (i32, i32, i32) {
    %c0_i32 = arith.constant 0 : i32
    %c0_i32_0 = arith.constant 0 : i32
    %c0_i32_1 = arith.constant 0 : i32
    return %c0_i32, %arg0, %c0_i32_0 : i32, i32, i32
  }
  func.func @transform_4(%arg0: i32) -> (i32, i32, i32, i32) {
    %c0_i32 = arith.constant 0 : i32
    %c0_i32_0 = arith.constant 0 : i32
    %c0_i32_1 = arith.constant 0 : i32
    %c0_i32_2 = arith.constant 0 : i32
    return %c0_i32, %arg0, %c0_i32_0, %c0_i32_1 : i32, i32, i32, i32
  }
  func.func @transform_5(%arg0: i32) -> (i32, i32) {
    %c0_i32 = arith.constant 0 : i32
    %c0_i32_0 = arith.constant 0 : i32
    %c0_i32_1 = arith.constant 0 : i32
    return %c0_i32, %c0_i32_0 : i32, i32
  }
  func.func @transform_6(%arg0: i32) -> (i32, i32) {
    %c0_i32 = arith.constant 0 : i32
    %c0_i32_0 = arith.constant 0 : i32
    %c0_i32_1 = arith.constant 0 : i32
    return %c0_i32, %c0_i32_0 : i32, i32
  }
  func.func @transform_7(%arg0: i32) -> (i32, i32) {
    %c0_i32 = arith.constant 0 : i32
    %c0_i32_0 = arith.constant 0 : i32
    %c0_i32_1 = arith.constant 0 : i32
    return %c0_i32, %c0_i32_0 : i32, i32
  }
  func.func @transform_8(%arg0: i32) -> (i32, i32, i32) {
    %c0_i32 = arith.constant 0 : i32
    %c0_i32_0 = arith.constant 0 : i32
    %c0_i32_1 = arith.constant 0 : i32
    return %arg0, %c0_i32, %c0_i32_0 : i32, i32, i32
  }
  func.func @transform_9(%arg0: i32) -> (i32, i32) {
    %c0_i32 = arith.constant 0 : i32
    %c0_i32_0 = arith.constant 0 : i32
    %c0_i32_1 = arith.constant 0 : i32
    return %c0_i32, %c0_i32_0 : i32, i32
  }
  func.func @transform_10(%arg0: i32) -> (i32, i32) {
    %c0_i32 = arith.constant 0 : i32
    %c0_i32_0 = arith.constant 0 : i32
    %c0_i32_1 = arith.constant 0 : i32
    return %c0_i32, %c0_i32_0 : i32, i32
  }
  func.func @transform_11(%arg0: i32) -> (i32, i32) {
    %c0_i32 = arith.constant 0 : i32
    %c0_i32_0 = arith.constant 0 : i32
    %c0_i32_1 = arith.constant 0 : i32
    return %c0_i32, %c0_i32_0 : i32, i32
  }
}

</mosaic_0001>

<sc_bundles>
// kernel: kernel.12.cloned.1.call-start
scs
__scs_entry_jumppad:
0x0: {  	(pc) =	sbr.rel $0x88, $3  }
0x1: {  	(tag) =	ssettag $0x0;
	lr =	simm.s32 $0x1  }
0x2: {  	[smem:$0x3F94] =	sst lr;
	_ =	strace $0xD0000000  }
0x3: {  	_ = 	snop  }
0x4: {  	_ = 	snop  }
0x5: {  	_ = 	snop  }
0x6: {  	_ = 	snop  }
0x7: {  	_ = 	snop  }
__scs_overlays_trampoline_lowered:
0x8: {  	[smem:$0x3FA3] =	sst s0  }
0x9: {  	[smem:$0x3FA4] =	sst s1  }
0xa: {  	[smem:$0x3FA5] =	sst s2  }
0xb: {  	[smem:$0x3FA6] =	sst s3  }
0xc: {  	[smem:$0x3FA7] =	sst s4  }
0xd: {  	[smem:$0x3FA8] =	sst s5  }
0xe: {  	[smem:$0x3FA9] =	sst s6  }
0xf: {  	[smem:$0x3FAA] =	sst s7  }
0x10: {  	[smem:$0x3FAB] =	sst s8  }
0x11: {  	[smem:$0x3FAC] =	sst s9;
	s0 =	simm.s32 @!p0 $0x0  }
0x12: {  	s1 =	sld [smem:$0x3F92];
	s0 =	simm.s32 @p0 $0x1  }
0x13: {  	[smem:$0x3FAD] =	sst s0;
	s0 =	simm.s32 @!p1 $0x0  }
0x14: {  	s2 =	sld [smem:$0x3F91];
	s0 =	simm.s32 @p1 $0x1  }
0x15: {  	[smem:$0x3FAE] =	sst s0;
	s0 =	simm.s32 @!p2 $0x0  }
0x16: {  	s3 =	sld [smem:$0x3FDB];
	s0 =	simm.s32 @p2 $0x1  }
0x17: {  	s4 =	simm.s32 $0x1BF5;
	[smem:$0x3FB0] =	sst s0  }
0x18: {  	s0 =	sld [smem:$0x3F93];
	_ =	swait.ge [sflag:s4], $0x0  }
0x19: {  	s7 =	sld [smem:$0x3F94]  }
0x1a: {  	s8 =	sadd.s32 $0xFFFFE003, lr  }
0x1b: {  	s9 =	sadd.s32 $0xFFFFFEF7, lr;
	s5 =	simm.s32 $0xFFFFFFFF;
	p2 =	slt.u32 s8, $0xFFFFF086  }
0x1c: {  	p1 =	slt.u32 s9, $0xF7A;
	s5 =	simm.s32 @!p2 $0x0  }
0x1d: {  	s5 =	simm.s32 @p1 $0x1;
	p0 =	seq.s32 s7, s2  }
0x1e: {  	s7 =	smul.u32 @!p0 $0xF7A, s2;
	p2 =	seq.s32 @!p0 s5, $0x0  }
0x1f: {  	s9 =	smul.u32 $0xF7A, s1;
	s8 =	simm.s32 @!p0 $0x1BF5;
	p2 =	por !p2, p0  }
0x20: {  	[sflag:s8] =	ssyncset.s32 @!p0 $0xFFFFF086;
	s6 =	sadd.s32 @!p0 s3, s7;
	s7 =	simm.s32 @!p0 $0x108  }
0x21: {  	s3 =	sadd.s32 s3, s9;
	s6 =	sadd.s32 @!p0 $0x88, s6;
	s7 =	simm.s32 @p2 $0x1082  }
0x22: {  	[simem:s7], [sflag:s8] =	dma.local @!p0 [hbm:s6], $0xF7A  }
0x23: {  	s9 =	sor.u32 $0xD0000000, s2;
	s6 =	simm.s32 $0x108;
	_ =	swait.ge @!p0 [sflag:s8], $0x0  }
0x24: {  	s3 =	sadd.s32 $0x88, s3;
	s6 =	simm.s32 @!p1 $0x1082;
	[sflag:s4] =	ssyncset.s32 $0xFFFFF086  }
0x25: {  	[simem:s6], [sflag:s4] =	dma.local [hbm:s3], $0xF7A  }
0x26: {  	[smem:$0x3F94] =	sst s1;
	(tag) =	ssettag s2;
	_ =	strace s9  }
0x27: {  	s1 =	sld [smem:$0x3FA4]  }
0x28: {  	s2 =	sld [smem:$0x3FA5]  }
0x29: {  	s4 =	sld [smem:$0x3FA7]  }
0x2a: {  	p0 =	seq.s32 s5, $0x0;
	s5 =	sld [smem:$0x3FA8]  }
0x2b: {  	s6 =	sld [smem:$0x3FA9]  }
0x2c: {  	s7 =	sld [smem:$0x3FAA]  }
0x2d: {  	s3 =	simm.s32 $0x108;
	s8 =	sld [smem:$0x3FAB]  }
0x2e: {  	s3 =	simm.s32 @!p0 $0x1082;
	s9 =	sld [smem:$0x3FAC]  }
0x2f: {  	lr =	sadd.s32 s0, s3;
	s0 =	sld [smem:$0x3FA3]  }
0x30: {  	s3 =	sld [smem:$0x3FA6]  }
0x31: {  	[smem:$0x3FAF] =	sst s10  }
0x32: {  	s10 =	sld [smem:$0x3FAD];
	_ =	sdelay $0x3  }
0x33: {  	p0 =	seq.s32 s10, $0x1;
	s10 =	sld [smem:$0x3FAF];
	_ =	sdelay $0x3  }
0x34: {  	[smem:$0x3FAF] =	sst s10  }
0x35: {  	s10 =	sld [smem:$0x3FAE];
	_ =	sdelay $0x3  }
0x36: {  	p1 =	seq.s32 s10, $0x1;
	s10 =	sld [smem:$0x3FAF];
	_ =	sdelay $0x3  }
0x37: {  	[smem:$0x3FAF] =	sst s10  }
0x38: {  	s10 =	sld [smem:$0x3FB0]  }
0x39: {  	_ = 	snop;
	(pc) =	sbr.ind lr, $3  }
0x3a: {  	_ = 	snop  }
0x3b: {  	_ = 	snop  }
0x3c: {  	p2 =	seq.s32 s10, $0x1;
	s10 =	sld [smem:$0x3FAF]  }
0x3d: {  	_ =	shalt  }
0x3e: {  	_ =	shalt  }
0x3f: {  	_ =	shalt  }
0x40: {  	_ =	shalt  }
0x41: {  	_ =	shalt  }
0x42: {  	_ =	shalt  }
0x43: {  	_ =	shalt  }
0x44: {  	_ =	shalt  }
0x45: {  	_ =	shalt  }
0x46: {  	_ =	shalt  }
0x47: {  	_ =	shalt  }
0x48: {  	_ =	shalt  }
0x49: {  	_ =	shalt  }
0x4a: {  	_ =	shalt  }
0x4b: {  	_ =	shalt  }
0x4c: {  	_ =	shalt  }
0x4d: {  	_ =	shalt  }
0x4e: {  	_ =	shalt  }
0x4f: {  	_ =	shalt  }
0x50: {  	_ =	shalt  }
0x51: {  	_ =	shalt  }
0x52: {  	_ =	shalt  }
0x53: {  	_ =	shalt  }
0x54: {  	_ =	shalt  }
0x55: {  	_ =	shalt  }
0x56: {  	_ =	shalt  }
0x57: {  	_ =	shalt  }
0x58: {  	_ =	shalt  }
0x59: {  	_ =	shalt  }
0x5a: {  	_ =	shalt  }
0x5b: {  	_ =	shalt  }
0x5c: {  	_ =	shalt  }
0x5d: {  	_ =	shalt  }
0x5e: {  	_ =	shalt  }
0x5f: {  	_ =	shalt  }
0x60: {  	_ =	shalt  }
0x61: {  	_ =	shalt  }
0x62: {  	_ =	shalt  }
0x63: {  	_ =	shalt  }
0x64: {  	_ =	shalt  }
0x65: {  	_ =	shalt  }
0x66: {  	_ =	shalt  }
0x67: {  	_ =	shalt  }
0x68: {  	_ =	shalt  }
0x69: {  	_ =	shalt  }
0x6a: {  	_ =	shalt  }
0x6b: {  	_ =	shalt  }
0x6c: {  	_ =	shalt  }
0x6d: {  	_ =	shalt  }
0x6e: {  	_ =	shalt  }
0x6f: {  	_ =	shalt  }
0x70: {  	_ =	shalt  }
0x71: {  	_ =	shalt  }
0x72: {  	_ =	shalt  }
0x73: {  	_ =	shalt  }
0x74: {  	_ =	shalt  }
0x75: {  	_ =	shalt  }
0x76: {  	_ =	shalt  }
0x77: {  	_ =	shalt  }
0x78: {  	_ =	shalt  }
0x79: {  	_ =	shalt  }
0x7a: {  	_ =	shalt  }
0x7b: {  	_ =	shalt  }
0x7c: {  	_ =	shalt  }
0x7d: {  	_ =	shalt  }
0x7e: {  	_ =	shalt  }
0x7f: {  	_ =	shalt  }
0x80: {  	_ =	shalt  }
0x81: {  	_ =	shalt  }
0x82: {  	_ =	shalt  }
0x83: {  	_ =	shalt  }
0x84: {  	_ =	shalt  }
0x85: {  	_ =	shalt  }
0x86: {  	_ =	shalt  }
0x87: {  	_ =	shalt  }
.Lfunc_end0:
.L_simem_size_0:
called_computation.1_lowered:
.L_overlay_start_0:
0x88: {  	s2 =	sld [smem:$0x3FD9]  }
0x89: {  	s3 =	sld [smem:$0x3FFE];
	_ =	sdelay $0x1  }
0x8a: {  	s1 =	srdreg.scid  }
0x8b: {  	s0 =	sand.u32 $0x1, s1  }
0x8c: {  	s16 =	sshll.u32 s0, $0xA;
	s2 =	sadd.s32 s3, s2  }
0x8d: {  	s2 =	sadd.s32 s2, s16  }
0x8e: {  	[smem:$0x3FBB] =	sst s2  }
0x8f: {  	_ = 	snop  }
0x90: {  	(tm) =	ssettm $0x1  }
0x91: {  	s17 =	sld [smem:$0x3FFB];
	_ =	sdelay $0x3  }
0x92: {  	_ =	strace s17  }
0x93: {  	s2 =	sld [smem:$0x3FFC];
	_ =	sdelay $0x3  }
0x94: {  	_ =	strace s2  }
0x95: {  	s2 =	sld [smem:$0x3FFD];
	_ =	sdelay $0x3  }
0x96: {  	_ =	strace s2  }
0x97: {  	_ =	strace $0x8FFFFFFF  }
0x98: {  	s18 =	sld [smem:$0x3FDB];
	_ =	sdelay $0x1  }
0x99: {  	s19 =	simm.s32 $_scs_section_size  }
0x9a: {  	s4 =	simm.s32 $_size__tile_overlayer_lowered;
	s5 =	simm.s32 $_tile_overlayer_lowered  }
0x9b: {  	s22 =	simm.s32 $0x1BFF;
	s21 =	sshll.u32 s5, $0x1;
	s2 =	sadd.s32 s19, s18  }
0x9c: {  	s6 =	simm.s32 $0x0;
	s20 =	sshll.u32 s4, $0x1;
	s4 =	sadd.s32 s21, s2  }
0x9d: {  	[timem:s6], [sflag:s22] =	dma.local [hbm:s4], s20  }
0x9e: {  	_ =	swait.ge [sflag:s22], s20  }
0x9f: {  	s3 =	ssub.s32 $0x0, s20;
	[sflag:s22] =	ssyncset.done $0x0  }
0xa0: {  	[sflag:s22] =	ssyncadd.s32 s3;
	_ =	sdelay $0x1  }
0xa1: {  	s23 =	simm.s32 $0x1B8B  }
0xa2: {  	_ =	swait.ge [sflag:s23], $0x1  }
0xa3: {  	[sflag:s23] =	ssyncset.done $0x0  }
0xa4: {  	s25 =	simm.s32 $0x1B8E;
	s24 =	sld [smem:$0x3FFE];
	[sflag:s23] =	ssyncadd.s32 $0xFFFFFFFF  }
0xa5: {  	s26 =	simm.s32 $execute0_lowered;
	[smem:$0x3FD2] =	sst s25  }
0xa6: {  	s4 =	sshll.u32 s26, $0x1;
	_ =	strace $0x80000046;
	[dreg:$0x1] =	wrdreg $0xFFFFFFFF  }
0xa7: {  	s28 =	simm.s32 $_size_execute0_lowered;
	s2 =	sadd.s32 s2, s4;
	[dreg:$0x0] =	wrdreg $0x0  }
0xa8: {  	s4 =	sshll.u32 s28, $0x1;
	[dreg:$0x2] =	wrdreg s2  }
0xa9: {  	[dreg:$0x3] =	wrdreg s4  }
0xaa: {  	[dreg:$0x4] =	wrdreg $0xC0  }
0xab: {  	_ =	task [dreg:s6], $0x5FFFF  }
0xac: {  	[dreg:$0x1] =	wrdreg $0xFFFFFFFF  }
0xad: {  	[dreg:$0x0] =	wrdreg $0x60  }
0xae: {  	[dreg:$0x2] =	wrdreg s24  }
0xaf: {  	[dreg:$0x3] =	wrdreg $0x9  }
0xb0: {  	_ =	task.clear_ibuf [dreg:s6], $0x4FFFF;
	_ =	strace $0x90000046  }
0xb1: {  	s29 =	simm.s32 $0x9;
	_ =	strace $0x80000048  }
0xb2: {  	_ =	swait.ge [sflag:s29], $0x1  }
0xb3: {  	[sflag:s29] =	ssyncadd.s32 $0xFFFFFFFF  }
0xb4: {  	_ =	strace $0x90000048  }
0xb5: {  	_ =	sfence  }
0xb6: {  	s30 =	sld [smem:$0x0];
	_ =	sdelay $0x2  }
0xb7: {  	s31 =	sshll.u32 s1, $0xD;
	s1 =	sshrl.u32 s1, $0x2  }
0xb8: {  	s3 =	sand.u32 $0x4000, s31;
	s1 =	sadd.s32 s1, s30  }
0xb9: {  	s0 =	sor.u32 s3, s0;
	s1 =	sshll.u32 s1, $0x11  }
0xba: {  	s0 =	sor.u32 s1, s0  }
0xbb: {  	s0 =	sadd.s32 $0x8F2B, s0  }
0xbc: {  	[sflag:s0] =	ssyncadd.remote.s32 $0x1  }
0xbd: {  	_ =	sfence.sel $0xFFFF  }
0xbe: {  	[dreg:$0x0] =	wrdreg $0xFFFFFFFF;
	(pc) =	sbr.abs _section_cstart, $3  }
0xbf: {  	[dreg:$0x1] =	wrdreg $0xFFFFFFFF  }
0xc0: {  	_ =	task.clear_ibuf [dreg:s6], $0x2FFFF;
	_ =	strace $0x9FFFFFFF  }
0xc1: {  	(tm) =	ssettm $0x7FFFFFFF  }
tec
execute0_lowered:
.L_overlay_start_1:
0x0: {  	(tag) =	ssettag $0x1  }
0x1: {  	s1 =	srdreg.scid  }
0x2: {  	s0 =	stileid.u32;
	s5 =	rddreg [dreg:$0x0]  }
0x3: {  	s2 =	simm.s32 $0x0;
	s10 =	simm.s32 $0x3;
	s11 =	simm.s32 $0x80  }
0x4: {  	s12 =	simm.s32 $0x50;
	s13 =	simm.s32 $0x100;
	s4 =	smul.u32 $0x2710, s0  }
0x5: {  	s14 =	simm.s32 $0x1;
	s3 =	sand.u32 $0x1, s1;
	s29 =	smul.u32 $0x138800, s0  }
0x6: {  	s15 =	simm.s32 $0x2900;
	s16 =	simm.s32 $0x2;
	s6 =	smul.u32 $0x27100, s3  }
0x7: {  	s17 =	simm.s32 $0x0;
	[smem:$0x7FF] =	sst s2;
	s7 =	smul.u32 $0x1388000, s3  }
0x8: {  	s1 =	rddreg [dreg:$0x1];
	_ =	strace $0x80000047;
	s8 =	ssub.s32 $0x2, s3  }
0x9: {  	s3 =	sadd.s32 $0x71C00, s5;
	s4 =	sadd.s32 s4, s6;
	s30 =	sadd.s32 s29, s7  }
0xa: {  	s31 =	sshrl.u32 s8, $0x1;
	s4 =	sshrl.u32 s4, $0x3;
	s7 =	sshrl.u32 s30, $0x3  }
0xb: {  	s6 =	ssub.s32 s8, s31;
	s9 =	sadd.s32 s4, s5;
	s7 =	sadd.s32 s7, s5  }
0xc: {  	s4 =	sadd.s32 $0x23A00, s5;
	s5 =	smax.u32 s6, $0x1;
	s6 =	sadd.s32 $0x5A1E00, s7  }
0xd: {  	s7 =	sadd.s32 $0xBFE00, s7;
	s8 =	sadd.s32 $0x19C00, s9;
	s9 =	sadd.s32 $0xFE00, s9  }
.LBB2_1:
0xe: {  	s18 =	sadd.s32 $0x0, s9  }
0xf: {  	[tilespmem:s2], [sflag:$0x3] =	stream.linear.gather [hbm4b:s18+s2], $0x50, $0x38;
	[tilespmem:$0x5100] =	vst v63  }
0x10: {  	_ =	swait.ge [sflag:s10], $0x50  }
0x11: {  	[sflag:s10] =	ssyncset.done $0x0  }
0x12: {  	s31 =	sadd.s32 $0x0, s8;
	[sflag:s10] =	ssyncadd.s32 $0xFFFFFFB0  }
0x13: {  	[tilespmem:s11], [sflag:$0x3] =	stream.linear.gather [hbm4b:s31+s2], $0x50, $0x38;
	[tilespmem:$0x5100] =	vst v63  }
0x14: {  	_ =	swait.ge [sflag:s10], $0x50  }
0x15: {  	[sflag:s10] =	ssyncset.done $0x0  }
0x16: {  	[sflag:s10] =	ssyncadd.s32 $0xFFFFFFB0  }
0x17: {  	[tilespmem:s13], [sflag:$0x1] =	stream.indirect.gather [hbm4b:s3+s12], $0x80, s2, s12, $0xb8;
	[tilespmem:$0x5100] =	vst v63  }
0x18: {  	_ =	swait.ge [sflag:s14], $0x2800  }
0x19: {  	[sflag:s14] =	ssyncset.done $0x0  }
0x1a: {  	[sflag:s14] =	ssyncadd.s32 $0xFFFFD800  }
0x1b: {  	[tilespmem:s15], [sflag:$0x2] =	stream.indirect.gather [hbm4b:s4+s12], $0x80, s11, s12, $0xb8;
	[tilespmem:$0x5100] =	vst v63  }
0x1c: {  	_ =	swait.ge [sflag:s16], $0x2800  }
0x1d: {  	[sflag:s16] =	ssyncset.done $0x0  }
0x1e: {  	[sflag:s16] =	ssyncadd.s32 $0xFFFFD800  }
0x1f: {  	[hbm4b:s7+s2] =	stream.linear.scatter [tilespmem:s13], [sflag:$0x3], $0x2800, $0x38;
	[tilespmem:$0x5100] =	vst v63  }
0x20: {  	_ =	swait.ge [sflag:s10], $0x2800  }
0x21: {  	[sflag:s10] =	ssyncset.done $0x0  }
0x22: {  	[sflag:s10] =	ssyncadd.s32 $0xFFFFD800  }
0x23: {  	[hbm4b:s6+s2] =	stream.linear.scatter [tilespmem:s15], [sflag:$0x3], $0x2800, $0x38;
	[tilespmem:$0x5100] =	vst v63  }
0x24: {  	s20 =	simm.s32 $0xA;
	s21 =	simm.s32 $0x14;
	_ =	swait.ge [sflag:s10], $0x2800  }
0x25: {  	s19 =	sadd.s32 $0x500, s7;
	s18 =	sadd.s32 $0x500, s6;
	[sflag:s10] =	ssyncset.done $0x0  }
.LBB2_2:
0x26: {  	s22 =	sadd.s32 s20, s9  }
0x27: {  	[sflag:s10] =	ssyncadd.s32 $0xFFFFD800;
	s23 =	smov.u32 s21;
	s24 =	sadd.s32 $0xA, s21  }
0x28: {  	[tilespmem:s2], [sflag:$0x3] =	stream.linear.gather [hbm4b:s22+s2], $0x50, $0x38;
	[tilespmem:$0x5100] =	vst v63  }
0x29: {  	p0 =	sne.s32 s21, $0x4D8;
	_ =	swait.ge [sflag:s10], $0x50  }
0x2a: {  	[sflag:s10] =	ssyncset.done $0x0  }
0x2b: {  	s21 =	sadd.s32 s20, s8;
	s20 =	smov.u32 s23;
	[sflag:s10] =	ssyncadd.s32 $0xFFFFFFB0  }
0x2c: {  	[tilespmem:s11], [sflag:$0x3] =	stream.linear.gather [hbm4b:s21+s2], $0x50, $0x38;
	[tilespmem:$0x5100] =	vst v63  }
0x2d: {  	_ =	swait.ge [sflag:s10], $0x50  }
0x2e: {  	[sflag:s10] =	ssyncset.done $0x0  }
0x2f: {  	[sflag:s10] =	ssyncadd.s32 $0xFFFFFFB0  }
0x30: {  	[tilespmem:s13], [sflag:$0x1] =	stream.indirect.gather [hbm4b:s3+s12], $0x80, s2, s12, $0xb8;
	[tilespmem:$0x5100] =	vst v63  }
0x31: {  	_ =	swait.ge [sflag:s14], $0x2800  }
0x32: {  	[sflag:s14] =	ssyncset.done $0x0  }
0x33: {  	[sflag:s14] =	ssyncadd.s32 $0xFFFFD800  }
0x34: {  	[tilespmem:s15], [sflag:$0x2] =	stream.indirect.gather [hbm4b:s4+s12], $0x80, s11, s12, $0xb8;
	[tilespmem:$0x5100] =	vst v63  }
0x35: {  	_ =	swait.ge [sflag:s16], $0x2800  }
0x36: {  	[sflag:s16] =	ssyncset.done $0x0  }
0x37: {  	[sflag:s16] =	ssyncadd.s32 $0xFFFFD800  }
0x38: {  	[hbm4b:s19+s2] =	stream.linear.scatter [tilespmem:s13], [sflag:$0x3], $0x2800, $0x38;
	[tilespmem:$0x5100] =	vst v63  }
0x39: {  	_ =	swait.ge [sflag:s10], $0x2800  }
.Ltmp0:
0x3a: {  	[sflag:s10] =	ssyncset.done $0x0;
	(pc) =	sbr.rel @p0 .LBB2_2-.Ltmp0, $4  }
0x3b: {  	[sflag:s10] =	ssyncadd.s32 $0xFFFFD800  }
0x3c: {  	[hbm4b:s18+s2] =	stream.linear.scatter [tilespmem:s15], [sflag:$0x3], $0x2800, $0x38;
	[tilespmem:$0x5100] =	vst v63  }
0x3d: {  	s21 =	smov.u32 s24;
	_ =	swait.ge [sflag:s10], $0x2800  }
0x3e: {  	s19 =	sadd.s32 $0x500, s19;
	s18 =	sadd.s32 $0x500, s18;
	[sflag:s10] =	ssyncset.done $0x0  }
0x3f: {  	s21 =	sadd.s32 s20, s9;
	[sflag:s10] =	ssyncadd.s32 $0xFFFFD800  }
0x40: {  	[tilespmem:s2], [sflag:$0x3] =	stream.linear.gather [hbm4b:s21+s2], $0x50, $0x38;
	[tilespmem:$0x5100] =	vst v63  }
0x41: {  	_ =	swait.ge [sflag:s10], $0x50  }
0x42: {  	[sflag:s10] =	ssyncset.done $0x0  }
0x43: {  	s31 =	sadd.s32 s20, s8;
	[sflag:s10] =	ssyncadd.s32 $0xFFFFFFB0  }
0x44: {  	[tilespmem:s11], [sflag:$0x3] =	stream.linear.gather [hbm4b:s31+s2], $0x50, $0x38;
	[tilespmem:$0x5100] =	vst v63  }
0x45: {  	_ =	swait.ge [sflag:s10], $0x50  }
0x46: {  	[sflag:s10] =	ssyncset.done $0x0  }
0x47: {  	[sflag:s10] =	ssyncadd.s32 $0xFFFFFFB0  }
0x48: {  	[tilespmem:s13], [sflag:$0x1] =	stream.indirect.gather [hbm4b:s3+s12], $0x80, s2, s12, $0xb8;
	[tilespmem:$0x5100] =	vst v63  }
0x49: {  	_ =	swait.ge [sflag:s14], $0x2800  }
0x4a: {  	[sflag:s14] =	ssyncset.done $0x0  }
0x4b: {  	[sflag:s14] =	ssyncadd.s32 $0xFFFFD800  }
0x4c: {  	[tilespmem:s15], [sflag:$0x2] =	stream.indirect.gather [hbm4b:s4+s12], $0x80, s11, s12, $0xb8;
	[tilespmem:$0x5100] =	vst v63  }
0x4d: {  	_ =	swait.ge [sflag:s16], $0x2800  }
0x4e: {  	[sflag:s16] =	ssyncset.done $0x0  }
0x4f: {  	[sflag:s16] =	ssyncadd.s32 $0xFFFFD800  }
0x50: {  	[hbm4b:s19+s2] =	stream.linear.scatter [tilespmem:s13], [sflag:$0x3], $0x2800, $0x38;
	[tilespmem:$0x5100] =	vst v63  }
0x51: {  	s17 =	sadd.s32 $0x1, s17;
	_ =	swait.ge [sflag:s10], $0x2800  }
0x52: {  	p0 =	sne.s32 s17, s5;
	[sflag:s10] =	ssyncset.done $0x0  }
.Ltmp1:
0x53: {  	[sflag:s10] =	ssyncadd.s32 $0xFFFFD800;
	(pc) =	sbr.rel @p0 .LBB2_1-.Ltmp1, $4  }
0x54: {  	[hbm4b:s18+s2] =	stream.linear.scatter [tilespmem:s15], [sflag:$0x3], $0x2800, $0x38;
	[tilespmem:$0x5100] =	vst v63  }
0x55: {  	_ =	swait.ge [sflag:s10], $0x2800  }
0x56: {  	[sflag:s10] =	ssyncset.done $0x0  }
0x57: {  	[sflag:s10] =	ssyncadd.s32 $0xFFFFD800  }
0x58: {  	_ =	sfence.sel $0x180000  }
0x59: {  	[bflag:$0x0] =	sbarrier.arrive $0xFFFF  }
0x5a: {  	p0 =	sne.s32 s0, $0x0;
	_ =	strace $0x90000047  }
0x5b: {  	s0 =	sadd.s32 @!p0 $0x100000, s1;
	[bflag:$0x2] =	sbarrier.arrive $0xFFFF  }
0x5c: {  	[sflag:s0] =	ssyncadd.tile.s32 @!p0 $0x1;
	_ =	shalt  }
.Lfunc_end2:
_tile_overlayer_lowered:
.L_overlay_start_2:
0x5d: {  	(tag) =	ssettag $0x2  }
0x5e: {  	s0 =	rddreg [dreg:$0x0];
	s2 =	stileid.u32  }
0x5f: {  	s1 =	rddreg [dreg:$0x1];
	p0 =	sne.s32 s2, $0x0  }
0x60: {  	s3 =	rddreg [dreg:$0x2];
	[bflag:$0x3] =	sbarrier.arrive $0xFFFF;
	s2 =	simm.s32 @!p0 $0x1C03  }
0x61: {  	[timem:s3], [sflag:s2] =	dma.local @!p0 [hbm:s0], s1  }
0x62: {  	s0 =	simm.s32 @!p0 $0x3  }
0x63: {  	_ =	swait.ge @!p0 [sflag:s0], s1  }
0x64: {  	s1 =	ssub.s32 @!p0 $0x0, s1;
	[sflag:s0] =	ssyncset.done @!p0 $0x0  }
0x65: {  	[sflag:s0] =	ssyncadd.s32 @!p0 s1  }
0x66: {  	[bflag:$0x3] =	sbarrier.arrive $0xFFFF  }
0x67: {  	_ =	shalt  }

// kernel: kernel.15.cloned.1.call-start
scs
__scs_entry_jumppad:
0x0: {  	(pc) =	sbr.rel $0x88, $3  }
0x1: {  	(tag) =	ssettag $0x0;
	lr =	simm.s32 $0x1  }
0x2: {  	[smem:$0x3F94] =	sst lr;
	_ =	strace $0xD0000000  }
0x3: {  	_ = 	snop  }
0x4: {  	_ = 	snop  }
0x5: {  	_ = 	snop  }
0x6: {  	_ = 	snop  }
0x7: {  	_ = 	snop  }
__scs_overlays_trampoline_lowered:
0x8: {  	[smem:$0x3FA3] =	sst s0  }
0x9: {  	[smem:$0x3FA4] =	sst s1  }
0xa: {  	[smem:$0x3FA5] =	sst s2  }
0xb: {  	[smem:$0x3FA6] =	sst s3  }
0xc: {  	[smem:$0x3FA7] =	sst s4  }
0xd: {  	[smem:$0x3FA8] =	sst s5  }
0xe: {  	[smem:$0x3FA9] =	sst s6  }
0xf: {  	[smem:$0x3FAA] =	sst s7  }
0x10: {  	[smem:$0x3FAB] =	sst s8  }
0x11: {  	[smem:$0x3FAC] =	sst s9;
	s0 =	simm.s32 @!p0 $0x0  }
0x12: {  	s1 =	sld [smem:$0x3F92];
	s0 =	simm.s32 @p0 $0x1  }
0x13: {  	[smem:$0x3FAD] =	sst s0;
	s0 =	simm.s32 @!p1 $0x0  }
0x14: {  	s2 =	sld [smem:$0x3F91];
	s0 =	simm.s32 @p1 $0x1  }
0x15: {  	[smem:$0x3FAE] =	sst s0;
	s0 =	simm.s32 @!p2 $0x0  }
0x16: {  	s3 =	sld [smem:$0x3FDB];
	s0 =	simm.s32 @p2 $0x1  }
0x17: {  	s4 =	simm.s32 $0x1BF5;
	[smem:$0x3FB0] =	sst s0  }
0x18: {  	s0 =	sld [smem:$0x3F93];
	_ =	swait.ge [sflag:s4], $0x0  }
0x19: {  	s7 =	sld [smem:$0x3F94]  }
0x1a: {  	s8 =	sadd.s32 $0xFFFFE003, lr  }
0x1b: {  	s9 =	sadd.s32 $0xFFFFFEF7, lr;
	s5 =	simm.s32 $0xFFFFFFFF;
	p2 =	slt.u32 s8, $0xFFFFF086  }
0x1c: {  	p1 =	slt.u32 s9, $0xF7A;
	s5 =	simm.s32 @!p2 $0x0  }
0x1d: {  	s5 =	simm.s32 @p1 $0x1;
	p0 =	seq.s32 s7, s2  }
0x1e: {  	s7 =	smul.u32 @!p0 $0xF7A, s2;
	p2 =	seq.s32 @!p0 s5, $0x0  }
0x1f: {  	s9 =	smul.u32 $0xF7A, s1;
	s8 =	simm.s32 @!p0 $0x1BF5;
	p2 =	por !p2, p0  }
0x20: {  	[sflag:s8] =	ssyncset.s32 @!p0 $0xFFFFF086;
	s6 =	sadd.s32 @!p0 s3, s7;
	s7 =	simm.s32 @!p0 $0x108  }
0x21: {  	s3 =	sadd.s32 s3, s9;
	s6 =	sadd.s32 @!p0 $0x88, s6;
	s7 =	simm.s32 @p2 $0x1082  }
0x22: {  	[simem:s7], [sflag:s8] =	dma.local @!p0 [hbm:s6], $0xF7A  }
0x23: {  	s9 =	sor.u32 $0xD0000000, s2;
	s6 =	simm.s32 $0x108;
	_ =	swait.ge @!p0 [sflag:s8], $0x0  }
0x24: {  	s3 =	sadd.s32 $0x88, s3;
	s6 =	simm.s32 @!p1 $0x1082;
	[sflag:s4] =	ssyncset.s32 $0xFFFFF086  }
0x25: {  	[simem:s6], [sflag:s4] =	dma.local [hbm:s3], $0xF7A  }
0x26: {  	[smem:$0x3F94] =	sst s1;
	(tag) =	ssettag s2;
	_ =	strace s9  }
0x27: {  	s1 =	sld [smem:$0x3FA4]  }
0x28: {  	s2 =	sld [smem:$0x3FA5]  }
0x29: {  	s4 =	sld [smem:$0x3FA7]  }
0x2a: {  	p0 =	seq.s32 s5, $0x0;
	s5 =	sld [smem:$0x3FA8]  }
0x2b: {  	s6 =	sld [smem:$0x3FA9]  }
0x2c: {  	s7 =	sld [smem:$0x3FAA]  }
0x2d: {  	s3 =	simm.s32 $0x108;
	s8 =	sld [smem:$0x3FAB]  }
0x2e: {  	s3 =	simm.s32 @!p0 $0x1082;
	s9 =	sld [smem:$0x3FAC]  }
0x2f: {  	lr =	sadd.s32 s0, s3;
	s0 =	sld [smem:$0x3FA3]  }
0x30: {  	s3 =	sld [smem:$0x3FA6]  }
0x31: {  	[smem:$0x3FAF] =	sst s10  }
0x32: {  	s10 =	sld [smem:$0x3FAD];
	_ =	sdelay $0x3  }
0x33: {  	p0 =	seq.s32 s10, $0x1;
	s10 =	sld [smem:$0x3FAF];
	_ =	sdelay $0x3  }
0x34: {  	[smem:$0x3FAF] =	sst s10  }
0x35: {  	s10 =	sld [smem:$0x3FAE];
	_ =	sdelay $0x3  }
0x36: {  	p1 =	seq.s32 s10, $0x1;
	s10 =	sld [smem:$0x3FAF];
	_ =	sdelay $0x3  }
0x37: {  	[smem:$0x3FAF] =	sst s10  }
0x38: {  	s10 =	sld [smem:$0x3FB0]  }
0x39: {  	_ = 	snop;
	(pc) =	sbr.ind lr, $3  }
0x3a: {  	_ = 	snop  }
0x3b: {  	_ = 	snop  }
0x3c: {  	p2 =	seq.s32 s10, $0x1;
	s10 =	sld [smem:$0x3FAF]  }
0x3d: {  	_ =	shalt  }
0x3e: {  	_ =	shalt  }
0x3f: {  	_ =	shalt  }
0x40: {  	_ =	shalt  }
0x41: {  	_ =	shalt  }
0x42: {  	_ =	shalt  }
0x43: {  	_ =	shalt  }
0x44: {  	_ =	shalt  }
0x45: {  	_ =	shalt  }
0x46: {  	_ =	shalt  }
0x47: {  	_ =	shalt  }
0x48: {  	_ =	shalt  }
0x49: {  	_ =	shalt  }
0x4a: {  	_ =	shalt  }
0x4b: {  	_ =	shalt  }
0x4c: {  	_ =	shalt  }
0x4d: {  	_ =	shalt  }
0x4e: {  	_ =	shalt  }
0x4f: {  	_ =	shalt  }
0x50: {  	_ =	shalt  }
0x51: {  	_ =	shalt  }
0x52: {  	_ =	shalt  }
0x53: {  	_ =	shalt  }
0x54: {  	_ =	shalt  }
0x55: {  	_ =	shalt  }
0x56: {  	_ =	shalt  }
0x57: {  	_ =	shalt  }
0x58: {  	_ =	shalt  }
0x59: {  	_ =	shalt  }
0x5a: {  	_ =	shalt  }
0x5b: {  	_ =	shalt  }
0x5c: {  	_ =	shalt  }
0x5d: {  	_ =	shalt  }
0x5e: {  	_ =	shalt  }
0x5f: {  	_ =	shalt  }
0x60: {  	_ =	shalt  }
0x61: {  	_ =	shalt  }
0x62: {  	_ =	shalt  }
0x63: {  	_ =	shalt  }
0x64: {  	_ =	shalt  }
0x65: {  	_ =	shalt  }
0x66: {  	_ =	shalt  }
0x67: {  	_ =	shalt  }
0x68: {  	_ =	shalt  }
0x69: {  	_ =	shalt  }
0x6a: {  	_ =	shalt  }
0x6b: {  	_ =	shalt  }
0x6c: {  	_ =	shalt  }
0x6d: {  	_ =	shalt  }
0x6e: {  	_ =	shalt  }
0x6f: {  	_ =	shalt  }
0x70: {  	_ =	shalt  }
0x71: {  	_ =	shalt  }
0x72: {  	_ =	shalt  }
0x73: {  	_ =	shalt  }
0x74: {  	_ =	shalt  }
0x75: {  	_ =	shalt  }
0x76: {  	_ =	shalt  }
0x77: {  	_ =	shalt  }
0x78: {  	_ =	shalt  }
0x79: {  	_ =	shalt  }
0x7a: {  	_ =	shalt  }
0x7b: {  	_ =	shalt  }
0x7c: {  	_ =	shalt  }
0x7d: {  	_ =	shalt  }
0x7e: {  	_ =	shalt  }
0x7f: {  	_ =	shalt  }
0x80: {  	_ =	shalt  }
0x81: {  	_ =	shalt  }
0x82: {  	_ =	shalt  }
0x83: {  	_ =	shalt  }
0x84: {  	_ =	shalt  }
0x85: {  	_ =	shalt  }
0x86: {  	_ =	shalt  }
0x87: {  	_ =	shalt  }
.Lfunc_end0:
.L_simem_size_0:
called_computation.2_lowered:
.L_overlay_start_0:
0x88: {  	s2 =	sld [smem:$0x3FD9]  }
0x89: {  	s3 =	sld [smem:$0x3FFE];
	_ =	sdelay $0x1  }
0x8a: {  	s1 =	srdreg.scid  }
0x8b: {  	s0 =	sand.u32 $0x1, s1  }
0x8c: {  	s16 =	sshll.u32 s0, $0xA;
	s2 =	sadd.s32 s3, s2  }
0x8d: {  	s2 =	sadd.s32 s2, s16  }
0x8e: {  	[smem:$0x3FBB] =	sst s2  }
0x8f: {  	_ = 	snop  }
0x90: {  	(tm) =	ssettm $0x1  }
0x91: {  	s17 =	sld [smem:$0x3FFB];
	_ =	sdelay $0x3  }
0x92: {  	_ =	strace s17  }
0x93: {  	s2 =	sld [smem:$0x3FFC];
	_ =	sdelay $0x3  }
0x94: {  	_ =	strace s2  }
0x95: {  	s2 =	sld [smem:$0x3FFD];
	_ =	sdelay $0x3  }
0x96: {  	_ =	strace s2  }
0x97: {  	_ =	strace $0x8FFFFFFF  }
0x98: {  	s18 =	sld [smem:$0x3FDB];
	_ =	sdelay $0x1  }
0x99: {  	s19 =	simm.s32 $_scs_section_size  }
0x9a: {  	s4 =	simm.s32 $_size__tile_overlayer_lowered;
	s5 =	simm.s32 $_tile_overlayer_lowered  }
0x9b: {  	s22 =	simm.s32 $0x1BFF;
	s21 =	sshll.u32 s5, $0x1;
	s2 =	sadd.s32 s19, s18  }
0x9c: {  	s6 =	simm.s32 $0x0;
	s20 =	sshll.u32 s4, $0x1;
	s4 =	sadd.s32 s21, s2  }
0x9d: {  	[timem:s6], [sflag:s22] =	dma.local [hbm:s4], s20  }
0x9e: {  	_ =	swait.ge [sflag:s22], s20  }
0x9f: {  	s3 =	ssub.s32 $0x0, s20;
	[sflag:s22] =	ssyncset.done $0x0  }
0xa0: {  	[sflag:s22] =	ssyncadd.s32 s3;
	_ =	sdelay $0x1  }
0xa1: {  	s23 =	simm.s32 $0x1B8B  }
0xa2: {  	_ =	swait.ge [sflag:s23], $0x1  }
0xa3: {  	[sflag:s23] =	ssyncset.done $0x0  }
0xa4: {  	s25 =	simm.s32 $0x1B8E;
	s24 =	sld [smem:$0x3FFE];
	[sflag:s23] =	ssyncadd.s32 $0xFFFFFFFF  }
0xa5: {  	s26 =	simm.s32 $execute0_lowered;
	[smem:$0x3FD2] =	sst s25  }
0xa6: {  	s4 =	sshll.u32 s26, $0x1;
	_ =	strace $0x80000049;
	[dreg:$0x1] =	wrdreg $0xFFFFFFFF  }
0xa7: {  	s28 =	simm.s32 $_size_execute0_lowered;
	s2 =	sadd.s32 s2, s4;
	[dreg:$0x0] =	wrdreg $0x0  }
0xa8: {  	s4 =	sshll.u32 s28, $0x1;
	[dreg:$0x2] =	wrdreg s2  }
0xa9: {  	[dreg:$0x3] =	wrdreg s4  }
0xaa: {  	[dreg:$0x4] =	wrdreg $0xC0  }
0xab: {  	_ =	task [dreg:s6], $0x5FFFF  }
0xac: {  	[dreg:$0x1] =	wrdreg $0xFFFFFFFF  }
0xad: {  	[dreg:$0x0] =	wrdreg $0x60  }
0xae: {  	[dreg:$0x2] =	wrdreg s24  }
0xaf: {  	[dreg:$0x3] =	wrdreg $0x65000  }
0xb0: {  	[dreg:$0x4] =	wrdreg $0x1A5000  }
0xb1: {  	[dreg:$0x5] =	wrdreg $0xA  }
0xb2: {  	_ =	task.clear_ibuf [dreg:s6], $0x6FFFF;
	_ =	strace $0x90000049  }
0xb3: {  	s29 =	simm.s32 $0xA;
	_ =	strace $0x8000004B  }
0xb4: {  	_ =	swait.ge [sflag:s29], $0x1  }
0xb5: {  	[sflag:s29] =	ssyncadd.s32 $0xFFFFFFFF  }
0xb6: {  	_ =	strace $0x9000004B  }
0xb7: {  	_ =	sfence  }
0xb8: {  	s30 =	sld [smem:$0x0];
	_ =	sdelay $0x2  }
0xb9: {  	s31 =	sshll.u32 s1, $0xD;
	s1 =	sshrl.u32 s1, $0x2  }
0xba: {  	s3 =	sand.u32 $0x4000, s31;
	s1 =	sadd.s32 s1, s30  }
0xbb: {  	s0 =	sor.u32 s3, s0;
	s1 =	sshll.u32 s1, $0x11  }
0xbc: {  	s0 =	sor.u32 s1, s0  }
0xbd: {  	s0 =	sadd.s32 $0x8F2B, s0  }
0xbe: {  	[sflag:s0] =	ssyncadd.remote.s32 $0x1  }
0xbf: {  	_ =	sfence.sel $0xFFFF  }
0xc0: {  	[dreg:$0x0] =	wrdreg $0xFFFFFFFF;
	(pc) =	sbr.abs _section_cstart, $3  }
0xc1: {  	[dreg:$0x1] =	wrdreg $0xFFFFFFFF  }
0xc2: {  	_ =	task.clear_ibuf [dreg:s6], $0x2FFFF;
	_ =	strace $0x9FFFFFFF  }
0xc3: {  	(tm) =	ssettm $0x7FFFFFFF  }
tec
execute0_lowered:
.L_overlay_start_1:
0x0: {  	(tag) =	ssettag $0x1  }
0x1: {  	s25 =	stileid.u32  }
0x2: {  	s0 =	srdreg.scid;
	s1 =	smul.u32 $0x138800, s25  }
0x3: {  	s16 =	sand.u32 $0x1, s0;
	s15 =	smul.u32 $0x14000, s25  }
0x4: {  	s17 =	rddreg [dreg:$0x0];
	s0 =	smul.u32 $0x1388000, s16  }
0x5: {  	s19 =	sadd.s32 $0xCF4E00, s17;
	s2 =	ssub.s32 $0x2, s16;
	s20 =	smul.u32 $0x140000, s16  }
0x6: {  	s21 =	sshrl.u32 s2, $0x1;
	s3 =	sadd.s32 $0x5000, s15;
	s4 =	sadd.s32 $0x6400, s15  }
0x7: {  	s5 =	sadd.s32 $0x7800, s15;
	s6 =	sadd.s32 $0x8C00, s15;
	s7 =	sadd.s32 $0xA000, s15  }
0x8: {  	s8 =	sadd.s32 $0xB400, s15;
	s10 =	sadd.s32 $0xC800, s15;
	s11 =	sadd.s32 $0xDC00, s15  }
0x9: {  	s12 =	sadd.s32 $0xF000, s15;
	s13 =	sadd.s32 $0x10400, s15;
	s14 =	sadd.s32 $0x11800, s15  }
0xa: {  	s18 =	sadd.s32 s1, s0;
	s9 =	ssub.s32 s2, s21;
	s0 =	sor.u32 $0x1400, s15  }
0xb: {  	s1 =	sor.u32 $0x2800, s15;
	s2 =	sor.u32 $0x3C00, s15;
	s21 =	sadd.s32 s15, s20  }
0xc: {  	s15 =	sadd.s32 $0x12C00, s15;
	s21 =	sshrl.u32 s21, $0x3;
	s22 =	sadd.s32 s20, s0  }
0xd: {  	s23 =	sadd.s32 s20, s1;
	s26 =	sadd.s32 s20, s2;
	s18 =	sshrl.u32 s18, $0x3  }
0xe: {  	s21 =	sadd.s32 s19, s21;
	s22 =	sshrl.u32 s22, $0x3;
	s24 =	sshrl.u32 s23, $0x3  }
0xf: {  	s23 =	sadd.s32 s20, s3;
	[dreg:$0x4] =	wrdreg s21;
	s21 =	sadd.s32 s19, s22  }
0x10: {  	s22 =	sshrl.u32 s26, $0x3;
	s26 =	sadd.s32 s20, s4;
	[dreg:$0x5] =	wrdreg s21  }
0x11: {  	s21 =	sadd.s32 s19, s24;
	s24 =	sshrl.u32 s23, $0x3;
	s23 =	sadd.s32 s20, s5  }
0x12: {  	[dreg:$0x6] =	wrdreg s21;
	s21 =	sadd.s32 s19, s22;
	s22 =	sshrl.u32 s26, $0x3  }
0x13: {  	s26 =	sadd.s32 s20, s6;
	[dreg:$0x7] =	wrdreg s21;
	s21 =	sadd.s32 s19, s24  }
0x14: {  	s24 =	sshrl.u32 s23, $0x3;
	s23 =	sadd.s32 s20, s7;
	[dreg:$0x8] =	wrdreg s21  }
0x15: {  	s21 =	sadd.s32 s19, s22;
	s22 =	sshrl.u32 s26, $0x3;
	s26 =	sadd.s32 s20, s8  }
0x16: {  	[dreg:$0x9] =	wrdreg s21;
	s21 =	sadd.s32 s19, s24;
	s24 =	sshrl.u32 s23, $0x3  }
0x17: {  	s23 =	sadd.s32 s20, s10;
	[dreg:$0xa] =	wrdreg s21;
	s21 =	sadd.s32 s19, s22  }
0x18: {  	s22 =	sshrl.u32 s26, $0x3;
	s26 =	sadd.s32 s20, s11;
	[dreg:$0xb] =	wrdreg s21  }
0x19: {  	s21 =	sadd.s32 s19, s24;
	s24 =	sshrl.u32 s23, $0x3;
	s23 =	sadd.s32 s20, s12  }
0x1a: {  	[dreg:$0xc] =	wrdreg s21;
	s21 =	sadd.s32 s19, s22;
	s22 =	sshrl.u32 s26, $0x3  }
0x1b: {  	s26 =	sadd.s32 s20, s13;
	[dreg:$0xd] =	wrdreg s21;
	s21 =	sadd.s32 s19, s24  }
0x1c: {  	s24 =	sshrl.u32 s23, $0x3;
	[dreg:$0xe] =	wrdreg s21;
	s21 =	sadd.s32 s19, s22  }
0x1d: {  	s22 =	smul.u32 $0x28000, s16;
	s16 =	simm.s32 $0x0;
	[dreg:$0xf] =	wrdreg s21  }
0x1e: {  	s23 =	sshrl.u32 s26, $0x3;
	s21 =	sadd.s32 s19, s24;
	[smem:$0x7FF] =	sst s16  }
0x1f: {  	s24 =	sadd.s32 s20, s14;
	[dreg:$0x10] =	wrdreg s21;
	s21 =	sadd.s32 s19, s23  }
0x20: {  	s26 =	sshrl.u32 s24, $0x3;
	s23 =	sadd.s32 s20, s15;
	s24 =	smul.u32 $0x4E2, s25  }
0x21: {  	[dreg:$0x11] =	wrdreg s21;
	s21 =	sadd.s32 s19, s26;
	s26 =	sshrl.u32 s23, $0x3  }
0x22: {  	s23 =	smul.u32 $0x2800, s25;
	[dreg:$0x12] =	wrdreg s21;
	s19 =	sadd.s32 s19, s26  }
0x23: {  	s20 =	sadd.s32 s24, s17;
	s24 =	sadd.s32 s18, s17;
	s18 =	rddreg [dreg:$0x1]  }
0x24: {  	s17 =	sadd.s32 $0xFE00, s17;
	[dreg:$0x13] =	wrdreg s19  }
0x25: {  	s19 =	sadd.s32 s23, s22;
	s23 =	sadd.s32 $0x1400, s23;
	s29 =	sadd.s32 s0, s18  }
0x26: {  	s30 =	sadd.s32 s1, s18;
	s21 =	sshrl.u32 s19, $0x3;
	s26 =	sadd.s32 s22, s23  }
0x27: {  	s19 =	sadd.s32 s17, s21;
	s26 =	sshrl.u32 s26, $0x3;
	s21 =	rddreg [dreg:$0x2]  }
0x28: {  	s31 =	sadd.s32 s2, s18;
	[dreg:$0x14] =	wrdreg s19;
	s17 =	sadd.s32 s17, s26  }
0x29: {  	s3 =	sadd.s32 s3, s18;
	s4 =	sadd.s32 s4, s18;
	[dreg:$0x15] =	wrdreg s17  }
0x2a: {  	s5 =	sadd.s32 s5, s18;
	_ =	strace $0x8000004A;
	[dreg:$0x16] =	wrdreg s3  }
0x2b: {  	s6 =	sadd.s32 s6, s18;
	s22 =	smul.u32 $0x50000, s25;
	[dreg:$0x17] =	wrdreg s4  }
0x2c: {  	s7 =	sadd.s32 s7, s18;
	s8 =	sadd.s32 s8, s18;
	[dreg:$0x18] =	wrdreg s5  }
0x2d: {  	s26 =	sshrl.u32 s22, $0x2;
	s19 =	sadd.s32 s10, s18;
	[dreg:$0x19] =	wrdreg s6  }
0x2e: {  	s22 =	sadd.s32 s11, s18;
	s10 =	sadd.s32 $0x16B8E00, s24;
	[dreg:$0x1a] =	wrdreg s7  }
0x2f: {  	s11 =	sadd.s32 $0x11D6E00, s24;
	s28 =	sadd.s32 s26, s18;
	[dreg:$0x1b] =	wrdreg s8  }
0x30: {  	s17 =	smul.u32 $0xA000, s25;
	s26 =	smax.u32 s9, $0x1;
	[dreg:$0x1c] =	wrdreg s19  }
0x31: {  	s9 =	simm.s32 $0x50;
	[dreg:$0x1d] =	wrdreg s22;
	s3 =	sadd.s32 s12, s18  }
0x32: {  	s4 =	sadd.s32 s13, s18;
	s5 =	sadd.s32 s14, s18;
	s6 =	sadd.s32 s15, s18  }
0x33: {  	s8 =	sadd.s32 s23, s21;
	[dreg:$0x1e] =	wrdreg s26;
	s12 =	sadd.s32 $0xAE00, s20  }
0x34: {  	s13 =	sadd.s32 $0x5E00, s20;
	s14 =	simm.s32 $0x5100;
	s15 =	simm.s32 $0x1  }
0x35: {  	s20 =	simm.s32 $0x100;
	s22 =	simm.s32 $0x2900;
	s25 =	sshrl.u32 s17, $0x2  }
0x36: {  	v0 =	vimm.f32 $0.0e+00;
	s23 =	simm.s32 $0x0;
	s17 =	simm.s32 $0x80;
	s7 =	sadd.s32 s25, s21  }
.LBB2_1:
0x37: {  	s24 =	simm.s32 $0x0;
	s25 =	simm.s32 $0x200  }
.LBB2_2:
0x38: {  	p0 =	sne.s32 s25, $0x4E00;
	[tilespmem:s24+$0x5170] =	vst v0  }
0x39: {  	[tilespmem:s24+$0x5100] =	vst v0  }
0x3a: {  	[tilespmem:s24+$0x5110] =	vst v0  }
.Ltmp0:
0x3b: {  	[tilespmem:s24+$0x5120] =	vst v0;
	(pc) =	sbr.rel @p0 .LBB2_2-.Ltmp0, $4  }
0x3c: {  	[tilespmem:s24+$0x5130] =	vst v0  }
0x3d: {  	[tilespmem:s24+$0x5140] =	vst v0  }
0x3e: {  	[tilespmem:s24+$0x5150] =	vst v0  }
0x3f: {  	[tilespmem:s24+$0x5160] =	vst v0;
	s24 =	sshra.s32 s25, $0x2;
	s25 =	sadd.s32 $0x200, s25  }
0x40: {  	[tilespmem:s24+$0x5170] =	vst v0  }
0x41: {  	[tilespmem:s24+$0x5100] =	vst v0  }
0x42: {  	[tilespmem:s24+$0x5110] =	vst v0  }
0x43: {  	[tilespmem:s24+$0x5120] =	vst v0  }
0x44: {  	[tilespmem:s24+$0x5130] =	vst v0  }
0x45: {  	[tilespmem:s24+$0x5140] =	vst v0  }
0x46: {  	[tilespmem:s24+$0x5150] =	vst v0  }
0x47: {  	[tilespmem:s24+$0x5160] =	vst v0  }
0x48: {  	[spmem:s28] =	stream.linear.scatter [tilespmem:s14], [sflag:$0x1], $0x1400, $0x38;
	[tilespmem:$0x1CD00] =	vst v63  }
0x49: {  	_ =	swait.ge [sflag:s15], $0x1400  }
0x4a: {  	[sflag:s15] =	ssyncset.done $0x0  }
0x4b: {  	[sflag:s15] =	ssyncadd.s32 $0xFFFFEC00  }
0x4c: {  	[spmem:s29] =	stream.linear.scatter [tilespmem:s14], [sflag:$0x1], $0x1400, $0x38;
	[tilespmem:$0x1CD00] =	vst v63  }
0x4d: {  	_ =	swait.ge [sflag:s15], $0x1400  }
0x4e: {  	[sflag:s15] =	ssyncset.done $0x0  }
0x4f: {  	[sflag:s15] =	ssyncadd.s32 $0xFFFFEC00  }
0x50: {  	[spmem:s30] =	stream.linear.scatter [tilespmem:s14], [sflag:$0x1], $0x1400, $0x38;
	[tilespmem:$0x1CD00] =	vst v63  }
0x51: {  	_ =	swait.ge [sflag:s15], $0x1400  }
0x52: {  	[sflag:s15] =	ssyncset.done $0x0  }
0x53: {  	[sflag:s15] =	ssyncadd.s32 $0xFFFFEC00  }
0x54: {  	[spmem:s31] =	stream.linear.scatter [tilespmem:s14], [sflag:$0x1], $0x1400, $0x38;
	[tilespmem:$0x1CD00] =	vst v63  }
0x55: {  	_ =	swait.ge [sflag:s15], $0x1400  }
0x56: {  	[sflag:s15] =	ssyncset.done $0x0  }
0x57: {  	s25 =	rddreg [dreg:$0x16];
	[sflag:s15] =	ssyncadd.s32 $0xFFFFEC00  }
0x58: {  	[spmem:s25] =	stream.linear.scatter [tilespmem:s14], [sflag:$0x1], $0x1400, $0x38;
	[tilespmem:$0x1CD00] =	vst v63  }
0x59: {  	_ =	swait.ge [sflag:s15], $0x1400  }
0x5a: {  	[sflag:s15] =	ssyncset.done $0x0  }
0x5b: {  	s26 =	rddreg [dreg:$0x17];
	[sflag:s15] =	ssyncadd.s32 $0xFFFFEC00  }
0x5c: {  	[spmem:s26] =	stream.linear.scatter [tilespmem:s14], [sflag:$0x1], $0x1400, $0x38;
	[tilespmem:$0x1CD00] =	vst v63  }
0x5d: {  	_ =	swait.ge [sflag:s15], $0x1400  }
0x5e: {  	[sflag:s15] =	ssyncset.done $0x0  }
0x5f: {  	s0 =	smov.u32 s29;
	s29 =	rddreg [dreg:$0x18];
	[sflag:s15] =	ssyncadd.s32 $0xFFFFEC00  }
0x60: {  	[spmem:s29] =	stream.linear.scatter [tilespmem:s14], [sflag:$0x1], $0x1400, $0x38;
	[tilespmem:$0x1CD00] =	vst v63  }
0x61: {  	_ =	swait.ge [sflag:s15], $0x1400  }
0x62: {  	[sflag:s15] =	ssyncset.done $0x0  }
0x63: {  	s1 =	smov.u32 s30;
	s30 =	rddreg [dreg:$0x19];
	[sflag:s15] =	ssyncadd.s32 $0xFFFFEC00  }
0x64: {  	[spmem:s30] =	stream.linear.scatter [tilespmem:s14], [sflag:$0x1], $0x1400, $0x38;
	[tilespmem:$0x1CD00] =	vst v63  }
0x65: {  	_ =	swait.ge [sflag:s15], $0x1400  }
0x66: {  	[sflag:s15] =	ssyncset.done $0x0  }
0x67: {  	s2 =	smov.u32 s31;
	s31 =	rddreg [dreg:$0x1a];
	[sflag:s15] =	ssyncadd.s32 $0xFFFFEC00  }
0x68: {  	[spmem:s31] =	stream.linear.scatter [tilespmem:s14], [sflag:$0x1], $0x1400, $0x38;
	[tilespmem:$0x1CD00] =	vst v63  }
0x69: {  	_ =	swait.ge [sflag:s15], $0x1400  }
0x6a: {  	[sflag:s15] =	ssyncset.done $0x0  }
0x6b: {  	s25 =	rddreg [dreg:$0x1b];
	[sflag:s15] =	ssyncadd.s32 $0xFFFFEC00  }
0x6c: {  	[spmem:s25] =	stream.linear.scatter [tilespmem:s14], [sflag:$0x1], $0x1400, $0x38;
	[tilespmem:$0x1CD00] =	vst v63  }
0x6d: {  	_ =	swait.ge [sflag:s15], $0x1400  }
0x6e: {  	[sflag:s15] =	ssyncset.done $0x0  }
0x6f: {  	s26 =	rddreg [dreg:$0x1c];
	[sflag:s15] =	ssyncadd.s32 $0xFFFFEC00  }
0x70: {  	[spmem:s26] =	stream.linear.scatter [tilespmem:s14], [sflag:$0x1], $0x1400, $0x38;
	[tilespmem:$0x1CD00] =	vst v63  }
0x71: {  	_ =	swait.ge [sflag:s15], $0x1400  }
0x72: {  	[sflag:s15] =	ssyncset.done $0x0  }
0x73: {  	s29 =	rddreg [dreg:$0x1d];
	[sflag:s15] =	ssyncadd.s32 $0xFFFFEC00  }
0x74: {  	[spmem:s29] =	stream.linear.scatter [tilespmem:s14], [sflag:$0x1], $0x1400, $0x38;
	[tilespmem:$0x1CD00] =	vst v63  }
0x75: {  	_ =	swait.ge [sflag:s15], $0x1400  }
0x76: {  	[sflag:s15] =	ssyncset.done $0x0  }
0x77: {  	[sflag:s15] =	ssyncadd.s32 $0xFFFFEC00  }
0x78: {  	[spmem:s3] =	stream.linear.scatter [tilespmem:s14], [sflag:$0x1], $0x1400, $0x38;
	[tilespmem:$0x1CD00] =	vst v63  }
0x79: {  	_ =	swait.ge [sflag:s15], $0x1400  }
0x7a: {  	[sflag:s15] =	ssyncset.done $0x0  }
0x7b: {  	[sflag:s15] =	ssyncadd.s32 $0xFFFFEC00  }
0x7c: {  	[spmem:s4] =	stream.linear.scatter [tilespmem:s14], [sflag:$0x1], $0x1400, $0x38;
	[tilespmem:$0x1CD00] =	vst v63  }
0x7d: {  	_ =	swait.ge [sflag:s15], $0x1400  }
0x7e: {  	[sflag:s15] =	ssyncset.done $0x0  }
0x7f: {  	[sflag:s15] =	ssyncadd.s32 $0xFFFFEC00  }
0x80: {  	[spmem:s5] =	stream.linear.scatter [tilespmem:s14], [sflag:$0x1], $0x1400, $0x38;
	[tilespmem:$0x1CD00] =	vst v63  }
0x81: {  	_ =	swait.ge [sflag:s15], $0x1400  }
0x82: {  	[sflag:s15] =	ssyncset.done $0x0  }
0x83: {  	[sflag:s15] =	ssyncadd.s32 $0xFFFFEC00  }
0x84: {  	[spmem:s6] =	stream.linear.scatter [tilespmem:s14], [sflag:$0x1], $0x1400, $0x38;
	[tilespmem:$0x1CD00] =	vst v63  }
0x85: {  	_ =	swait.ge [sflag:s15], $0x1400  }
0x86: {  	[sflag:s15] =	ssyncset.done $0x0  }
0x87: {  	[sflag:s15] =	ssyncadd.s32 $0xFFFFEC00  }
0x88: {  	[spmem:s7] =	stream.linear.scatter [tilespmem:s14], [sflag:$0x1], $0x1400, $0x38;
	[tilespmem:$0x1CD00] =	vst v63  }
0x89: {  	_ =	swait.ge [sflag:s15], $0x1400  }
0x8a: {  	[sflag:s15] =	ssyncset.done $0x0  }
0x8b: {  	[sflag:s15] =	ssyncadd.s32 $0xFFFFEC00  }
0x8c: {  	[spmem:s8] =	stream.linear.scatter [tilespmem:s14], [sflag:$0x1], $0x1400, $0x38;
	[tilespmem:$0x1CD00] =	vst v63  }
0x8d: {  	_ =	swait.ge [sflag:s15], $0x1400  }
0x8e: {  	[sflag:s15] =	ssyncset.done $0x0  }
0x8f: {  	[sflag:s15] =	ssyncadd.s32 $0xFFFFEC00  }
0x90: {  	s30 =	sadd.s32 $0x0, s13;
	[bflag:$0x0] =	sbarrier.arrive $0xFFFF  }
0x91: {  	[tilespmem:s16], [sflag:$0x1] =	stream.linear.gather [hbm4b:s30+s16], $0x50, $0x38;
	[tilespmem:$0x1CD00] =	vst v63  }
0x92: {  	_ =	swait.ge [sflag:s15], $0x50  }
0x93: {  	[sflag:s15] =	ssyncset.done $0x0  }
0x94: {  	s31 =	sadd.s32 $0x0, s12;
	[sflag:s15] =	ssyncadd.s32 $0xFFFFFFB0  }
0x95: {  	[tilespmem:s17], [sflag:$0x1] =	stream.linear.gather [hbm4b:s31+s16], $0x50, $0x38;
	[tilespmem:$0x1CD00] =	vst v63  }
0x96: {  	_ =	swait.ge [sflag:s15], $0x50  }
0x97: {  	[sflag:s15] =	ssyncset.done $0x0  }
0x98: {  	[sflag:s15] =	ssyncadd.s32 $0xFFFFFFB0  }
0x99: {  	[tilespmem:s20], [sflag:$0x1] =	stream.linear.gather [hbm4b:s11+s16], $0x2800, $0x38;
	[tilespmem:$0x1CD00] =	vst v63  }
0x9a: {  	_ =	swait.ge [sflag:s15], $0x2800  }
0x9b: {  	[sflag:s15] =	ssyncset.done $0x0  }
0x9c: {  	[sflag:s15] =	ssyncadd.s32 $0xFFFFD800  }
0x9d: {  	[tilespmem:s22], [sflag:$0x1] =	stream.linear.gather [hbm4b:s10+s16], $0x2800, $0x38;
	[tilespmem:$0x1CD00] =	vst v63  }
0x9e: {  	_ =	swait.ge [sflag:s15], $0x2800  }
0x9f: {  	[sflag:s15] =	ssyncset.done $0x0  }
0xa0: {  	[sflag:s15] =	ssyncadd.s32 $0xFFFFD800  }
0xa1: {  	[spmem:s18] =	stream.indirect.scatter.add.f32 [tilespmem:s20], [sflag:$0x1], $0x80, s16, s9, $0xb8;
	[tilespmem:$0x1CD00] =	vst v63  }
0xa2: {  	_ =	swait.ge [sflag:s15], $0x2800  }
0xa3: {  	[sflag:s15] =	ssyncset.done $0x0  }
0xa4: {  	s19 =	smov.u32 s28;
	[sflag:s15] =	ssyncadd.s32 $0xFFFFD800  }
0xa5: {  	[spmem:s21] =	stream.indirect.scatter.add.f32 [tilespmem:s22], [sflag:$0x1], $0x80, s17, s9, $0xb8;
	[tilespmem:$0x1CD00] =	vst v63  }
0xa6: {  	s24 =	sadd.s32 $0x500, s10;
	s28 =	simm.s32 $0x14;
	_ =	swait.ge [sflag:s15], $0x2800  }
0xa7: {  	s25 =	sadd.s32 $0x500, s11;
	s26 =	simm.s32 $0xA;
	[sflag:s15] =	ssyncset.done $0x0  }
.LBB2_4:
0xa8: {  	s29 =	sadd.s32 s26, s13  }
0xa9: {  	[sflag:s15] =	ssyncadd.s32 $0xFFFFD800;
	s30 =	smov.u32 s28;
	s31 =	sadd.s32 $0xA, s28  }
0xaa: {  	[tilespmem:s16], [sflag:$0x1] =	stream.linear.gather [hbm4b:s29+s16], $0x50, $0x38;
	[tilespmem:$0x1CD00] =	vst v63  }
0xab: {  	p0 =	sne.s32 s28, $0x4D8;
	_ =	swait.ge [sflag:s15], $0x50  }
0xac: {  	[sflag:s15] =	ssyncset.done $0x0  }
0xad: {  	s28 =	sadd.s32 s26, s12;
	s26 =	smov.u32 s30;
	[sflag:s15] =	ssyncadd.s32 $0xFFFFFFB0  }
0xae: {  	[tilespmem:s17], [sflag:$0x1] =	stream.linear.gather [hbm4b:s28+s16], $0x50, $0x38;
	[tilespmem:$0x1CD00] =	vst v63  }
0xaf: {  	_ =	swait.ge [sflag:s15], $0x50  }
0xb0: {  	[sflag:s15] =	ssyncset.done $0x0  }
0xb1: {  	[sflag:s15] =	ssyncadd.s32 $0xFFFFFFB0  }
0xb2: {  	[tilespmem:s20], [sflag:$0x1] =	stream.linear.gather [hbm4b:s25+s16], $0x2800, $0x38;
	[tilespmem:$0x1CD00] =	vst v63  }
0xb3: {  	_ =	swait.ge [sflag:s15], $0x2800  }
0xb4: {  	[sflag:s15] =	ssyncset.done $0x0  }
0xb5: {  	[sflag:s15] =	ssyncadd.s32 $0xFFFFD800  }
0xb6: {  	[tilespmem:s22], [sflag:$0x1] =	stream.linear.gather [hbm4b:s24+s16], $0x2800, $0x38;
	[tilespmem:$0x1CD00] =	vst v63  }
0xb7: {  	_ =	swait.ge [sflag:s15], $0x2800  }
0xb8: {  	[sflag:s15] =	ssyncset.done $0x0  }
0xb9: {  	[sflag:s15] =	ssyncadd.s32 $0xFFFFD800  }
0xba: {  	[spmem:s18] =	stream.indirect.scatter.add.f32 [tilespmem:s20], [sflag:$0x1], $0x80, s16, s9, $0xb8;
	[tilespmem:$0x1CD00] =	vst v63  }
0xbb: {  	_ =	swait.ge [sflag:s15], $0x2800  }
.Ltmp1:
0xbc: {  	[sflag:s15] =	ssyncset.done $0x0;
	(pc) =	sbr.rel @p0 .LBB2_4-.Ltmp1, $4  }
0xbd: {  	[sflag:s15] =	ssyncadd.s32 $0xFFFFD800  }
0xbe: {  	[spmem:s21] =	stream.indirect.scatter.add.f32 [tilespmem:s22], [sflag:$0x1], $0x80, s17, s9, $0xb8;
	[tilespmem:$0x1CD00] =	vst v63  }
0xbf: {  	s28 =	smov.u32 s31;
	_ =	swait.ge [sflag:s15], $0x2800  }
0xc0: {  	s25 =	sadd.s32 $0x500, s25;
	s24 =	sadd.s32 $0x500, s24;
	[sflag:s15] =	ssyncset.done $0x0  }
0xc1: {  	s28 =	sadd.s32 s26, s13;
	[sflag:s15] =	ssyncadd.s32 $0xFFFFD800  }
0xc2: {  	[tilespmem:s16], [sflag:$0x1] =	stream.linear.gather [hbm4b:s28+s16], $0x50, $0x38;
	[tilespmem:$0x1CD00] =	vst v63  }
0xc3: {  	_ =	swait.ge [sflag:s15], $0x50  }
0xc4: {  	[sflag:s15] =	ssyncset.done $0x0  }
0xc5: {  	s26 =	sadd.s32 s26, s12;
	[sflag:s15] =	ssyncadd.s32 $0xFFFFFFB0  }
0xc6: {  	[tilespmem:s17], [sflag:$0x1] =	stream.linear.gather [hbm4b:s26+s16], $0x50, $0x38;
	[tilespmem:$0x1CD00] =	vst v63  }
0xc7: {  	_ =	swait.ge [sflag:s15], $0x50  }
0xc8: {  	[sflag:s15] =	ssyncset.done $0x0  }
0xc9: {  	[sflag:s15] =	ssyncadd.s32 $0xFFFFFFB0  }
0xca: {  	[tilespmem:s20], [sflag:$0x1] =	stream.linear.gather [hbm4b:s25+s16], $0x2800, $0x38;
	[tilespmem:$0x1CD00] =	vst v63  }
0xcb: {  	_ =	swait.ge [sflag:s15], $0x2800  }
0xcc: {  	[sflag:s15] =	ssyncset.done $0x0  }
0xcd: {  	[sflag:s15] =	ssyncadd.s32 $0xFFFFD800  }
0xce: {  	[tilespmem:s22], [sflag:$0x1] =	stream.linear.gather [hbm4b:s24+s16], $0x2800, $0x38;
	[tilespmem:$0x1CD00] =	vst v63  }
0xcf: {  	_ =	swait.ge [sflag:s15], $0x2800  }
0xd0: {  	[sflag:s15] =	ssyncset.done $0x0  }
0xd1: {  	[sflag:s15] =	ssyncadd.s32 $0xFFFFD800  }
0xd2: {  	[spmem:s18] =	stream.indirect.scatter.add.f32 [tilespmem:s20], [sflag:$0x1], $0x80, s16, s9, $0xb8;
	[tilespmem:$0x1CD00] =	vst v63  }
0xd3: {  	_ =	swait.ge [sflag:s15], $0x2800  }
0xd4: {  	[sflag:s15] =	ssyncset.done $0x0  }
0xd5: {  	[sflag:s15] =	ssyncadd.s32 $0xFFFFD800  }
0xd6: {  	[spmem:s21] =	stream.indirect.scatter.add.f32 [tilespmem:s22], [sflag:$0x1], $0x80, s17, s9, $0xb8;
	[tilespmem:$0x1CD00] =	vst v63  }
0xd7: {  	_ =	swait.ge [sflag:s15], $0x2800  }
0xd8: {  	[sflag:s15] =	ssyncset.done $0x0  }
0xd9: {  	s25 =	stileid.u32;
	[sflag:s15] =	ssyncadd.s32 $0xFFFFD800  }
0xda: {  	s28 =	smov.u32 s19;
	s24 =	sshll.u32 s25, $0x6;
	[bflag:$0x0] =	sbarrier.arrive $0xFFFF  }
0xdb: {  	s26 =	sshrl.u32 s19, $0x3;
	s24 =	sor.u32 $0x1C01, s24;
	s19 =	rddreg [dreg:$0x4]  }
0xdc: {  	[hbm:s19], [sflag:s24] =	dma.local [spmem:s26], $0x280  }
0xdd: {  	_ =	swait.ge [sflag:s15], $0x280  }
0xde: {  	s29 =	smov.u32 s0;
	[sflag:s15] =	ssyncset.done $0x0  }
0xdf: {  	s0 =	sshrl.u32 s0, $0x3;
	s19 =	rddreg [dreg:$0x5];
	[sflag:s15] =	ssyncadd.s32 $0xFFFFFD80  }
0xe0: {  	[hbm:s19], [sflag:s24] =	dma.local [spmem:s0], $0x280  }
0xe1: {  	_ =	swait.ge [sflag:s15], $0x280  }
0xe2: {  	s30 =	smov.u32 s1;
	[sflag:s15] =	ssyncset.done $0x0  }
0xe3: {  	s0 =	sshrl.u32 s1, $0x3;
	s1 =	rddreg [dreg:$0x6];
	[sflag:s15] =	ssyncadd.s32 $0xFFFFFD80  }
0xe4: {  	[hbm:s1], [sflag:s24] =	dma.local [spmem:s0], $0x280  }
0xe5: {  	_ =	swait.ge [sflag:s15], $0x280  }
0xe6: {  	s31 =	smov.u32 s2;
	[sflag:s15] =	ssyncset.done $0x0  }
0xe7: {  	s2 =	sshrl.u32 s2, $0x3;
	s19 =	rddreg [dreg:$0x7];
	[sflag:s15] =	ssyncadd.s32 $0xFFFFFD80  }
0xe8: {  	[hbm:s19], [sflag:s24] =	dma.local [spmem:s2], $0x280  }
0xe9: {  	_ =	swait.ge [sflag:s15], $0x280  }
0xea: {  	[sflag:s15] =	ssyncset.done $0x0;
	s25 =	rddreg [dreg:$0x16]  }
0xeb: {  	s0 =	rddreg [dreg:$0x8];
	[sflag:s15] =	ssyncadd.s32 $0xFFFFFD80;
	s26 =	sshrl.u32 s25, $0x3  }
0xec: {  	[hbm:s0], [sflag:s24] =	dma.local [spmem:s26], $0x280  }
0xed: {  	_ =	swait.ge [sflag:s15], $0x280  }
0xee: {  	[sflag:s15] =	ssyncset.done $0x0;
	s1 =	rddreg [dreg:$0x17]  }
0xef: {  	s19 =	rddreg [dreg:$0x9];
	[sflag:s15] =	ssyncadd.s32 $0xFFFFFD80;
	s2 =	sshrl.u32 s1, $0x3  }
0xf0: {  	[hbm:s19], [sflag:s24] =	dma.local [spmem:s2], $0x280  }
0xf1: {  	_ =	swait.ge [sflag:s15], $0x280  }
0xf2: {  	[sflag:s15] =	ssyncset.done $0x0;
	s25 =	rddreg [dreg:$0x18]  }
0xf3: {  	s0 =	rddreg [dreg:$0xa];
	[sflag:s15] =	ssyncadd.s32 $0xFFFFFD80;
	s26 =	sshrl.u32 s25, $0x3  }
0xf4: {  	[hbm:s0], [sflag:s24] =	dma.local [spmem:s26], $0x280  }
0xf5: {  	_ =	swait.ge [sflag:s15], $0x280  }
0xf6: {  	[sflag:s15] =	ssyncset.done $0x0;
	s1 =	rddreg [dreg:$0x19]  }
0xf7: {  	s19 =	rddreg [dreg:$0xb];
	[sflag:s15] =	ssyncadd.s32 $0xFFFFFD80;
	s2 =	sshrl.u32 s1, $0x3  }
0xf8: {  	[hbm:s19], [sflag:s24] =	dma.local [spmem:s2], $0x280  }
0xf9: {  	_ =	swait.ge [sflag:s15], $0x280  }
0xfa: {  	[sflag:s15] =	ssyncset.done $0x0;
	s25 =	rddreg [dreg:$0x1a]  }
0xfb: {  	s0 =	rddreg [dreg:$0xc];
	[sflag:s15] =	ssyncadd.s32 $0xFFFFFD80;
	s26 =	sshrl.u32 s25, $0x3  }
0xfc: {  	[hbm:s0], [sflag:s24] =	dma.local [spmem:s26], $0x280  }
0xfd: {  	_ =	swait.ge [sflag:s15], $0x280  }
0xfe: {  	[sflag:s15] =	ssyncset.done $0x0;
	s1 =	rddreg [dreg:$0x1b]  }
0xff: {  	s19 =	rddreg [dreg:$0xd];
	[sflag:s15] =	ssyncadd.s32 $0xFFFFFD80;
	s2 =	sshrl.u32 s1, $0x3  }
0x100: {  	[hbm:s19], [sflag:s24] =	dma.local [spmem:s2], $0x280  }
0x101: {  	_ =	swait.ge [sflag:s15], $0x280  }
0x102: {  	[sflag:s15] =	ssyncset.done $0x0;
	s25 =	rddreg [dreg:$0x1c]  }
0x103: {  	s0 =	rddreg [dreg:$0xe];
	[sflag:s15] =	ssyncadd.s32 $0xFFFFFD80;
	s26 =	sshrl.u32 s25, $0x3  }
0x104: {  	[hbm:s0], [sflag:s24] =	dma.local [spmem:s26], $0x280  }
0x105: {  	_ =	swait.ge [sflag:s15], $0x280  }
0x106: {  	[sflag:s15] =	ssyncset.done $0x0;
	s1 =	rddreg [dreg:$0x1d]  }
0x107: {  	s19 =	rddreg [dreg:$0xf];
	[sflag:s15] =	ssyncadd.s32 $0xFFFFFD80;
	s2 =	sshrl.u32 s1, $0x3  }
0x108: {  	[hbm:s19], [sflag:s24] =	dma.local [spmem:s2], $0x280  }
0x109: {  	_ =	swait.ge [sflag:s15], $0x280  }
0x10a: {  	[sflag:s15] =	ssyncset.done $0x0  }
0x10b: {  	s0 =	sshrl.u32 s3, $0x3;
	s1 =	rddreg [dreg:$0x10];
	[sflag:s15] =	ssyncadd.s32 $0xFFFFFD80  }
0x10c: {  	[hbm:s1], [sflag:s24] =	dma.local [spmem:s0], $0x280  }
0x10d: {  	_ =	swait.ge [sflag:s15], $0x280  }
0x10e: {  	[sflag:s15] =	ssyncset.done $0x0  }
0x10f: {  	s2 =	sshrl.u32 s4, $0x3;
	s19 =	rddreg [dreg:$0x11];
	[sflag:s15] =	ssyncadd.s32 $0xFFFFFD80  }
0x110: {  	[hbm:s19], [sflag:s24] =	dma.local [spmem:s2], $0x280  }
0x111: {  	_ =	swait.ge [sflag:s15], $0x280  }
0x112: {  	[sflag:s15] =	ssyncset.done $0x0  }
0x113: {  	s0 =	sshrl.u32 s5, $0x3;
	s1 =	rddreg [dreg:$0x12];
	[sflag:s15] =	ssyncadd.s32 $0xFFFFFD80  }
0x114: {  	[hbm:s1], [sflag:s24] =	dma.local [spmem:s0], $0x280  }
0x115: {  	_ =	swait.ge [sflag:s15], $0x280  }
0x116: {  	[sflag:s15] =	ssyncset.done $0x0  }
0x117: {  	s2 =	sshrl.u32 s6, $0x3;
	s19 =	rddreg [dreg:$0x13];
	[sflag:s15] =	ssyncadd.s32 $0xFFFFFD80  }
0x118: {  	[hbm:s19], [sflag:s24] =	dma.local [spmem:s2], $0x280  }
0x119: {  	_ =	swait.ge [sflag:s15], $0x280  }
0x11a: {  	[sflag:s15] =	ssyncset.done $0x0  }
0x11b: {  	s0 =	sshrl.u32 s7, $0x3;
	s1 =	rddreg [dreg:$0x14];
	[sflag:s15] =	ssyncadd.s32 $0xFFFFFD80  }
0x11c: {  	[hbm:s1], [sflag:s24] =	dma.local [spmem:s0], $0x280  }
0x11d: {  	_ =	swait.ge [sflag:s15], $0x280  }
0x11e: {  	[sflag:s15] =	ssyncset.done $0x0  }
0x11f: {  	s2 =	sshrl.u32 s8, $0x3;
	s19 =	rddreg [dreg:$0x15];
	[sflag:s15] =	ssyncadd.s32 $0xFFFFFD80  }
0x120: {  	[hbm:s19], [sflag:s24] =	dma.local [spmem:s2], $0x280  }
0x121: {  	_ =	swait.ge [sflag:s15], $0x280  }
0x122: {  	s23 =	sadd.s32 $0x1, s23;
	s26 =	rddreg [dreg:$0x1e]  }
0x123: {  	p0 =	sne.s32 s23, s26  }
.Ltmp2:
0x124: {  	_ = 	snop;
	(pc) =	sbr.rel @p0 .LBB2_1-.Ltmp2, $3  }
0x125: {  	_ =	sdelay $0x1  }
0x126: {  	[sflag:s15] =	ssyncset.done $0x0  }
0x127: {  	[sflag:s15] =	ssyncadd.s32 $0xFFFFFD80  }
0x128: {  	_ =	sfence.sel $0x180000  }
0x129: {  	[bflag:$0x0] =	sbarrier.arrive $0xFFFF  }
0x12a: {  	_ =	strace $0x9000004A  }
0x12b: {  	s0 =	stileid.u32;
	[bflag:$0x2] =	sbarrier.arrive $0xFFFF  }
0x12c: {  	p0 =	sne.s32 s0, $0x0;
	s0 =	rddreg [dreg:$0x3]  }
0x12d: {  	s0 =	sadd.s32 @!p0 $0x100000, s0  }
0x12e: {  	[sflag:s0] =	ssyncadd.tile.s32 @!p0 $0x1;
	_ =	shalt  }
.Lfunc_end2:
_tile_overlayer_lowered:
.L_overlay_start_2:
0x12f: {  	(tag) =	ssettag $0x2  }
0x130: {  	s0 =	rddreg [dreg:$0x0];
	s2 =	stileid.u32  }
0x131: {  	s1 =	rddreg [dreg:$0x1];
	p0 =	sne.s32 s2, $0x0  }
0x132: {  	s3 =	rddreg [dreg:$0x2];
	[bflag:$0x3] =	sbarrier.arrive $0xFFFF;
	s2 =	simm.s32 @!p0 $0x1C01  }
0x133: {  	[timem:s3], [sflag:s2] =	dma.local @!p0 [hbm:s0], s1  }
0x134: {  	s0 =	simm.s32 @!p0 $0x1  }
0x135: {  	_ =	swait.ge @!p0 [sflag:s0], s1  }
0x136: {  	s1 =	ssub.s32 @!p0 $0x0, s1;
	[sflag:s0] =	ssyncset.done @!p0 $0x0  }
0x137: {  	[sflag:s0] =	ssyncadd.s32 @!p0 s1  }
0x138: {  	[bflag:$0x3] =	sbarrier.arrive $0xFFFF  }
0x139: {  	_ =	shalt  }

// kernel: kernel.9.cloned.1.call-start
scs
__scs_entry_jumppad:
0x0: {  	(pc) =	sbr.rel $0x88, $3  }
0x1: {  	(tag) =	ssettag $0x0;
	lr =	simm.s32 $0x1  }
0x2: {  	[smem:$0x3F94] =	sst lr;
	_ =	strace $0xD0000000  }
0x3: {  	_ = 	snop  }
0x4: {  	_ = 	snop  }
0x5: {  	_ = 	snop  }
0x6: {  	_ = 	snop  }
0x7: {  	_ = 	snop  }
__scs_overlays_trampoline_lowered:
0x8: {  	[smem:$0x3FA3] =	sst s0  }
0x9: {  	[smem:$0x3FA4] =	sst s1  }
0xa: {  	[smem:$0x3FA5] =	sst s2  }
0xb: {  	[smem:$0x3FA6] =	sst s3  }
0xc: {  	[smem:$0x3FA7] =	sst s4  }
0xd: {  	[smem:$0x3FA8] =	sst s5  }
0xe: {  	[smem:$0x3FA9] =	sst s6  }
0xf: {  	[smem:$0x3FAA] =	sst s7  }
0x10: {  	[smem:$0x3FAB] =	sst s8  }
0x11: {  	[smem:$0x3FAC] =	sst s9;
	s0 =	simm.s32 @!p0 $0x0  }
0x12: {  	s1 =	sld [smem:$0x3F92];
	s0 =	simm.s32 @p0 $0x1  }
0x13: {  	[smem:$0x3FAD] =	sst s0;
	s0 =	simm.s32 @!p1 $0x0  }
0x14: {  	s2 =	sld [smem:$0x3F91];
	s0 =	simm.s32 @p1 $0x1  }
0x15: {  	[smem:$0x3FAE] =	sst s0;
	s0 =	simm.s32 @!p2 $0x0  }
0x16: {  	s3 =	sld [smem:$0x3FDB];
	s0 =	simm.s32 @p2 $0x1  }
0x17: {  	s4 =	simm.s32 $0x1BF5;
	[smem:$0x3FB0] =	sst s0  }
0x18: {  	s0 =	sld [smem:$0x3F93];
	_ =	swait.ge [sflag:s4], $0x0  }
0x19: {  	s7 =	sld [smem:$0x3F94]  }
0x1a: {  	s8 =	sadd.s32 $0xFFFFE003, lr  }
0x1b: {  	s9 =	sadd.s32 $0xFFFFFEF7, lr;
	s5 =	simm.s32 $0xFFFFFFFF;
	p2 =	slt.u32 s8, $0xFFFFF086  }
0x1c: {  	p1 =	slt.u32 s9, $0xF7A;
	s5 =	simm.s32 @!p2 $0x0  }
0x1d: {  	s5 =	simm.s32 @p1 $0x1;
	p0 =	seq.s32 s7, s2  }
0x1e: {  	s7 =	smul.u32 @!p0 $0xF7A, s2;
	p2 =	seq.s32 @!p0 s5, $0x0  }
0x1f: {  	s9 =	smul.u32 $0xF7A, s1;
	s8 =	simm.s32 @!p0 $0x1BF5;
	p2 =	por !p2, p0  }
0x20: {  	[sflag:s8] =	ssyncset.s32 @!p0 $0xFFFFF086;
	s6 =	sadd.s32 @!p0 s3, s7;
	s7 =	simm.s32 @!p0 $0x108  }
0x21: {  	s3 =	sadd.s32 s3, s9;
	s6 =	sadd.s32 @!p0 $0x88, s6;
	s7 =	simm.s32 @p2 $0x1082  }
0x22: {  	[simem:s7], [sflag:s8] =	dma.local @!p0 [hbm:s6], $0xF7A  }
0x23: {  	s9 =	sor.u32 $0xD0000000, s2;
	s6 =	simm.s32 $0x108;
	_ =	swait.ge @!p0 [sflag:s8], $0x0  }
0x24: {  	s3 =	sadd.s32 $0x88, s3;
	s6 =	simm.s32 @!p1 $0x1082;
	[sflag:s4] =	ssyncset.s32 $0xFFFFF086  }
0x25: {  	[simem:s6], [sflag:s4] =	dma.local [hbm:s3], $0xF7A  }
0x26: {  	[smem:$0x3F94] =	sst s1;
	(tag) =	ssettag s2;
	_ =	strace s9  }
0x27: {  	s1 =	sld [smem:$0x3FA4]  }
0x28: {  	s2 =	sld [smem:$0x3FA5]  }
0x29: {  	s4 =	sld [smem:$0x3FA7]  }
0x2a: {  	p0 =	seq.s32 s5, $0x0;
	s5 =	sld [smem:$0x3FA8]  }
0x2b: {  	s6 =	sld [smem:$0x3FA9]  }
0x2c: {  	s7 =	sld [smem:$0x3FAA]  }
0x2d: {  	s3 =	simm.s32 $0x108;
	s8 =	sld [smem:$0x3FAB]  }
0x2e: {  	s3 =	simm.s32 @!p0 $0x1082;
	s9 =	sld [smem:$0x3FAC]  }
0x2f: {  	lr =	sadd.s32 s0, s3;
	s0 =	sld [smem:$0x3FA3]  }
0x30: {  	s3 =	sld [smem:$0x3FA6]  }
0x31: {  	[smem:$0x3FAF] =	sst s10  }
0x32: {  	s10 =	sld [smem:$0x3FAD];
	_ =	sdelay $0x3  }
0x33: {  	p0 =	seq.s32 s10, $0x1;
	s10 =	sld [smem:$0x3FAF];
	_ =	sdelay $0x3  }
0x34: {  	[smem:$0x3FAF] =	sst s10  }
0x35: {  	s10 =	sld [smem:$0x3FAE];
	_ =	sdelay $0x3  }
0x36: {  	p1 =	seq.s32 s10, $0x1;
	s10 =	sld [smem:$0x3FAF];
	_ =	sdelay $0x3  }
0x37: {  	[smem:$0x3FAF] =	sst s10  }
0x38: {  	s10 =	sld [smem:$0x3FB0]  }
0x39: {  	_ = 	snop;
	(pc) =	sbr.ind lr, $3  }
0x3a: {  	_ = 	snop  }
0x3b: {  	_ = 	snop  }
0x3c: {  	p2 =	seq.s32 s10, $0x1;
	s10 =	sld [smem:$0x3FAF]  }
0x3d: {  	_ =	shalt  }
0x3e: {  	_ =	shalt  }
0x3f: {  	_ =	shalt  }
0x40: {  	_ =	shalt  }
0x41: {  	_ =	shalt  }
0x42: {  	_ =	shalt  }
0x43: {  	_ =	shalt  }
0x44: {  	_ =	shalt  }
0x45: {  	_ =	shalt  }
0x46: {  	_ =	shalt  }
0x47: {  	_ =	shalt  }
0x48: {  	_ =	shalt  }
0x49: {  	_ =	shalt  }
0x4a: {  	_ =	shalt  }
0x4b: {  	_ =	shalt  }
0x4c: {  	_ =	shalt  }
0x4d: {  	_ =	shalt  }
0x4e: {  	_ =	shalt  }
0x4f: {  	_ =	shalt  }
0x50: {  	_ =	shalt  }
0x51: {  	_ =	shalt  }
0x52: {  	_ =	shalt  }
0x53: {  	_ =	shalt  }
0x54: {  	_ =	shalt  }
0x55: {  	_ =	shalt  }
0x56: {  	_ =	shalt  }
0x57: {  	_ =	shalt  }
0x58: {  	_ =	shalt  }
0x59: {  	_ =	shalt  }
0x5a: {  	_ =	shalt  }
0x5b: {  	_ =	shalt  }
0x5c: {  	_ =	shalt  }
0x5d: {  	_ =	shalt  }
0x5e: {  	_ =	shalt  }
0x5f: {  	_ =	shalt  }
0x60: {  	_ =	shalt  }
0x61: {  	_ =	shalt  }
0x62: {  	_ =	shalt  }
0x63: {  	_ =	shalt  }
0x64: {  	_ =	shalt  }
0x65: {  	_ =	shalt  }
0x66: {  	_ =	shalt  }
0x67: {  	_ =	shalt  }
0x68: {  	_ =	shalt  }
0x69: {  	_ =	shalt  }
0x6a: {  	_ =	shalt  }
0x6b: {  	_ =	shalt  }
0x6c: {  	_ =	shalt  }
0x6d: {  	_ =	shalt  }
0x6e: {  	_ =	shalt  }
0x6f: {  	_ =	shalt  }
0x70: {  	_ =	shalt  }
0x71: {  	_ =	shalt  }
0x72: {  	_ =	shalt  }
0x73: {  	_ =	shalt  }
0x74: {  	_ =	shalt  }
0x75: {  	_ =	shalt  }
0x76: {  	_ =	shalt  }
0x77: {  	_ =	shalt  }
0x78: {  	_ =	shalt  }
0x79: {  	_ =	shalt  }
0x7a: {  	_ =	shalt  }
0x7b: {  	_ =	shalt  }
0x7c: {  	_ =	shalt  }
0x7d: {  	_ =	shalt  }
0x7e: {  	_ =	shalt  }
0x7f: {  	_ =	shalt  }
0x80: {  	_ =	shalt  }
0x81: {  	_ =	shalt  }
0x82: {  	_ =	shalt  }
0x83: {  	_ =	shalt  }
0x84: {  	_ =	shalt  }
0x85: {  	_ =	shalt  }
0x86: {  	_ =	shalt  }
0x87: {  	_ =	shalt  }
.Lfunc_end0:
.L_simem_size_0:
called_computation_lowered:
.L_overlay_start_0:
0x88: {  	s2 =	sld [smem:$0x3FD9]  }
0x89: {  	s3 =	sld [smem:$0x3FFE];
	_ =	sdelay $0x1  }
0x8a: {  	s1 =	srdreg.scid  }
0x8b: {  	s0 =	sand.u32 $0x1, s1  }
0x8c: {  	s17 =	sshll.u32 s0, $0xA;
	s2 =	sadd.s32 s3, s2  }
0x8d: {  	s2 =	sadd.s32 s2, s17  }
0x8e: {  	[smem:$0x3FBB] =	sst s2  }
0x8f: {  	_ = 	snop  }
0x90: {  	(tm) =	ssettm $0x1  }
0x91: {  	s18 =	sld [smem:$0x3FFB];
	_ =	sdelay $0x3  }
0x92: {  	_ =	strace s18  }
0x93: {  	s2 =	sld [smem:$0x3FFC];
	_ =	sdelay $0x3  }
0x94: {  	_ =	strace s2  }
0x95: {  	s2 =	sld [smem:$0x3FFD];
	_ =	sdelay $0x3  }
0x96: {  	_ =	strace s2  }
0x97: {  	_ =	strace $0x8FFFFFFF  }
0x98: {  	s19 =	sld [smem:$0x3FDB];
	_ =	sdelay $0x1  }
0x99: {  	s20 =	simm.s32 $_scs_section_size  }
0x9a: {  	s4 =	simm.s32 $_size__tile_overlayer_lowered;
	s5 =	simm.s32 $_tile_overlayer_lowered  }
0x9b: {  	s6 =	simm.s32 $0x1BFF;
	s21 =	sshll.u32 s5, $0x1;
	s3 =	sadd.s32 s20, s19  }
0x9c: {  	s22 =	simm.s32 $0x0;
	s4 =	sshll.u32 s4, $0x1;
	s5 =	sadd.s32 s21, s3  }
0x9d: {  	[timem:s22], [sflag:s6] =	dma.local [hbm:s5], s4  }
0x9e: {  	_ =	swait.ge [sflag:s6], s4  }
0x9f: {  	s4 =	ssub.s32 $0x0, s4;
	[sflag:s6] =	ssyncset.done $0x0  }
0xa0: {  	[sflag:s6] =	ssyncadd.s32 s4;
	_ =	sdelay $0x1  }
0xa1: {  	s23 =	simm.s32 $0x1B8B  }
0xa2: {  	_ =	swait.ge [sflag:s23], $0x1  }
0xa3: {  	[sflag:s23] =	ssyncset.done $0x0  }
0xa4: {  	[sflag:s23] =	ssyncadd.s32 $0xFFFFFFFF  }
0xa5: {  	s4 =	sld [smem:$0x0]  }
0xa6: {  	s5 =	sand.u32 $0xFFFFFFFE, s1  }
0xa7: {  	p0 =	sne.s32 s1, s5  }
0xa8: {  	s5 =	sshll.u32 @p0 s5, $0xE  }
0xa9: {  	s5 =	sadd.s32 @p0 $0x11B8D, s5;
	s6 =	sshll.u32 @p0 s4, $0x11  }
0xaa: {  	s5 =	sor.u32 @p0 s6, s5  }
0xab: {  	[sflag:s5] =	ssyncadd.remote.s32 @p0 $0x1;
	_ =	sdelay $0x1  }
0xac: {  	s5 =	simm.s32 @p0 $0x1B8D  }
0xad: {  	_ =	swait.eq @p0 [sflag:s5], $0x1  }
0xae: {  	[sflag:s5] =	ssyncadd.s32 @p0 $0xFFFFFFFF  }
0xaf: {  	s6 =	sshll.u32 @!p0 s1, $0xE  }
0xb0: {  	s6 =	sor.u32 @!p0 $0x4000, s6;
	s5 =	simm.s32 @!p0 $0x1B8D  }
0xb1: {  	s4 =	sshll.u32 @!p0 s4, $0x11;
	s6 =	sadd.s32 @!p0 $0x11B8D, s6;
	_ =	swait.eq @!p0 [sflag:s5], $0x1  }
0xb2: {  	s4 =	sor.u32 @!p0 s4, s6;
	[sflag:s5] =	ssyncadd.s32 @!p0 $0xFFFFFFFF  }
0xb3: {  	s25 =	simm.s32 $0x1B8E;
	s24 =	sld [smem:$0x3FFE];
	[sflag:s4] =	ssyncadd.remote.s32 @!p0 $0x1  }
0xb4: {  	s26 =	simm.s32 $execute0_lowered;
	[smem:$0x3FD2] =	sst s25  }
0xb5: {  	s5 =	sshll.u32 s26, $0x1;
	_ =	strace $0x8000004C;
	[dreg:$0x1] =	wrdreg $0xFFFFFFFF  }
0xb6: {  	s28 =	simm.s32 $_size_execute0_lowered;
	s3 =	sadd.s32 s3, s5;
	[dreg:$0x0] =	wrdreg $0x0  }
0xb7: {  	s5 =	sshll.u32 s28, $0x1;
	[dreg:$0x2] =	wrdreg s3  }
0xb8: {  	[dreg:$0x3] =	wrdreg s5  }
0xb9: {  	[dreg:$0x4] =	wrdreg $0xC0  }
0xba: {  	_ =	task [dreg:s22], $0x5FFFF  }
0xbb: {  	[dreg:$0x1] =	wrdreg $0xFFFFFFFF  }
0xbc: {  	[dreg:$0x0] =	wrdreg $0x60  }
0xbd: {  	[dreg:$0x2] =	wrdreg s24  }
0xbe: {  	[dreg:$0x3] =	wrdreg $0x78800  }
0xbf: {  	[dreg:$0x4] =	wrdreg $0x9  }
0xc0: {  	_ =	task.clear_ibuf [dreg:s22], $0x5FFFF;
	_ =	strace $0x9000004C  }
0xc1: {  	s29 =	simm.s32 $0x9;
	_ =	strace $0x8000004E  }
0xc2: {  	_ =	swait.ge [sflag:s29], $0x1  }
0xc3: {  	[sflag:s29] =	ssyncadd.s32 $0xFFFFFFFF  }
0xc4: {  	_ =	strace $0x9000004E  }
0xc5: {  	_ =	sfence  }
0xc6: {  	s30 =	sld [smem:$0x0];
	_ =	sdelay $0x2  }
0xc7: {  	s31 =	sshll.u32 s1, $0xD;
	s1 =	sshrl.u32 s1, $0x2  }
0xc8: {  	s4 =	sand.u32 $0x4000, s31;
	s1 =	sadd.s32 s1, s30  }
0xc9: {  	s0 =	sor.u32 s4, s0;
	s1 =	sshll.u32 s1, $0x11  }
0xca: {  	s0 =	sor.u32 s1, s0  }
0xcb: {  	s0 =	sadd.s32 $0x8F2B, s0  }
0xcc: {  	[sflag:s0] =	ssyncadd.remote.s32 $0x1  }
0xcd: {  	_ =	sfence.sel $0xFFFF  }
0xce: {  	[dreg:$0x0] =	wrdreg $0xFFFFFFFF;
	(pc) =	sbr.abs _section_cstart, $3  }
0xcf: {  	[dreg:$0x1] =	wrdreg $0xFFFFFFFF  }
0xd0: {  	_ =	task.clear_ibuf [dreg:s22], $0x2FFFF;
	_ =	strace $0x9FFFFFFF  }
0xd1: {  	(tm) =	ssettm $0x7FFFFFFF  }
tec
execute0_lowered:
.L_overlay_start_1:
0x0: {  	(tag) =	ssettag $0x1  }
0x1: {  	s6 =	rddreg [dreg:$0x0]  }
0x2: {  	s1 =	rddreg [dreg:$0x1]  }
0x3: {  	s0 =	rddreg [dreg:$0x2]  }
0x4: {  	s3 =	simm.s32 $0x0;
	s4 =	srdreg.scid;
	s2 =	stileid.u32  }
0x5: {  	s18 =	simm.s32 $0x80;
	s19 =	simm.s32 $0x28;
	s20 =	simm.s32 $0x1480  }
0x6: {  	s21 =	simm.s32 $0x0;
	[smem:$0x7FF] =	sst s3;
	s7 =	sand.u32 $0x1, s4  }
0x7: {  	s4 =	sadd.s32 $0x5E00, s6;
	s9 =	smul.u32 $0x50000, s2;
	s5 =	sadd.s32 $0xA83E00, s6  }
0x8: {  	s11 =	smul.u32 $0x14000, s2;
	s14 =	sadd.s32 $0xD44E00, s6;
	s29 =	sshll.u32 s2, $0x1  }
0x9: {  	_ =	strace $0x8000004D;
	s8 =	ssub.s32 $0x2, s7;
	s13 =	smul.u32 $0x140000, s7  }
0xa: {  	s31 =	sor.u32 s7, s29;
	s10 =	sshrl.u32 s8, $0x1;
	s30 =	sshrl.u32 s9, $0x2  }
0xb: {  	s12 =	sadd.s32 $0x5000, s11;
	s16 =	sadd.s32 $0xA000, s11;
	s17 =	sadd.s32 $0xF000, s11  }
0xc: {  	s15 =	ssub.s32 s8, s10;
	s6 =	sadd.s32 s30, s1;
	s7 =	sadd.s32 s12, s1  }
0xd: {  	s11 =	sadd.s32 s11, s13;
	s8 =	sadd.s32 s16, s1;
	s9 =	sadd.s32 s17, s1  }
0xe: {  	s10 =	smul.u32 $0x1388, s31;
	s12 =	sadd.s32 s13, s12;
	s16 =	sadd.s32 s13, s16  }
0xf: {  	s13 =	sadd.s32 s13, s17;
	s11 =	sshrl.u32 s11, $0x3;
	s12 =	sshrl.u32 s12, $0x3  }
0x10: {  	s16 =	sshrl.u32 s16, $0x3;
	s17 =	sshrl.u32 s13, $0x3;
	s15 =	smax.u32 s15, $0x1  }
0x11: {  	s11 =	sadd.s32 s14, s11;
	s12 =	sadd.s32 s14, s12;
	s13 =	sadd.s32 s14, s16  }
0x12: {  	v0 =	vimm.f32 $0.0e+00;
	v1 =	vimm.f32 $1.000000000e+00;
	s14 =	sadd.s32 s14, s17;
	s16 =	simm.s32 $0x2880;
	s17 =	simm.s32 $0x1  }
.LBB2_1:
0x13: {  	s22 =	simm.s32 $0x0;
	s23 =	simm.s32 $0x200  }
.LBB2_2:
0x14: {  	p0 =	sne.s32 s23, $0x13E00;
	[tilespmem:s22+$0x28F0] =	vst v0  }
0x15: {  	[tilespmem:s22+$0x2880] =	vst v0  }
0x16: {  	[tilespmem:s22+$0x2890] =	vst v0  }
.Ltmp0:
0x17: {  	[tilespmem:s22+$0x28A0] =	vst v0;
	(pc) =	sbr.rel @p0 .LBB2_2-.Ltmp0, $4  }
0x18: {  	[tilespmem:s22+$0x28B0] =	vst v0  }
0x19: {  	[tilespmem:s22+$0x28C0] =	vst v0  }
0x1a: {  	[tilespmem:s22+$0x28D0] =	vst v0  }
0x1b: {  	[tilespmem:s22+$0x28E0] =	vst v0;
	s22 =	sshra.s32 s23, $0x2;
	s23 =	sadd.s32 $0x200, s23  }
0x1c: {  	[tilespmem:s22+$0x28F0] =	vst v0  }
0x1d: {  	[tilespmem:s22+$0x2880] =	vst v0  }
0x1e: {  	[tilespmem:s22+$0x2890] =	vst v0  }
0x1f: {  	[tilespmem:s22+$0x28A0] =	vst v0  }
0x20: {  	[tilespmem:s22+$0x28B0] =	vst v0  }
0x21: {  	[tilespmem:s22+$0x28C0] =	vst v0  }
0x22: {  	[tilespmem:s22+$0x28D0] =	vst v0  }
0x23: {  	[tilespmem:s22+$0x28E0] =	vst v0  }
0x24: {  	[spmem:s6] =	stream.linear.scatter [tilespmem:s16], [sflag:$0x1], $0x5000, $0x38;
	[tilespmem:$0x1B880] =	vst v63  }
0x25: {  	_ =	swait.ge [sflag:s17], $0x5000  }
0x26: {  	[sflag:s17] =	ssyncset.done $0x0  }
0x27: {  	[sflag:s17] =	ssyncadd.s32 $0xFFFFB000  }
0x28: {  	[spmem:s7] =	stream.linear.scatter [tilespmem:s16], [sflag:$0x1], $0x5000, $0x38;
	[tilespmem:$0x1B880] =	vst v63  }
0x29: {  	_ =	swait.ge [sflag:s17], $0x5000  }
0x2a: {  	[sflag:s17] =	ssyncset.done $0x0  }
0x2b: {  	[sflag:s17] =	ssyncadd.s32 $0xFFFFB000  }
0x2c: {  	[spmem:s8] =	stream.linear.scatter [tilespmem:s16], [sflag:$0x1], $0x5000, $0x38;
	[tilespmem:$0x1B880] =	vst v63  }
0x2d: {  	_ =	swait.ge [sflag:s17], $0x5000  }
0x2e: {  	[sflag:s17] =	ssyncset.done $0x0  }
0x2f: {  	[sflag:s17] =	ssyncadd.s32 $0xFFFFB000  }
0x30: {  	[spmem:s9] =	stream.linear.scatter [tilespmem:s16], [sflag:$0x1], $0x5000, $0x38;
	[tilespmem:$0x1B880] =	vst v63  }
0x31: {  	_ =	swait.ge [sflag:s17], $0x5000  }
0x32: {  	[sflag:s17] =	ssyncset.done $0x0  }
0x33: {  	s22 =	simm.s32 $0x0;
	[sflag:s17] =	ssyncadd.s32 $0xFFFFB000  }
0x34: {  	[tilespmem:s22+$0x14F0] =	vst v0  }
0x35: {  	[tilespmem:s22+$0x14A0] =	vst v1  }
0x36: {  	[tilespmem:s22+$0x14B0] =	vst v0  }
0x37: {  	[tilespmem:s22+$0x14C0] =	vst v0  }
0x38: {  	s23 =	simm.s32 $0x200;
	[tilespmem:s22+$0x14D0] =	vst v0  }
.LBB2_4:
0x39: {  	p0 =	sne.s32 s23, $0x4E00;
	[tilespmem:s22+$0x14E0] =	vst v0;
	s22 =	sshra.s32 s23, $0x2;
	s23 =	sadd.s32 $0x200, s23  }
.Ltmp1:
0x3a: {  	[tilespmem:s22+$0x14F0] =	vst v0;
	(pc) =	sbr.rel @p0 .LBB2_4-.Ltmp1, $4  }
0x3b: {  	[tilespmem:s22+$0x14A0] =	vst v1  }
0x3c: {  	[tilespmem:s22+$0x14B0] =	vst v0  }
0x3d: {  	[tilespmem:s22+$0x14C0] =	vst v0  }
0x3e: {  	[tilespmem:s22+$0x14D0] =	vst v0  }
0x3f: {  	[tilespmem:s22+$0x14E0] =	vst v0  }
0x40: {  	s22 =	simm.s32 $0x0;
	s23 =	simm.s32 $0x0;
	[bflag:$0x0] =	sbarrier.arrive $0xFFFF  }
.LBB2_6:
0x41: {  	s24 =	smul.u32 $0x28, s23;
	_ =	sdelay $0x1  }
0x42: {  	s24 =	sadd.s32 s10, s24  }
0x43: {  	s25 =	sshrl.u32 s24, $0x3  }
0x44: {  	s25 =	sadd.s32 s4, s25  }
0x45: {  	[tilespmem:s22], [sflag:$0x1] =	stream.linear.gather [hbm4b:s25+s22], $0x28, $0x38;
	[tilespmem:$0x1B880] =	vst v63  }
0x46: {  	_ =	swait.ge [sflag:s17], $0x28  }
0x47: {  	s24 =	sshll.u32 s24, $0x4;
	[sflag:s17] =	ssyncset.done $0x0  }
0x48: {  	s24 =	sadd.s32 s5, s24;
	[sflag:s17] =	ssyncadd.s32 $0xFFFFFFD8  }
0x49: {  	[tilespmem:s18], [sflag:$0x1] =	stream.linear.gather [hbm4b:s24+s22], $0x1400, $0x38;
	[tilespmem:$0x1B880] =	vst v63  }
0x4a: {  	_ =	swait.ge [sflag:s17], $0x1400  }
0x4b: {  	[sflag:s17] =	ssyncset.done $0x0  }
0x4c: {  	s24 =	simm.s32 $0x0;
	[sflag:s17] =	ssyncadd.s32 $0xFFFFEC00  }
0x4d: {  	v2 =	vld [tilespmem:s24+$0x90]  }
0x4e: {  	s25 =	simm.s32 $0x200;
	v3 =	vld [tilespmem:s24+$0x80]  }
.LBB2_7:
0x4f: {  	p0 =	sne.s32 s25, $0x4E00  }
.Ltmp2:
0x50: {  	_ = 	snop;
	(pc) =	sbr.rel @p0 .LBB2_7-.Ltmp2, $4  }
0x51: {  	_ = 	snop  }
0x52: {  	s26 =	sshra.s32 s25, $0x2;
	s25 =	sadd.s32 $0x200, s25;
	[tilespmem:s24+$0x1490] =	vst v2  }
0x53: {  	v2 =	vld [tilespmem:s26+$0x90];
	[tilespmem:s24+$0x1480] =	vst v3;
	s24 =	smov.u32 s26  }
0x54: {  	v3 =	vld [tilespmem:s24+$0x80]  }
0x55: {  	_ =	sdelay $0x1  }
0x56: {  	s23 =	sadd.s32 $0x1, s23  }
0x57: {  	p0 =	sne.s32 s23, $0x7D;
	[tilespmem:s24+$0x1490] =	vst v2  }
.Ltmp3:
0x58: {  	[tilespmem:s24+$0x1480] =	vst v3;
	(pc) =	sbr.rel @p0 .LBB2_6-.Ltmp3, $4  }
0x59: {  	[spmem:s1] =	stream.indirect.scatter.add.f32 [tilespmem:s20], [sflag:$0x1], $0x80, s3, s19, $0xb8;
	[tilespmem:$0x1B880] =	vst v63  }
0x5a: {  	_ =	swait.ge [sflag:s17], $0x1400  }
0x5b: {  	[sflag:s17] =	ssyncset.done $0x0  }
0x5c: {  	[sflag:s17] =	ssyncadd.s32 $0xFFFFEC00  }
0x5d: {  	s22 =	sshll.u32 s2, $0x6  }
0x5e: {  	[bflag:$0x0] =	sbarrier.arrive $0xFFFF;
	s23 =	sshrl.u32 s6, $0x3;
	s22 =	sor.u32 $0x1C01, s22  }
0x5f: {  	[hbm:s11], [sflag:s22] =	dma.local [spmem:s23], $0xA00  }
0x60: {  	_ =	swait.ge [sflag:s17], $0xA00  }
0x61: {  	[sflag:s17] =	ssyncset.done $0x0  }
0x62: {  	s29 =	sshrl.u32 s7, $0x3;
	[sflag:s17] =	ssyncadd.s32 $0xFFFFF600  }
0x63: {  	[hbm:s12], [sflag:s22] =	dma.local [spmem:s29], $0xA00  }
0x64: {  	_ =	swait.ge [sflag:s17], $0xA00  }
0x65: {  	[sflag:s17] =	ssyncset.done $0x0  }
0x66: {  	s30 =	sshrl.u32 s8, $0x3;
	[sflag:s17] =	ssyncadd.s32 $0xFFFFF600  }
0x67: {  	[hbm:s13], [sflag:s22] =	dma.local [spmem:s30], $0xA00  }
0x68: {  	s21 =	sadd.s32 $0x1, s21;
	_ =	swait.ge [sflag:s17], $0xA00  }
0x69: {  	p0 =	sne.s32 s21, s15;
	[sflag:s17] =	ssyncset.done $0x0  }
.Ltmp4:
0x6a: {  	s31 =	sshrl.u32 s9, $0x3;
	[sflag:s17] =	ssyncadd.s32 $0xFFFFF600;
	(pc) =	sbr.rel @p0 .LBB2_1-.Ltmp4, $4  }
0x6b: {  	[hbm:s14], [sflag:s22] =	dma.local [spmem:s31], $0xA00  }
0x6c: {  	_ =	swait.ge [sflag:s17], $0xA00  }
0x6d: {  	[sflag:s17] =	ssyncset.done $0x0  }
0x6e: {  	[sflag:s17] =	ssyncadd.s32 $0xFFFFF600  }
0x6f: {  	_ =	sfence.sel $0x180000  }
0x70: {  	[bflag:$0x0] =	sbarrier.arrive $0xFFFF  }
0x71: {  	p0 =	sne.s32 s2, $0x0;
	_ =	strace $0x9000004D  }
0x72: {  	s0 =	sadd.s32 @!p0 $0x100000, s0;
	[bflag:$0x2] =	sbarrier.arrive $0xFFFF  }
0x73: {  	[sflag:s0] =	ssyncadd.tile.s32 @!p0 $0x1;
	_ =	shalt  }
.Lfunc_end2:
_tile_overlayer_lowered:
.L_overlay_start_2:
0x74: {  	(tag) =	ssettag $0x2  }
0x75: {  	s0 =	rddreg [dreg:$0x0];
	s2 =	stileid.u32  }
0x76: {  	s1 =	rddreg [dreg:$0x1];
	p0 =	sne.s32 s2, $0x0  }
0x77: {  	s3 =	rddreg [dreg:$0x2];
	[bflag:$0x3] =	sbarrier.arrive $0xFFFF;
	s2 =	simm.s32 @!p0 $0x1C01  }
0x78: {  	[timem:s3], [sflag:s2] =	dma.local @!p0 [hbm:s0], s1  }
0x79: {  	s0 =	simm.s32 @!p0 $0x1  }
0x7a: {  	_ =	swait.ge @!p0 [sflag:s0], s1  }
0x7b: {  	s1 =	ssub.s32 @!p0 $0x0, s1;
	[sflag:s0] =	ssyncset.done @!p0 $0x0  }
0x7c: {  	[sflag:s0] =	ssyncadd.s32 @!p0 s1  }
0x7d: {  	[bflag:$0x3] =	sbarrier.arrive $0xFFFF  }
0x7e: {  	_ =	shalt  }

</sc_bundles>
